<compile_context>
chip_gen: v7x
topology: tpu7x:2x2x1
jax: 0.10.2.dev20260603
libtpu: 0.0.44.dev20260713+nightly
codegen_flags: <defaults>
</compile_context>

<pallas_src>
import jax
import jax.numpy as jnp
from jax import lax
from jax.experimental import pallas as pl
from jax.experimental.pallas import tpu as pltpu
from jax.experimental.pallas import tpu_sc as plsc

N = 10000
D = 128
F2 = 64
LAT = 32
E = 320000
NC, NS = 2, 16
CH = 125
NCHT = E // CH
NCH = NCHT // NS
NACC = 10240
RPT = NACC // NS
ZR = 128
NBUF = 5
NWK = NC * NS
DEGC = NCHT // NWK
RB = 2000
GRID = N // RB


def _sc_mesh():
    return plsc.VectorSubcoreMesh(core_axis_name="c", subcore_axis_name="s")



def _deg_body(sd_hbm, out_hbm, dstv, onev, zbuf, acc, sem):
    c = lax.axis_index("c")
    s = lax.axis_index("s")
    wid = s * NC + c
    pltpu.sync_copy(sd_hbm.at[1, pl.ds(wid * DEGC, DEGC)], dstv)

    for i in range(7):
        onev[pl.ds(i * 16, 16)] = jnp.ones((16,), jnp.float32)
    onev[pl.ds(CH - 16, 16)] = jnp.ones((16,), jnp.float32)

    def _setzero(i, carry):
        zbuf[pl.ds(i * 16, 16)] = jnp.zeros((16,), jnp.float32)
        return carry

    lax.fori_loop(0, RPT // 16, _setzero, 0)
    pltpu.sync_copy(zbuf, acc.at[pl.ds(s * RPT, RPT)])
    plsc.subcore_barrier()

    def _chunk(j, carry):
        pltpu.async_copy(onev, acc.at[dstv.at[j]], sem, add=True)
        return carry

    lax.fori_loop(0, DEGC, _chunk, 0)

    def _drain(j, carry):
        pltpu.make_async_copy(onev, acc.at[dstv.at[0]], sem).wait()
        return carry

    lax.fori_loop(0, DEGC, _drain, 0)
    plsc.subcore_barrier()
    pltpu.sync_copy(acc.at[pl.ds(s * RPT, RPT)], out_hbm.at[c, pl.ds(s * RPT, RPT)])


def _deg_call(sd):
    f = pl.kernel(
        _deg_body,
        out_type=pltpu.HBM((NC, NACC), jnp.float32),
        mesh=_sc_mesh(),
        scratch_types=[
            pltpu.VMEM((DEGC, CH), jnp.int32),
            pltpu.VMEM((CH,), jnp.float32),
            pltpu.VMEM((RPT,), jnp.float32),
            pltpu.VMEM_SHARED((NACC,), jnp.float32),
            pltpu.SemaphoreType.DMA,
        ],
    )
    return f(sd)



def _make_scatter_body(H, from_spmem):
    def body(g_hbm, sd_hbm, out_hbm,
             srcv, dstv, rows, zbuf, acc, *rest):
        if from_spmem:
            gsp = rest[0]
            rest = rest[1:]
        gsem = list(rest[:NBUF])
        ssem = list(rest[NBUF:])
        c = lax.axis_index("c")
        s = lax.axis_index("s")
        pltpu.sync_copy(sd_hbm.at[0, pl.ds(s * NCH, NCH)], srcv)
        pltpu.sync_copy(sd_hbm.at[1, pl.ds(s * NCH, NCH)], dstv)

        if from_spmem:
            rpg = N // NS
            pltpu.sync_copy(g_hbm.at[c, pl.ds(s * rpg, rpg)],
                            gsp.at[pl.ds(s * rpg, rpg)])
            gref = gsp
        else:
            gref = g_hbm.at[c]

        K = NBUF // 2
        if not from_spmem:
            for b in range(K):
                pltpu.async_copy(gref.at[srcv.at[b]], rows.at[b], gsem[b])

        def _zrow(i, carry):
            for k in range(H // 16):
                zbuf[i, pl.ds(k * 16, 16)] = jnp.zeros((16,), jnp.float32)
            return carry

        lax.fori_loop(0, ZR, _zrow, 0)
        for r in range(RPT // ZR):
            pltpu.sync_copy(zbuf, acc.at[pl.ds(s * RPT + r * ZR, ZR)])
        plsc.subcore_barrier()

        for b in range(0 if from_spmem else K, NBUF):
            pltpu.async_copy(gref.at[srcv.at[b]], rows.at[b], gsem[b])

        def outer(j0, carry):
            for b in range(NBUF):
                j = j0 + b
                pltpu.make_async_copy(gref.at[srcv.at[0]], rows.at[b],
                                      gsem[b]).wait()
                pltpu.async_copy(rows.at[b], acc.at[dstv.at[j]],
                                 ssem[b], add=True)
            for b in range(NBUF):
                j = j0 + b
                pltpu.make_async_copy(rows.at[b], acc.at[dstv.at[0]],
                                      ssem[b]).wait()

                @pl.when(j + NBUF < NCH)
                def _fire(b=b, j=j):
                    pltpu.async_copy(gref.at[srcv.at[j + NBUF]],
                                     rows.at[b], gsem[b])
            return carry

        lax.fori_loop(0, NCH // NBUF, lambda i, cr: outer(i * NBUF, cr), 0)
        plsc.subcore_barrier()
        pltpu.sync_copy(acc.at[pl.ds(s * RPT, RPT)],
                        out_hbm.at[c, pl.ds(s * RPT, RPT)])

    return body


def _scatter_call(H, gs, sd, from_spmem=False):
    f = pl.kernel(
        _make_scatter_body(H, from_spmem),
        out_type=pltpu.HBM((NC, NACC, H), jnp.float32),
        mesh=_sc_mesh(),
        compiler_params=pltpu.CompilerParams(use_tc_tiling_on_sc=False),
        scratch_types=(
            [pltpu.VMEM((NCH, CH), jnp.int32),
             pltpu.VMEM((NCH, CH), jnp.int32),
             pltpu.VMEM((NBUF, CH, H), jnp.float32),
             pltpu.VMEM((ZR, H), jnp.float32),
             pltpu.VMEM_SHARED((NACC, H), jnp.float32)]
            + ([pltpu.VMEM_SHARED((N, H), jnp.float32)] if from_spmem else [])
            + [pltpu.SemaphoreType.DMA] * (2 * NBUF)
        ),
    )
    return f(gs, sd)



def _tc1_body(x_ref, wa_ref, wb_ref, d0_ref, d1_ref, gs_ref):
    dinv = lax.rsqrt(d0_ref[...] + d1_ref[...] + 1.0)
    x = x_ref[...]
    gs_ref[0] = jnp.dot(x, wa_ref[...],
                        preferred_element_type=jnp.float32) * dinv
    gs_ref[1] = jnp.dot(x, wb_ref[...],
                        preferred_element_type=jnp.float32) * dinv


def _tc1_call(x, W1a, W1b, d0, d1):
    return pl.pallas_call(
        _tc1_body,
        grid=(GRID,),
        in_specs=[
            pl.BlockSpec((RB, D), lambda i: (i, 0)),
            pl.BlockSpec((D, D // 2), lambda i: (0, 0)),
            pl.BlockSpec((D, D // 2), lambda i: (0, 0)),
            pl.BlockSpec((RB, 1), lambda i: (i, 0)),
            pl.BlockSpec((RB, 1), lambda i: (i, 0)),
        ],
        out_specs=pl.BlockSpec((NC, RB, D // 2), lambda i: (0, i, 0)),
        out_shape=jax.ShapeDtypeStruct((NC, N, D // 2), jnp.float32),
    )(x, W1a, W1b, d0, d1)


def _tc2_body(s1_ref, gs_ref, d0_ref, d1_ref, wmua_ref, wmub_ref,
              wlva_ref, wlvb_ref, b1a_ref, b1b_ref, g1s_ref):
    dinv = lax.rsqrt(d0_ref[...] + d1_ref[...] + 1.0)
    ha = jnp.maximum((s1_ref[0] + gs_ref[0]) * dinv + b1a_ref[...], 0.0)
    hb = jnp.maximum((s1_ref[1] + gs_ref[1]) * dinv + b1b_ref[...], 0.0)
    mm = jnp.dot(ha, wmua_ref[...], preferred_element_type=jnp.float32)
    mm += jnp.dot(hb, wmub_ref[...], preferred_element_type=jnp.float32)
    lv = jnp.dot(ha, wlva_ref[...], preferred_element_type=jnp.float32)
    lv += jnp.dot(hb, wlvb_ref[...], preferred_element_type=jnp.float32)
    g1s_ref[0] = mm * dinv
    g1s_ref[1] = lv * dinv


def _tc2_call(s1, gs, d0, d1, Wmua, Wmub, Wlva, Wlvb, b1a, b1b):
    return pl.pallas_call(
        _tc2_body,
        grid=(GRID,),
        in_specs=[
            pl.BlockSpec((NC, RB, D // 2), lambda i: (0, i, 0)),
            pl.BlockSpec((NC, RB, D // 2), lambda i: (0, i, 0)),
            pl.BlockSpec((RB, 1), lambda i: (i, 0)),
            pl.BlockSpec((RB, 1), lambda i: (i, 0)),
            pl.BlockSpec((D // 2, LAT), lambda i: (0, 0)),
            pl.BlockSpec((D // 2, LAT), lambda i: (0, 0)),
            pl.BlockSpec((D // 2, LAT), lambda i: (0, 0)),
            pl.BlockSpec((D // 2, LAT), lambda i: (0, 0)),
            pl.BlockSpec((1, D // 2), lambda i: (0, 0)),
            pl.BlockSpec((1, D // 2), lambda i: (0, 0)),
        ],
        out_specs=pl.BlockSpec((NC, RB, F2 // 2), lambda i: (0, i, 0)),
        out_shape=jax.ShapeDtypeStruct((NC, N, F2 // 2), jnp.float32),
    )(s1, gs, d0, d1, Wmua, Wmub, Wlva, Wlvb, b1a, b1b)


def _tc3_body(s2_ref, g1s_ref, d0_ref, d1_ref, bmu_ref, blv_ref, eps_ref,
              z_ref, mu_ref, lv_ref):
    dinv = lax.rsqrt(d0_ref[...] + d1_ref[...] + 1.0)
    mu = (s2_ref[0] + g1s_ref[0]) * dinv + bmu_ref[...]
    lv = (s2_ref[1] + g1s_ref[1]) * dinv + blv_ref[...]
    mu_ref[...] = mu
    lv_ref[...] = lv
    z_ref[...] = mu + eps_ref[...] * jnp.exp(0.5 * lv)


def _tc3_call(s2, g1s, d0, d1, bmur, blvr, eps):
    return pl.pallas_call(
        _tc3_body,
        grid=(GRID,),
        in_specs=[
            pl.BlockSpec((NC, RB, F2 // 2), lambda i: (0, i, 0)),
            pl.BlockSpec((NC, RB, F2 // 2), lambda i: (0, i, 0)),
            pl.BlockSpec((RB, 1), lambda i: (i, 0)),
            pl.BlockSpec((RB, 1), lambda i: (i, 0)),
            pl.BlockSpec((1, LAT), lambda i: (0, 0)),
            pl.BlockSpec((1, LAT), lambda i: (0, 0)),
            pl.BlockSpec((RB, LAT), lambda i: (i, 0)),
        ],
        out_specs=[
            pl.BlockSpec((RB, LAT), lambda i: (i, 0)),
            pl.BlockSpec((RB, LAT), lambda i: (i, 0)),
            pl.BlockSpec((RB, LAT), lambda i: (i, 0)),
        ],
        out_shape=[
            jax.ShapeDtypeStruct((N, LAT), jnp.float32),
            jax.ShapeDtypeStruct((N, LAT), jnp.float32),
            jax.ShapeDtypeStruct((N, LAT), jnp.float32),
        ],
    )(s2, g1s, d0, d1, bmur, blvr, eps)



def kernel(user_x, item_x, edge_index, W1, b1, Wmu, bmu, Wlv, blv, eps):
    x = jnp.concatenate([user_x, item_x], axis=0)
    sd = edge_index.astype(jnp.int32).reshape(2, NCHT, CH)

    degp = _deg_call(sd)
    d0 = degp[0][:N, None]
    d1 = degp[1][:N, None]

    gs = _tc1_call(x, W1[:, :D // 2], W1[:, D // 2:], d0, d1)
    s1 = _scatter_call(D // 2, gs, sd)

    g1s = _tc2_call(s1, gs, d0, d1,
                    Wmu[:D // 2], Wmu[D // 2:], Wlv[:D // 2], Wlv[D // 2:],
                    b1[:D // 2].reshape(1, -1), b1[D // 2:].reshape(1, -1))
    s2 = _scatter_call(F2 // 2, g1s, sd)

    z, mu, lv = _tc3_call(s2, g1s, d0, d1,
                          bmu.reshape(1, LAT), blv.reshape(1, LAT), eps)
    return (z, mu, lv)

# --- scband reference (transcript-rebuilt; emitter-appended) ---
"""Pipeline reference for scband-vgae-26061861552453 (READ-ONLY COPY).

The authoritative reference and input builder live on the scoring server;
editing this copy changes nothing except your own understanding.
"""

import jax, jax.numpy as jnp
import numpy as np

N_USERS = 5000
N_ITEMS = 5000
N = N_USERS + N_ITEMS
E = 320000
D = 128
H = 128
L = 32


def gcn_conv(x, edge_index, W, b):
    # GCNConv with added self-loops and symmetric normalization (PyG semantics)
    n = x.shape[0]
    loop = jnp.arange(n, dtype=edge_index.dtype)
    src = jnp.concatenate([edge_index[0], loop])
    dst = jnp.concatenate([edge_index[1], loop])
    deg = jax.ops.segment_sum(jnp.ones(src.shape[0], dtype=x.dtype), dst, num_segments=n)
    dinv = jnp.where(deg > 0, deg ** -0.5, 0.0)
    norm = dinv[src] * dinv[dst]
    h = x @ W
    msg = h[src] * norm[:, None]
    out = jax.ops.segment_sum(msg, dst, num_segments=n)
    return out + b


def setup_inputs(seed: int = 0) -> dict:
    key = jax.random.key(seed)
    ks = jax.random.split(key, 10)
    user_x = jax.random.normal(ks[0], (N_USERS, D), dtype=jnp.float32)
    item_x = jax.random.normal(ks[1], (N_ITEMS, D), dtype=jnp.float32)
    edge_index = jax.random.randint(ks[2], (2, E), 0, N, dtype=jnp.int64)
    W1 = jax.random.normal(ks[3], (D, H), dtype=jnp.float32) / np.sqrt(D)
    b1 = jnp.zeros((H,), dtype=jnp.float32)
    Wmu = jax.random.normal(ks[4], (H, L), dtype=jnp.float32) / np.sqrt(H)
    bmu = jnp.zeros((L,), dtype=jnp.float32)
    Wlv = jax.random.normal(ks[5], (H, L), dtype=jnp.float32) / np.sqrt(H)
    blv = jnp.zeros((L,), dtype=jnp.float32)
    eps = jax.random.normal(ks[6], (N, L), dtype=jnp.float32)
    return {"user_x": user_x, "item_x": item_x, "edge_index": edge_index,
            "W1": W1, "b1": b1, "Wmu": Wmu, "bmu": bmu, "Wlv": Wlv, "blv": blv,
            "eps": eps}


def reference(user_x, item_x, edge_index, W1, b1, Wmu, bmu, Wlv, blv, eps):
    # emb_linear_transform is disabled (user_in == item_in == hidden), so no linear projections
    x = jnp.concatenate([user_x, item_x], axis=0)
    h = jax.nn.relu(gcn_conv(x, edge_index, W1, b1))
    mu = gcn_conv(h, edge_index, Wmu, bmu)
    logvar = gcn_conv(h, edge_index, Wlv, blv)
    std = jnp.exp(0.5 * logvar)
    z = mu + eps * std  # reparameterization with fixed noise eps
    return (z, mu, logvar)

if __name__ == "__main__":
    import jax
    _d = setup_inputs()
    print(jax.jit(kernel)(*tuple(_d.values())))

</pallas_src>

<mosaic_0001>
#map = affine_map<(d0, d1) -> (0, 0, 0)>
module attributes {stable_mosaic.version = 14 : i64} {
  func.func @body(%arg0: i32, %arg1: i32, %arg2: memref<2x10000x32xf32, #tpu.memory_space<hbm>>, %arg3: memref<2x2560x125xi32, #tpu.memory_space<hbm>>, %arg4: memref<2x10240x32xf32, #tpu.memory_space<hbm>>, %arg5: memref<160x125xi32, #tpu.memory_space<vmem>>, %arg6: memref<160x125xi32, #tpu.memory_space<vmem>>, %arg7: memref<5x125x32xf32, #tpu.memory_space<vmem>>, %arg8: memref<128x32xf32, #tpu.memory_space<vmem>>, %arg9: memref<10240x32xf32, #tpu.memory_space<vmem_shared>>, %arg10: memref<!tpu.dma_semaphore, #tpu.memory_space<semaphore_mem>>, %arg11: memref<!tpu.dma_semaphore, #tpu.memory_space<semaphore_mem>>, %arg12: memref<!tpu.dma_semaphore, #tpu.memory_space<semaphore_mem>>, %arg13: memref<!tpu.dma_semaphore, #tpu.memory_space<semaphore_mem>>, %arg14: memref<!tpu.dma_semaphore, #tpu.memory_space<semaphore_mem>>, %arg15: memref<!tpu.dma_semaphore, #tpu.memory_space<semaphore_mem>>, %arg16: memref<!tpu.dma_semaphore, #tpu.memory_space<semaphore_mem>>, %arg17: memref<!tpu.dma_semaphore, #tpu.memory_space<semaphore_mem>>, %arg18: memref<!tpu.dma_semaphore, #tpu.memory_space<semaphore_mem>>, %arg19: memref<!tpu.dma_semaphore, #tpu.memory_space<semaphore_mem>>) attributes {dimension_semantics = [#tpu.dimension_semantics<core_parallel>, #tpu.dimension_semantics<subcore_parallel>], iteration_bounds = array<i64: 2, 16>, scalar_prefetch = 0 : i64, scratch_operands = 15 : i64, tpu.core_type = #tpu.core_type<sc_vector_subcore>, window_params = [{transform_indices = #map}, {transform_indices = #map}, {transform_indices = #map}]} {
    %mul3A = arith.constant 160 : i32
    %mul3A_0 = arith.muli %arg1, %mul3A : i32
    %run_scoped3A = arith.constant 0 : i32
    "tpu.region"() ({
      %run_scoped3A_118 = tpu.sem_alloc : memref<!tpu.dma_semaphore, #tpu.memory_space<semaphore_mem>>
      %dma_start3A_119 = arith.constant 0 : i32
      %dma_start3A_120 = tpu.memref_slice %arg3[%run_scoped3A, %mul3A_0, %dma_start3A_119] : memref<2x2560x125xi32, #tpu.memory_space<hbm>> -> memref<1x160x125xi32, #tpu.memory_space<hbm>>
      %dma_start3A_121 = tpu.memref_squeeze %dma_start3A_120 : memref<1x160x125xi32, #tpu.memory_space<hbm>> -> memref<160x125xi32, #tpu.memory_space<hbm>>
      %dma_start3A_122 = arith.constant 0 : i32
      %dma_start3A_123 = tpu.memref_slice %arg3[%run_scoped3A, %mul3A_0, %dma_start3A_122] : memref<2x2560x125xi32, #tpu.memory_space<hbm>> -> memref<1x160x125xi32, #tpu.memory_space<hbm>>
      %dma_start3A_124 = tpu.memref_squeeze %dma_start3A_123 : memref<1x160x125xi32, #tpu.memory_space<hbm>> -> memref<160x125xi32, #tpu.memory_space<hbm>>
      tpu.enqueue_dma source(%dma_start3A_124 : memref<160x125xi32, #tpu.memory_space<hbm>>) target(%arg5 : memref<160x125xi32, #tpu.memory_space<vmem>>) target_semaphore(%run_scoped3A_118 : memref<!tpu.dma_semaphore, #tpu.memory_space<semaphore_mem>>)
      %dma_wait3A = arith.constant 0 : i32
      %dma_wait3A_125 = tpu.memref_slice %arg3[%run_scoped3A, %mul3A_0, %dma_wait3A] : memref<2x2560x125xi32, #tpu.memory_space<hbm>> -> memref<1x160x125xi32, #tpu.memory_space<hbm>>
      %dma_wait3A_126 = tpu.memref_squeeze %dma_wait3A_125 : memref<1x160x125xi32, #tpu.memory_space<hbm>> -> memref<160x125xi32, #tpu.memory_space<hbm>>
      %dma_wait3A_127 = arith.constant 0 : i32
      %dma_wait3A_128 = tpu.memref_slice %arg3[%run_scoped3A, %mul3A_0, %dma_wait3A_127] : memref<2x2560x125xi32, #tpu.memory_space<hbm>> -> memref<1x160x125xi32, #tpu.memory_space<hbm>>
      %dma_wait3A_129 = tpu.memref_squeeze %dma_wait3A_128 : memref<1x160x125xi32, #tpu.memory_space<hbm>> -> memref<160x125xi32, #tpu.memory_space<hbm>>
      tpu.wait_dma2 semaphore(%run_scoped3A_118 : memref<!tpu.dma_semaphore, #tpu.memory_space<semaphore_mem>>) src(%dma_wait3A_129 : memref<160x125xi32, #tpu.memory_space<hbm>>) dst(%arg5 : memref<160x125xi32, #tpu.memory_space<vmem>>)
      tpu.yield
    }) : () -> ()
    %mul3A_1 = arith.constant 160 : i32
    %mul3A_2 = arith.muli %arg1, %mul3A_1 : i32
    %run_scoped3A_3 = arith.constant 1 : i32
    "tpu.region"() ({
      %run_scoped3A_118 = tpu.sem_alloc : memref<!tpu.dma_semaphore, #tpu.memory_space<semaphore_mem>>
      %dma_start3A_119 = arith.constant 0 : i32
      %dma_start3A_120 = tpu.memref_slice %arg3[%run_scoped3A_3, %mul3A_2, %dma_start3A_119] : memref<2x2560x125xi32, #tpu.memory_space<hbm>> -> memref<1x160x125xi32, #tpu.memory_space<hbm>>
      %dma_start3A_121 = tpu.memref_squeeze %dma_start3A_120 : memref<1x160x125xi32, #tpu.memory_space<hbm>> -> memref<160x125xi32, #tpu.memory_space<hbm>>
      %dma_start3A_122 = arith.constant 0 : i32
      %dma_start3A_123 = tpu.memref_slice %arg3[%run_scoped3A_3, %mul3A_2, %dma_start3A_122] : memref<2x2560x125xi32, #tpu.memory_space<hbm>> -> memref<1x160x125xi32, #tpu.memory_space<hbm>>
      %dma_start3A_124 = tpu.memref_squeeze %dma_start3A_123 : memref<1x160x125xi32, #tpu.memory_space<hbm>> -> memref<160x125xi32, #tpu.memory_space<hbm>>
      tpu.enqueue_dma source(%dma_start3A_124 : memref<160x125xi32, #tpu.memory_space<hbm>>) target(%arg6 : memref<160x125xi32, #tpu.memory_space<vmem>>) target_semaphore(%run_scoped3A_118 : memref<!tpu.dma_semaphore, #tpu.memory_space<semaphore_mem>>)
      %dma_wait3A = arith.constant 0 : i32
      %dma_wait3A_125 = tpu.memref_slice %arg3[%run_scoped3A_3, %mul3A_2, %dma_wait3A] : memref<2x2560x125xi32, #tpu.memory_space<hbm>> -> memref<1x160x125xi32, #tpu.memory_space<hbm>>
      %dma_wait3A_126 = tpu.memref_squeeze %dma_wait3A_125 : memref<1x160x125xi32, #tpu.memory_space<hbm>> -> memref<160x125xi32, #tpu.memory_space<hbm>>
      %dma_wait3A_127 = arith.constant 0 : i32
      %dma_wait3A_128 = tpu.memref_slice %arg3[%run_scoped3A_3, %mul3A_2, %dma_wait3A_127] : memref<2x2560x125xi32, #tpu.memory_space<hbm>> -> memref<1x160x125xi32, #tpu.memory_space<hbm>>
      %dma_wait3A_129 = tpu.memref_squeeze %dma_wait3A_128 : memref<1x160x125xi32, #tpu.memory_space<hbm>> -> memref<160x125xi32, #tpu.memory_space<hbm>>
      tpu.wait_dma2 semaphore(%run_scoped3A_118 : memref<!tpu.dma_semaphore, #tpu.memory_space<semaphore_mem>>) src(%dma_wait3A_129 : memref<160x125xi32, #tpu.memory_space<hbm>>) dst(%arg6 : memref<160x125xi32, #tpu.memory_space<vmem>>)
      tpu.yield
    }) : () -> ()
    %dma_start3A = arith.constant 0 : i32
    %dma_start3A_4 = arith.constant 0 : i32
    %dma_start3A_5 = arith.constant 0 : i32
    %dma_start3A_6 = arith.constant 0 : i32
    %dma_start3A_7 = tpu.memref_slice %arg7[%dma_start3A_4, %dma_start3A_5, %dma_start3A_6] : memref<5x125x32xf32, #tpu.memory_space<vmem>> -> memref<1x125x32xf32, #tpu.memory_space<vmem>>
    %dma_start3A_8 = tpu.memref_squeeze %dma_start3A_7 : memref<1x125x32xf32, #tpu.memory_space<vmem>> -> memref<125x32xf32, #tpu.memory_space<vmem>>
    %dma_start3A_9 = arith.constant 0 : i32
    %dma_start3A_10 = tpu.memref_slice %arg5[%dma_start3A, %dma_start3A_9] : memref<160x125xi32, #tpu.memory_space<vmem>> -> memref<1x125xi32, #tpu.memory_space<vmem>>
    %dma_start3A_11 = tpu.memref_squeeze %dma_start3A_10 : memref<1x125xi32, #tpu.memory_space<vmem>> -> memref<125xi32, #tpu.memory_space<vmem>>
    %dma_start3A_12 = arith.constant 0 : i32
    %dma_start3A_13 = arith.constant 0 : i32
    %dma_start3A_14 = tpu.memref_slice %arg2[%arg0, %dma_start3A_12, %dma_start3A_13] : memref<2x10000x32xf32, #tpu.memory_space<hbm>> -> memref<1x10000x32xf32, #tpu.memory_space<hbm>>
    %dma_start3A_15 = tpu.memref_squeeze %dma_start3A_14 : memref<1x10000x32xf32, #tpu.memory_space<hbm>> -> memref<10000x32xf32, #tpu.memory_space<hbm>>
    %dma_start3A_16 = arith.constant 0 : i32
    %dma_start3A_17 = arith.constant 0 : i32
    %dma_start3A_18 = tpu.memref_slice %dma_start3A_15[%dma_start3A_16, %dma_start3A_17] : memref<10000x32xf32, #tpu.memory_space<hbm>> -> memref<10000x32xf32, #tpu.memory_space<hbm>>
    tpu.enqueue_indirect_dma source(%dma_start3A_18 : memref<10000x32xf32, #tpu.memory_space<hbm>>) target(%dma_start3A_8 : memref<125x32xf32, #tpu.memory_space<vmem>>) offsets(%dma_start3A_11 : memref<125xi32, #tpu.memory_space<vmem>>) semaphore(%arg10 : memref<!tpu.dma_semaphore, #tpu.memory_space<semaphore_mem>>)
    %dma_start3A_19 = arith.constant 1 : i32
    %dma_start3A_20 = arith.constant 1 : i32
    %dma_start3A_21 = arith.constant 0 : i32
    %dma_start3A_22 = arith.constant 0 : i32
    %dma_start3A_23 = tpu.memref_slice %arg7[%dma_start3A_20, %dma_start3A_21, %dma_start3A_22] : memref<5x125x32xf32, #tpu.memory_space<vmem>> -> memref<1x125x32xf32, #tpu.memory_space<vmem>>
    %dma_start3A_24 = tpu.memref_squeeze %dma_start3A_23 : memref<1x125x32xf32, #tpu.memory_space<vmem>> -> memref<125x32xf32, #tpu.memory_space<vmem>>
    %dma_start3A_25 = arith.constant 0 : i32
    %dma_start3A_26 = tpu.memref_slice %arg5[%dma_start3A_19, %dma_start3A_25] : memref<160x125xi32, #tpu.memory_space<vmem>> -> memref<1x125xi32, #tpu.memory_space<vmem>>
    %dma_start3A_27 = tpu.memref_squeeze %dma_start3A_26 : memref<1x125xi32, #tpu.memory_space<vmem>> -> memref<125xi32, #tpu.memory_space<vmem>>
    %dma_start3A_28 = arith.constant 0 : i32
    %dma_start3A_29 = arith.constant 0 : i32
    %dma_start3A_30 = tpu.memref_slice %arg2[%arg0, %dma_start3A_28, %dma_start3A_29] : memref<2x10000x32xf32, #tpu.memory_space<hbm>> -> memref<1x10000x32xf32, #tpu.memory_space<hbm>>
    %dma_start3A_31 = tpu.memref_squeeze %dma_start3A_30 : memref<1x10000x32xf32, #tpu.memory_space<hbm>> -> memref<10000x32xf32, #tpu.memory_space<hbm>>
    %dma_start3A_32 = arith.constant 0 : i32
    %dma_start3A_33 = arith.constant 0 : i32
    %dma_start3A_34 = tpu.memref_slice %dma_start3A_31[%dma_start3A_32, %dma_start3A_33] : memref<10000x32xf32, #tpu.memory_space<hbm>> -> memref<10000x32xf32, #tpu.memory_space<hbm>>
    tpu.enqueue_indirect_dma source(%dma_start3A_34 : memref<10000x32xf32, #tpu.memory_space<hbm>>) target(%dma_start3A_24 : memref<125x32xf32, #tpu.memory_space<vmem>>) offsets(%dma_start3A_27 : memref<125xi32, #tpu.memory_space<vmem>>) semaphore(%arg11 : memref<!tpu.dma_semaphore, #tpu.memory_space<semaphore_mem>>)
    %scan3A = arith.constant 0 : i32
    %scan3A_35 = arith.constant 0 : i32
    %scan3A_36 = arith.constant 128 : i32
    %scan3A_37 = arith.addi %scan3A_35, %scan3A_36 : i32
    %scan3A_38 = arith.constant 1 : i32
    scf.for %scan3A_118 = %scan3A_35 to %scan3A_37 step %scan3A_38  : i32 {
      %broadcast_in_dim3A = arith.constant 0.000000e+00 : f32
      %broadcast_in_dim3A_119 = vector.broadcast %broadcast_in_dim3A : f32 to vector<16xf32>
      %swap3A = arith.index_cast %scan3A_118 : i32 to index
      %swap3A_120 = arith.constant 0 : index
      %swap3A_121 = tpu.vector_load %arg8[%swap3A, %swap3A_120] {strides = array<i32>} : memref<128x32xf32, #tpu.memory_space<vmem>>, vector<1x16xf32>,
      %swap3A_122 = vector.shape_cast %swap3A_121 : vector<1x16xf32> to vector<16xf32>
      %swap3A_123 = vector.shape_cast %broadcast_in_dim3A_119 : vector<16xf32> to vector<1x16xf32>
      tpu.vector_store %arg8[%swap3A, %swap3A_120], %swap3A_123 {strides = array<i32>} : memref<128x32xf32, #tpu.memory_space<vmem>>, vector<1x16xf32>,
      %broadcast_in_dim3A_124 = arith.constant 0.000000e+00 : f32
      %broadcast_in_dim3A_125 = vector.broadcast %broadcast_in_dim3A_124 : f32 to vector<16xf32>
      %swap3A_126 = arith.index_cast %scan3A_118 : i32 to index
      %swap3A_127 = arith.constant 16 : index
      %swap3A_128 = tpu.vector_load %arg8[%swap3A_126, %swap3A_127] {strides = array<i32>} : memref<128x32xf32, #tpu.memory_space<vmem>>, vector<1x16xf32>,
      %swap3A_129 = vector.shape_cast %swap3A_128 : vector<1x16xf32> to vector<16xf32>
      %swap3A_130 = vector.shape_cast %broadcast_in_dim3A_125 : vector<16xf32> to vector<1x16xf32>
      tpu.vector_store %arg8[%swap3A_126, %swap3A_127], %swap3A_130 {strides = array<i32>} : memref<128x32xf32, #tpu.memory_space<vmem>>, vector<1x16xf32>,
    }
    %scan3A_39 = arith.constant 128 : i32
    %mul3A_40 = arith.constant 640 : i32
    %mul3A_41 = arith.muli %arg1, %mul3A_40 : i32
    %add3A = arith.constant 0 : i32
    %add3A_42 = arith.addi %mul3A_41, %add3A : i32
    "tpu.region"() ({
      %run_scoped3A_118 = tpu.sem_alloc : memref<!tpu.dma_semaphore, #tpu.memory_space<semaphore_mem>>
      %dma_start3A_119 = arith.constant 0 : i32
      %dma_start3A_120 = tpu.memref_slice %arg9[%add3A_42, %dma_start3A_119] : memref<10240x32xf32, #tpu.memory_space<vmem_shared>> -> memref<128x32xf32, #tpu.memory_space<vmem_shared>>
      %dma_start3A_121 = arith.constant 0 : i32
      %dma_start3A_122 = tpu.memref_slice %arg9[%add3A_42, %dma_start3A_121] : memref<10240x32xf32, #tpu.memory_space<vmem_shared>> -> memref<128x32xf32, #tpu.memory_space<vmem_shared>>
      tpu.enqueue_dma source(%arg8 : memref<128x32xf32, #tpu.memory_space<vmem>>) target(%dma_start3A_122 : memref<128x32xf32, #tpu.memory_space<vmem_shared>>) target_semaphore(%run_scoped3A_118 : memref<!tpu.dma_semaphore, #tpu.memory_space<semaphore_mem>>)
      %dma_wait3A = arith.constant 0 : i32
      %dma_wait3A_123 = tpu.memref_slice %arg9[%add3A_42, %dma_wait3A] : memref<10240x32xf32, #tpu.memory_space<vmem_shared>> -> memref<128x32xf32, #tpu.memory_space<vmem_shared>>
      %dma_wait3A_124 = arith.constant 0 : i32
      %dma_wait3A_125 = tpu.memref_slice %arg9[%add3A_42, %dma_wait3A_124] : memref<10240x32xf32, #tpu.memory_space<vmem_shared>> -> memref<128x32xf32, #tpu.memory_space<vmem_shared>>
      tpu.wait_dma2 semaphore(%run_scoped3A_118 : memref<!tpu.dma_semaphore, #tpu.memory_space<semaphore_mem>>) src(%arg8 : memref<128x32xf32, #tpu.memory_space<vmem>>) dst(%dma_wait3A_125 : memref<128x32xf32, #tpu.memory_space<vmem_shared>>)
      tpu.yield
    }) : () -> ()
    %mul3A_43 = arith.constant 640 : i32
    %mul3A_44 = arith.muli %arg1, %mul3A_43 : i32
    %add3A_45 = arith.constant 128 : i32
    %add3A_46 = arith.addi %mul3A_44, %add3A_45 : i32
    "tpu.region"() ({
      %run_scoped3A_118 = tpu.sem_alloc : memref<!tpu.dma_semaphore, #tpu.memory_space<semaphore_mem>>
      %dma_start3A_119 = arith.constant 0 : i32
      %dma_start3A_120 = tpu.memref_slice %arg9[%add3A_46, %dma_start3A_119] : memref<10240x32xf32, #tpu.memory_space<vmem_shared>> -> memref<128x32xf32, #tpu.memory_space<vmem_shared>>
      %dma_start3A_121 = arith.constant 0 : i32
      %dma_start3A_122 = tpu.memref_slice %arg9[%add3A_46, %dma_start3A_121] : memref<10240x32xf32, #tpu.memory_space<vmem_shared>> -> memref<128x32xf32, #tpu.memory_space<vmem_shared>>
      tpu.enqueue_dma source(%arg8 : memref<128x32xf32, #tpu.memory_space<vmem>>) target(%dma_start3A_122 : memref<128x32xf32, #tpu.memory_space<vmem_shared>>) target_semaphore(%run_scoped3A_118 : memref<!tpu.dma_semaphore, #tpu.memory_space<semaphore_mem>>)
      %dma_wait3A = arith.constant 0 : i32
      %dma_wait3A_123 = tpu.memref_slice %arg9[%add3A_46, %dma_wait3A] : memref<10240x32xf32, #tpu.memory_space<vmem_shared>> -> memref<128x32xf32, #tpu.memory_space<vmem_shared>>
      %dma_wait3A_124 = arith.constant 0 : i32
      %dma_wait3A_125 = tpu.memref_slice %arg9[%add3A_46, %dma_wait3A_124] : memref<10240x32xf32, #tpu.memory_space<vmem_shared>> -> memref<128x32xf32, #tpu.memory_space<vmem_shared>>
      tpu.wait_dma2 semaphore(%run_scoped3A_118 : memref<!tpu.dma_semaphore, #tpu.memory_space<semaphore_mem>>) src(%arg8 : memref<128x32xf32, #tpu.memory_space<vmem>>) dst(%dma_wait3A_125 : memref<128x32xf32, #tpu.memory_space<vmem_shared>>)
      tpu.yield
    }) : () -> ()
    %mul3A_47 = arith.constant 640 : i32
    %mul3A_48 = arith.muli %arg1, %mul3A_47 : i32
    %add3A_49 = arith.constant 256 : i32
    %add3A_50 = arith.addi %mul3A_48, %add3A_49 : i32
    "tpu.region"() ({
      %run_scoped3A_118 = tpu.sem_alloc : memref<!tpu.dma_semaphore, #tpu.memory_space<semaphore_mem>>
      %dma_start3A_119 = arith.constant 0 : i32
      %dma_start3A_120 = tpu.memref_slice %arg9[%add3A_50, %dma_start3A_119] : memref<10240x32xf32, #tpu.memory_space<vmem_shared>> -> memref<128x32xf32, #tpu.memory_space<vmem_shared>>
      %dma_start3A_121 = arith.constant 0 : i32
      %dma_start3A_122 = tpu.memref_slice %arg9[%add3A_50, %dma_start3A_121] : memref<10240x32xf32, #tpu.memory_space<vmem_shared>> -> memref<128x32xf32, #tpu.memory_space<vmem_shared>>
      tpu.enqueue_dma source(%arg8 : memref<128x32xf32, #tpu.memory_space<vmem>>) target(%dma_start3A_122 : memref<128x32xf32, #tpu.memory_space<vmem_shared>>) target_semaphore(%run_scoped3A_118 : memref<!tpu.dma_semaphore, #tpu.memory_space<semaphore_mem>>)
      %dma_wait3A = arith.constant 0 : i32
      %dma_wait3A_123 = tpu.memref_slice %arg9[%add3A_50, %dma_wait3A] : memref<10240x32xf32, #tpu.memory_space<vmem_shared>> -> memref<128x32xf32, #tpu.memory_space<vmem_shared>>
      %dma_wait3A_124 = arith.constant 0 : i32
      %dma_wait3A_125 = tpu.memref_slice %arg9[%add3A_50, %dma_wait3A_124] : memref<10240x32xf32, #tpu.memory_space<vmem_shared>> -> memref<128x32xf32, #tpu.memory_space<vmem_shared>>
      tpu.wait_dma2 semaphore(%run_scoped3A_118 : memref<!tpu.dma_semaphore, #tpu.memory_space<semaphore_mem>>) src(%arg8 : memref<128x32xf32, #tpu.memory_space<vmem>>) dst(%dma_wait3A_125 : memref<128x32xf32, #tpu.memory_space<vmem_shared>>)
      tpu.yield
    }) : () -> ()
    %mul3A_51 = arith.constant 640 : i32
    %mul3A_52 = arith.muli %arg1, %mul3A_51 : i32
    %add3A_53 = arith.constant 384 : i32
    %add3A_54 = arith.addi %mul3A_52, %add3A_53 : i32
    "tpu.region"() ({
      %run_scoped3A_118 = tpu.sem_alloc : memref<!tpu.dma_semaphore, #tpu.memory_space<semaphore_mem>>
      %dma_start3A_119 = arith.constant 0 : i32
      %dma_start3A_120 = tpu.memref_slice %arg9[%add3A_54, %dma_start3A_119] : memref<10240x32xf32, #tpu.memory_space<vmem_shared>> -> memref<128x32xf32, #tpu.memory_space<vmem_shared>>
      %dma_start3A_121 = arith.constant 0 : i32
      %dma_start3A_122 = tpu.memref_slice %arg9[%add3A_54, %dma_start3A_121] : memref<10240x32xf32, #tpu.memory_space<vmem_shared>> -> memref<128x32xf32, #tpu.memory_space<vmem_shared>>
      tpu.enqueue_dma source(%arg8 : memref<128x32xf32, #tpu.memory_space<vmem>>) target(%dma_start3A_122 : memref<128x32xf32, #tpu.memory_space<vmem_shared>>) target_semaphore(%run_scoped3A_118 : memref<!tpu.dma_semaphore, #tpu.memory_space<semaphore_mem>>)
      %dma_wait3A = arith.constant 0 : i32
      %dma_wait3A_123 = tpu.memref_slice %arg9[%add3A_54, %dma_wait3A] : memref<10240x32xf32, #tpu.memory_space<vmem_shared>> -> memref<128x32xf32, #tpu.memory_space<vmem_shared>>
      %dma_wait3A_124 = arith.constant 0 : i32
      %dma_wait3A_125 = tpu.memref_slice %arg9[%add3A_54, %dma_wait3A_124] : memref<10240x32xf32, #tpu.memory_space<vmem_shared>> -> memref<128x32xf32, #tpu.memory_space<vmem_shared>>
      tpu.wait_dma2 semaphore(%run_scoped3A_118 : memref<!tpu.dma_semaphore, #tpu.memory_space<semaphore_mem>>) src(%arg8 : memref<128x32xf32, #tpu.memory_space<vmem>>) dst(%dma_wait3A_125 : memref<128x32xf32, #tpu.memory_space<vmem_shared>>)
      tpu.yield
    }) : () -> ()
    %mul3A_55 = arith.constant 640 : i32
    %mul3A_56 = arith.muli %arg1, %mul3A_55 : i32
    %add3A_57 = arith.constant 512 : i32
    %add3A_58 = arith.addi %mul3A_56, %add3A_57 : i32
    "tpu.region"() ({
      %run_scoped3A_118 = tpu.sem_alloc : memref<!tpu.dma_semaphore, #tpu.memory_space<semaphore_mem>>
      %dma_start3A_119 = arith.constant 0 : i32
      %dma_start3A_120 = tpu.memref_slice %arg9[%add3A_58, %dma_start3A_119] : memref<10240x32xf32, #tpu.memory_space<vmem_shared>> -> memref<128x32xf32, #tpu.memory_space<vmem_shared>>
      %dma_start3A_121 = arith.constant 0 : i32
      %dma_start3A_122 = tpu.memref_slice %arg9[%add3A_58, %dma_start3A_121] : memref<10240x32xf32, #tpu.memory_space<vmem_shared>> -> memref<128x32xf32, #tpu.memory_space<vmem_shared>>
      tpu.enqueue_dma source(%arg8 : memref<128x32xf32, #tpu.memory_space<vmem>>) target(%dma_start3A_122 : memref<128x32xf32, #tpu.memory_space<vmem_shared>>) target_semaphore(%run_scoped3A_118 : memref<!tpu.dma_semaphore, #tpu.memory_space<semaphore_mem>>)
      %dma_wait3A = arith.constant 0 : i32
      %dma_wait3A_123 = tpu.memref_slice %arg9[%add3A_58, %dma_wait3A] : memref<10240x32xf32, #tpu.memory_space<vmem_shared>> -> memref<128x32xf32, #tpu.memory_space<vmem_shared>>
      %dma_wait3A_124 = arith.constant 0 : i32
      %dma_wait3A_125 = tpu.memref_slice %arg9[%add3A_58, %dma_wait3A_124] : memref<10240x32xf32, #tpu.memory_space<vmem_shared>> -> memref<128x32xf32, #tpu.memory_space<vmem_shared>>
      tpu.wait_dma2 semaphore(%run_scoped3A_118 : memref<!tpu.dma_semaphore, #tpu.memory_space<semaphore_mem>>) src(%arg8 : memref<128x32xf32, #tpu.memory_space<vmem>>) dst(%dma_wait3A_125 : memref<128x32xf32, #tpu.memory_space<vmem_shared>>)
      tpu.yield
    }) : () -> ()
    %barrier3A = arith.constant 0 : index
    tpu.barrier barrier_id(%barrier3A)
    %dma_start3A_59 = arith.constant 2 : i32
    %dma_start3A_60 = arith.constant 2 : i32
    %dma_start3A_61 = arith.constant 0 : i32
    %dma_start3A_62 = arith.constant 0 : i32
    %dma_start3A_63 = tpu.memref_slice %arg7[%dma_start3A_60, %dma_start3A_61, %dma_start3A_62] : memref<5x125x32xf32, #tpu.memory_space<vmem>> -> memref<1x125x32xf32, #tpu.memory_space<vmem>>
    %dma_start3A_64 = tpu.memref_squeeze %dma_start3A_63 : memref<1x125x32xf32, #tpu.memory_space<vmem>> -> memref<125x32xf32, #tpu.memory_space<vmem>>
    %dma_start3A_65 = arith.constant 0 : i32
    %dma_start3A_66 = tpu.memref_slice %arg5[%dma_start3A_59, %dma_start3A_65] : memref<160x125xi32, #tpu.memory_space<vmem>> -> memref<1x125xi32, #tpu.memory_space<vmem>>
    %dma_start3A_67 = tpu.memref_squeeze %dma_start3A_66 : memref<1x125xi32, #tpu.memory_space<vmem>> -> memref<125xi32, #tpu.memory_space<vmem>>
    %dma_start3A_68 = arith.constant 0 : i32
    %dma_start3A_69 = arith.constant 0 : i32
    %dma_start3A_70 = tpu.memref_slice %arg2[%arg0, %dma_start3A_68, %dma_start3A_69] : memref<2x10000x32xf32, #tpu.memory_space<hbm>> -> memref<1x10000x32xf32, #tpu.memory_space<hbm>>
    %dma_start3A_71 = tpu.memref_squeeze %dma_start3A_70 : memref<1x10000x32xf32, #tpu.memory_space<hbm>> -> memref<10000x32xf32, #tpu.memory_space<hbm>>
    %dma_start3A_72 = arith.constant 0 : i32
    %dma_start3A_73 = arith.constant 0 : i32
    %dma_start3A_74 = tpu.memref_slice %dma_start3A_71[%dma_start3A_72, %dma_start3A_73] : memref<10000x32xf32, #tpu.memory_space<hbm>> -> memref<10000x32xf32, #tpu.memory_space<hbm>>
    tpu.enqueue_indirect_dma source(%dma_start3A_74 : memref<10000x32xf32, #tpu.memory_space<hbm>>) target(%dma_start3A_64 : memref<125x32xf32, #tpu.memory_space<vmem>>) offsets(%dma_start3A_67 : memref<125xi32, #tpu.memory_space<vmem>>) semaphore(%arg12 : memref<!tpu.dma_semaphore, #tpu.memory_space<semaphore_mem>>)
    %dma_start3A_75 = arith.constant 3 : i32
    %dma_start3A_76 = arith.constant 3 : i32
    %dma_start3A_77 = arith.constant 0 : i32
    %dma_start3A_78 = arith.constant 0 : i32
    %dma_start3A_79 = tpu.memref_slice %arg7[%dma_start3A_76, %dma_start3A_77, %dma_start3A_78] : memref<5x125x32xf32, #tpu.memory_space<vmem>> -> memref<1x125x32xf32, #tpu.memory_space<vmem>>
    %dma_start3A_80 = tpu.memref_squeeze %dma_start3A_79 : memref<1x125x32xf32, #tpu.memory_space<vmem>> -> memref<125x32xf32, #tpu.memory_space<vmem>>
    %dma_start3A_81 = arith.constant 0 : i32
    %dma_start3A_82 = tpu.memref_slice %arg5[%dma_start3A_75, %dma_start3A_81] : memref<160x125xi32, #tpu.memory_space<vmem>> -> memref<1x125xi32, #tpu.memory_space<vmem>>
    %dma_start3A_83 = tpu.memref_squeeze %dma_start3A_82 : memref<1x125xi32, #tpu.memory_space<vmem>> -> memref<125xi32, #tpu.memory_space<vmem>>
    %dma_start3A_84 = arith.constant 0 : i32
    %dma_start3A_85 = arith.constant 0 : i32
    %dma_start3A_86 = tpu.memref_slice %arg2[%arg0, %dma_start3A_84, %dma_start3A_85] : memref<2x10000x32xf32, #tpu.memory_space<hbm>> -> memref<1x10000x32xf32, #tpu.memory_space<hbm>>
    %dma_start3A_87 = tpu.memref_squeeze %dma_start3A_86 : memref<1x10000x32xf32, #tpu.memory_space<hbm>> -> memref<10000x32xf32, #tpu.memory_space<hbm>>
    %dma_start3A_88 = arith.constant 0 : i32
    %dma_start3A_89 = arith.constant 0 : i32
    %dma_start3A_90 = tpu.memref_slice %dma_start3A_87[%dma_start3A_88, %dma_start3A_89] : memref<10000x32xf32, #tpu.memory_space<hbm>> -> memref<10000x32xf32, #tpu.memory_space<hbm>>
    tpu.enqueue_indirect_dma source(%dma_start3A_90 : memref<10000x32xf32, #tpu.memory_space<hbm>>) target(%dma_start3A_80 : memref<125x32xf32, #tpu.memory_space<vmem>>) offsets(%dma_start3A_83 : memref<125xi32, #tpu.memory_space<vmem>>) semaphore(%arg13 : memref<!tpu.dma_semaphore, #tpu.memory_space<semaphore_mem>>)
    %dma_start3A_91 = arith.constant 4 : i32
    %dma_start3A_92 = arith.constant 4 : i32
    %dma_start3A_93 = arith.constant 0 : i32
    %dma_start3A_94 = arith.constant 0 : i32
    %dma_start3A_95 = tpu.memref_slice %arg7[%dma_start3A_92, %dma_start3A_93, %dma_start3A_94] : memref<5x125x32xf32, #tpu.memory_space<vmem>> -> memref<1x125x32xf32, #tpu.memory_space<vmem>>
    %dma_start3A_96 = tpu.memref_squeeze %dma_start3A_95 : memref<1x125x32xf32, #tpu.memory_space<vmem>> -> memref<125x32xf32, #tpu.memory_space<vmem>>
    %dma_start3A_97 = arith.constant 0 : i32
    %dma_start3A_98 = tpu.memref_slice %arg5[%dma_start3A_91, %dma_start3A_97] : memref<160x125xi32, #tpu.memory_space<vmem>> -> memref<1x125xi32, #tpu.memory_space<vmem>>
    %dma_start3A_99 = tpu.memref_squeeze %dma_start3A_98 : memref<1x125xi32, #tpu.memory_space<vmem>> -> memref<125xi32, #tpu.memory_space<vmem>>
    %dma_start3A_100 = arith.constant 0 : i32
    %dma_start3A_101 = arith.constant 0 : i32
    %dma_start3A_102 = tpu.memref_slice %arg2[%arg0, %dma_start3A_100, %dma_start3A_101] : memref<2x10000x32xf32, #tpu.memory_space<hbm>> -> memref<1x10000x32xf32, #tpu.memory_space<hbm>>
    %dma_start3A_103 = tpu.memref_squeeze %dma_start3A_102 : memref<1x10000x32xf32, #tpu.memory_space<hbm>> -> memref<10000x32xf32, #tpu.memory_space<hbm>>
    %dma_start3A_104 = arith.constant 0 : i32
    %dma_start3A_105 = arith.constant 0 : i32
    %dma_start3A_106 = tpu.memref_slice %dma_start3A_103[%dma_start3A_104, %dma_start3A_105] : memref<10000x32xf32, #tpu.memory_space<hbm>> -> memref<10000x32xf32, #tpu.memory_space<hbm>>
    tpu.enqueue_indirect_dma source(%dma_start3A_106 : memref<10000x32xf32, #tpu.memory_space<hbm>>) target(%dma_start3A_96 : memref<125x32xf32, #tpu.memory_space<vmem>>) offsets(%dma_start3A_99 : memref<125xi32, #tpu.memory_space<vmem>>) semaphore(%arg14 : memref<!tpu.dma_semaphore, #tpu.memory_space<semaphore_mem>>)
    %scan3A_107 = arith.constant 0 : i32
    %scan3A_108 = arith.constant 0 : i32
    %scan3A_109 = arith.constant 32 : i32
    %scan3A_110 = arith.addi %scan3A_108, %scan3A_109 : i32
    %scan3A_111 = arith.constant 1 : i32
    scf.for %scan3A_118 = %scan3A_108 to %scan3A_110 step %scan3A_111  : i32 {
      %mul3A_119 = arith.constant 5 : i32
      %mul3A_120 = arith.muli %scan3A_118, %mul3A_119 : i32
      %add3A_121 = arith.constant 0 : i32
      %add3A_122 = arith.addi %mul3A_120, %add3A_121 : i32
      %dma_wait3A = arith.constant 0 : i32
      %dma_wait3A_123 = arith.constant 0 : i32
      %dma_wait3A_124 = arith.constant 0 : i32
      %dma_wait3A_125 = arith.constant 0 : i32
      %dma_wait3A_126 = tpu.memref_slice %arg7[%dma_wait3A_123, %dma_wait3A_124, %dma_wait3A_125] : memref<5x125x32xf32, #tpu.memory_space<vmem>> -> memref<1x125x32xf32, #tpu.memory_space<vmem>>
      %dma_wait3A_127 = tpu.memref_squeeze %dma_wait3A_126 : memref<1x125x32xf32, #tpu.memory_space<vmem>> -> memref<125x32xf32, #tpu.memory_space<vmem>>
      %dma_wait3A_128 = arith.constant 0 : i32
      %dma_wait3A_129 = tpu.memref_slice %arg5[%dma_wait3A, %dma_wait3A_128] : memref<160x125xi32, #tpu.memory_space<vmem>> -> memref<1x125xi32, #tpu.memory_space<vmem>>
      %dma_wait3A_130 = tpu.memref_squeeze %dma_wait3A_129 : memref<1x125xi32, #tpu.memory_space<vmem>> -> memref<125xi32, #tpu.memory_space<vmem>>
      %dma_wait3A_131 = arith.constant 0 : i32
      %dma_wait3A_132 = arith.constant 0 : i32
      %dma_wait3A_133 = tpu.memref_slice %arg2[%arg0, %dma_wait3A_131, %dma_wait3A_132] : memref<2x10000x32xf32, #tpu.memory_space<hbm>> -> memref<1x10000x32xf32, #tpu.memory_space<hbm>>
      %dma_wait3A_134 = tpu.memref_squeeze %dma_wait3A_133 : memref<1x10000x32xf32, #tpu.memory_space<hbm>> -> memref<10000x32xf32, #tpu.memory_space<hbm>>
      %dma_wait3A_135 = arith.constant 0 : i32
      %dma_wait3A_136 = arith.constant 0 : i32
      %dma_wait3A_137 = tpu.memref_slice %dma_wait3A_134[%dma_wait3A_135, %dma_wait3A_136] : memref<10000x32xf32, #tpu.memory_space<hbm>> -> memref<10000x32xf32, #tpu.memory_space<hbm>>
      tpu.wait_indirect_dma semaphore(%arg10 : memref<!tpu.dma_semaphore, #tpu.memory_space<semaphore_mem>>) src(%dma_wait3A_137 : memref<10000x32xf32, #tpu.memory_space<hbm>>) dst(%dma_wait3A_127 : memref<125x32xf32, #tpu.memory_space<vmem>>)
      %dma_start3A_138 = arith.constant 0 : i32
      %dma_start3A_139 = arith.constant 0 : i32
      %dma_start3A_140 = arith.constant 0 : i32
      %dma_start3A_141 = tpu.memref_slice %arg7[%dma_start3A_138, %dma_start3A_139, %dma_start3A_140] : memref<5x125x32xf32, #tpu.memory_space<vmem>> -> memref<1x125x32xf32, #tpu.memory_space<vmem>>
      %dma_start3A_142 = tpu.memref_squeeze %dma_start3A_141 : memref<1x125x32xf32, #tpu.memory_space<vmem>> -> memref<125x32xf32, #tpu.memory_space<vmem>>
      %dma_start3A_143 = arith.constant 0 : i32
      %dma_start3A_144 = tpu.memref_slice %arg6[%add3A_122, %dma_start3A_143] : memref<160x125xi32, #tpu.memory_space<vmem>> -> memref<1x125xi32, #tpu.memory_space<vmem>>
      %dma_start3A_145 = tpu.memref_squeeze %dma_start3A_144 : memref<1x125xi32, #tpu.memory_space<vmem>> -> memref<125xi32, #tpu.memory_space<vmem>>
      %dma_start3A_146 = arith.constant 0 : i32
      %dma_start3A_147 = arith.constant 0 : i32
      %dma_start3A_148 = tpu.memref_slice %arg9[%dma_start3A_146, %dma_start3A_147] : memref<10240x32xf32, #tpu.memory_space<vmem_shared>> -> memref<10240x32xf32, #tpu.memory_space<vmem_shared>>
      tpu.enqueue_indirect_dma source(%dma_start3A_142 : memref<125x32xf32, #tpu.memory_space<vmem>>) target(%dma_start3A_148 : memref<10240x32xf32, #tpu.memory_space<vmem_shared>>) offsets(%dma_start3A_145 : memref<125xi32, #tpu.memory_space<vmem>>) semaphore(%arg15 : memref<!tpu.dma_semaphore, #tpu.memory_space<semaphore_mem>>) {add = true}
      %add3A_149 = arith.constant 1 : i32
      %add3A_150 = arith.addi %mul3A_120, %add3A_149 : i32
      %dma_wait3A_151 = arith.constant 0 : i32
      %dma_wait3A_152 = arith.constant 1 : i32
      %dma_wait3A_153 = arith.constant 0 : i32
      %dma_wait3A_154 = arith.constant 0 : i32
      %dma_wait3A_155 = tpu.memref_slice %arg7[%dma_wait3A_152, %dma_wait3A_153, %dma_wait3A_154] : memref<5x125x32xf32, #tpu.memory_space<vmem>> -> memref<1x125x32xf32, #tpu.memory_space<vmem>>
      %dma_wait3A_156 = tpu.memref_squeeze %dma_wait3A_155 : memref<1x125x32xf32, #tpu.memory_space<vmem>> -> memref<125x32xf32, #tpu.memory_space<vmem>>
      %dma_wait3A_157 = arith.constant 0 : i32
      %dma_wait3A_158 = tpu.memref_slice %arg5[%dma_wait3A_151, %dma_wait3A_157] : memref<160x125xi32, #tpu.memory_space<vmem>> -> memref<1x125xi32, #tpu.memory_space<vmem>>
      %dma_wait3A_159 = tpu.memref_squeeze %dma_wait3A_158 : memref<1x125xi32, #tpu.memory_space<vmem>> -> memref<125xi32, #tpu.memory_space<vmem>>
      %dma_wait3A_160 = arith.constant 0 : i32
      %dma_wait3A_161 = arith.constant 0 : i32
      %dma_wait3A_162 = tpu.memref_slice %arg2[%arg0, %dma_wait3A_160, %dma_wait3A_161] : memref<2x10000x32xf32, #tpu.memory_space<hbm>> -> memref<1x10000x32xf32, #tpu.memory_space<hbm>>
      %dma_wait3A_163 = tpu.memref_squeeze %dma_wait3A_162 : memref<1x10000x32xf32, #tpu.memory_space<hbm>> -> memref<10000x32xf32, #tpu.memory_space<hbm>>
      %dma_wait3A_164 = arith.constant 0 : i32
      %dma_wait3A_165 = arith.constant 0 : i32
      %dma_wait3A_166 = tpu.memref_slice %dma_wait3A_163[%dma_wait3A_164, %dma_wait3A_165] : memref<10000x32xf32, #tpu.memory_space<hbm>> -> memref<10000x32xf32, #tpu.memory_space<hbm>>
      tpu.wait_indirect_dma semaphore(%arg11 : memref<!tpu.dma_semaphore, #tpu.memory_space<semaphore_mem>>) src(%dma_wait3A_166 : memref<10000x32xf32, #tpu.memory_space<hbm>>) dst(%dma_wait3A_156 : memref<125x32xf32, #tpu.memory_space<vmem>>)
      %dma_start3A_167 = arith.constant 1 : i32
      %dma_start3A_168 = arith.constant 0 : i32
      %dma_start3A_169 = arith.constant 0 : i32
      %dma_start3A_170 = tpu.memref_slice %arg7[%dma_start3A_167, %dma_start3A_168, %dma_start3A_169] : memref<5x125x32xf32, #tpu.memory_space<vmem>> -> memref<1x125x32xf32, #tpu.memory_space<vmem>>
      %dma_start3A_171 = tpu.memref_squeeze %dma_start3A_170 : memref<1x125x32xf32, #tpu.memory_space<vmem>> -> memref<125x32xf32, #tpu.memory_space<vmem>>
      %dma_start3A_172 = arith.constant 0 : i32
      %dma_start3A_173 = tpu.memref_slice %arg6[%add3A_150, %dma_start3A_172] : memref<160x125xi32, #tpu.memory_space<vmem>> -> memref<1x125xi32, #tpu.memory_space<vmem>>
      %dma_start3A_174 = tpu.memref_squeeze %dma_start3A_173 : memref<1x125xi32, #tpu.memory_space<vmem>> -> memref<125xi32, #tpu.memory_space<vmem>>
      %dma_start3A_175 = arith.constant 0 : i32
      %dma_start3A_176 = arith.constant 0 : i32
      %dma_start3A_177 = tpu.memref_slice %arg9[%dma_start3A_175, %dma_start3A_176] : memref<10240x32xf32, #tpu.memory_space<vmem_shared>> -> memref<10240x32xf32, #tpu.memory_space<vmem_shared>>
      tpu.enqueue_indirect_dma source(%dma_start3A_171 : memref<125x32xf32, #tpu.memory_space<vmem>>) target(%dma_start3A_177 : memref<10240x32xf32, #tpu.memory_space<vmem_shared>>) offsets(%dma_start3A_174 : memref<125xi32, #tpu.memory_space<vmem>>) semaphore(%arg16 : memref<!tpu.dma_semaphore, #tpu.memory_space<semaphore_mem>>) {add = true}
      %add3A_178 = arith.constant 2 : i32
      %add3A_179 = arith.addi %mul3A_120, %add3A_178 : i32
      %dma_wait3A_180 = arith.constant 0 : i32
      %dma_wait3A_181 = arith.constant 2 : i32
      %dma_wait3A_182 = arith.constant 0 : i32
      %dma_wait3A_183 = arith.constant 0 : i32
      %dma_wait3A_184 = tpu.memref_slice %arg7[%dma_wait3A_181, %dma_wait3A_182, %dma_wait3A_183] : memref<5x125x32xf32, #tpu.memory_space<vmem>> -> memref<1x125x32xf32, #tpu.memory_space<vmem>>
      %dma_wait3A_185 = tpu.memref_squeeze %dma_wait3A_184 : memref<1x125x32xf32, #tpu.memory_space<vmem>> -> memref<125x32xf32, #tpu.memory_space<vmem>>
      %dma_wait3A_186 = arith.constant 0 : i32
      %dma_wait3A_187 = tpu.memref_slice %arg5[%dma_wait3A_180, %dma_wait3A_186] : memref<160x125xi32, #tpu.memory_space<vmem>> -> memref<1x125xi32, #tpu.memory_space<vmem>>
      %dma_wait3A_188 = tpu.memref_squeeze %dma_wait3A_187 : memref<1x125xi32, #tpu.memory_space<vmem>> -> memref<125xi32, #tpu.memory_space<vmem>>
      %dma_wait3A_189 = arith.constant 0 : i32
      %dma_wait3A_190 = arith.constant 0 : i32
      %dma_wait3A_191 = tpu.memref_slice %arg2[%arg0, %dma_wait3A_189, %dma_wait3A_190] : memref<2x10000x32xf32, #tpu.memory_space<hbm>> -> memref<1x10000x32xf32, #tpu.memory_space<hbm>>
      %dma_wait3A_192 = tpu.memref_squeeze %dma_wait3A_191 : memref<1x10000x32xf32, #tpu.memory_space<hbm>> -> memref<10000x32xf32, #tpu.memory_space<hbm>>
      %dma_wait3A_193 = arith.constant 0 : i32
      %dma_wait3A_194 = arith.constant 0 : i32
      %dma_wait3A_195 = tpu.memref_slice %dma_wait3A_192[%dma_wait3A_193, %dma_wait3A_194] : memref<10000x32xf32, #tpu.memory_space<hbm>> -> memref<10000x32xf32, #tpu.memory_space<hbm>>
      tpu.wait_indirect_dma semaphore(%arg12 : memref<!tpu.dma_semaphore, #tpu.memory_space<semaphore_mem>>) src(%dma_wait3A_195 : memref<10000x32xf32, #tpu.memory_space<hbm>>) dst(%dma_wait3A_185 : memref<125x32xf32, #tpu.memory_space<vmem>>)
      %dma_start3A_196 = arith.constant 2 : i32
      %dma_start3A_197 = arith.constant 0 : i32
      %dma_start3A_198 = arith.constant 0 : i32
      %dma_start3A_199 = tpu.memref_slice %arg7[%dma_start3A_196, %dma_start3A_197, %dma_start3A_198] : memref<5x125x32xf32, #tpu.memory_space<vmem>> -> memref<1x125x32xf32, #tpu.memory_space<vmem>>
      %dma_start3A_200 = tpu.memref_squeeze %dma_start3A_199 : memref<1x125x32xf32, #tpu.memory_space<vmem>> -> memref<125x32xf32, #tpu.memory_space<vmem>>
      %dma_start3A_201 = arith.constant 0 : i32
      %dma_start3A_202 = tpu.memref_slice %arg6[%add3A_179, %dma_start3A_201] : memref<160x125xi32, #tpu.memory_space<vmem>> -> memref<1x125xi32, #tpu.memory_space<vmem>>
      %dma_start3A_203 = tpu.memref_squeeze %dma_start3A_202 : memref<1x125xi32, #tpu.memory_space<vmem>> -> memref<125xi32, #tpu.memory_space<vmem>>
      %dma_start3A_204 = arith.constant 0 : i32
      %dma_start3A_205 = arith.constant 0 : i32
      %dma_start3A_206 = tpu.memref_slice %arg9[%dma_start3A_204, %dma_start3A_205] : memref<10240x32xf32, #tpu.memory_space<vmem_shared>> -> memref<10240x32xf32, #tpu.memory_space<vmem_shared>>
      tpu.enqueue_indirect_dma source(%dma_start3A_200 : memref<125x32xf32, #tpu.memory_space<vmem>>) target(%dma_start3A_206 : memref<10240x32xf32, #tpu.memory_space<vmem_shared>>) offsets(%dma_start3A_203 : memref<125xi32, #tpu.memory_space<vmem>>) semaphore(%arg17 : memref<!tpu.dma_semaphore, #tpu.memory_space<semaphore_mem>>) {add = true}
      %add3A_207 = arith.constant 3 : i32
      %add3A_208 = arith.addi %mul3A_120, %add3A_207 : i32
      %dma_wait3A_209 = arith.constant 0 : i32
      %dma_wait3A_210 = arith.constant 3 : i32
      %dma_wait3A_211 = arith.constant 0 : i32
      %dma_wait3A_212 = arith.constant 0 : i32
      %dma_wait3A_213 = tpu.memref_slice %arg7[%dma_wait3A_210, %dma_wait3A_211, %dma_wait3A_212] : memref<5x125x32xf32, #tpu.memory_space<vmem>> -> memref<1x125x32xf32, #tpu.memory_space<vmem>>
      %dma_wait3A_214 = tpu.memref_squeeze %dma_wait3A_213 : memref<1x125x32xf32, #tpu.memory_space<vmem>> -> memref<125x32xf32, #tpu.memory_space<vmem>>
      %dma_wait3A_215 = arith.constant 0 : i32
      %dma_wait3A_216 = tpu.memref_slice %arg5[%dma_wait3A_209, %dma_wait3A_215] : memref<160x125xi32, #tpu.memory_space<vmem>> -> memref<1x125xi32, #tpu.memory_space<vmem>>
      %dma_wait3A_217 = tpu.memref_squeeze %dma_wait3A_216 : memref<1x125xi32, #tpu.memory_space<vmem>> -> memref<125xi32, #tpu.memory_space<vmem>>
      %dma_wait3A_218 = arith.constant 0 : i32
      %dma_wait3A_219 = arith.constant 0 : i32
      %dma_wait3A_220 = tpu.memref_slice %arg2[%arg0, %dma_wait3A_218, %dma_wait3A_219] : memref<2x10000x32xf32, #tpu.memory_space<hbm>> -> memref<1x10000x32xf32, #tpu.memory_space<hbm>>
      %dma_wait3A_221 = tpu.memref_squeeze %dma_wait3A_220 : memref<1x10000x32xf32, #tpu.memory_space<hbm>> -> memref<10000x32xf32, #tpu.memory_space<hbm>>
      %dma_wait3A_222 = arith.constant 0 : i32
      %dma_wait3A_223 = arith.constant 0 : i32
      %dma_wait3A_224 = tpu.memref_slice %dma_wait3A_221[%dma_wait3A_222, %dma_wait3A_223] : memref<10000x32xf32, #tpu.memory_space<hbm>> -> memref<10000x32xf32, #tpu.memory_space<hbm>>
      tpu.wait_indirect_dma semaphore(%arg13 : memref<!tpu.dma_semaphore, #tpu.memory_space<semaphore_mem>>) src(%dma_wait3A_224 : memref<10000x32xf32, #tpu.memory_space<hbm>>) dst(%dma_wait3A_214 : memref<125x32xf32, #tpu.memory_space<vmem>>)
      %dma_start3A_225 = arith.constant 3 : i32
      %dma_start3A_226 = arith.constant 0 : i32
      %dma_start3A_227 = arith.constant 0 : i32
      %dma_start3A_228 = tpu.memref_slice %arg7[%dma_start3A_225, %dma_start3A_226, %dma_start3A_227] : memref<5x125x32xf32, #tpu.memory_space<vmem>> -> memref<1x125x32xf32, #tpu.memory_space<vmem>>
      %dma_start3A_229 = tpu.memref_squeeze %dma_start3A_228 : memref<1x125x32xf32, #tpu.memory_space<vmem>> -> memref<125x32xf32, #tpu.memory_space<vmem>>
      %dma_start3A_230 = arith.constant 0 : i32
      %dma_start3A_231 = tpu.memref_slice %arg6[%add3A_208, %dma_start3A_230] : memref<160x125xi32, #tpu.memory_space<vmem>> -> memref<1x125xi32, #tpu.memory_space<vmem>>
      %dma_start3A_232 = tpu.memref_squeeze %dma_start3A_231 : memref<1x125xi32, #tpu.memory_space<vmem>> -> memref<125xi32, #tpu.memory_space<vmem>>
      %dma_start3A_233 = arith.constant 0 : i32
      %dma_start3A_234 = arith.constant 0 : i32
      %dma_start3A_235 = tpu.memref_slice %arg9[%dma_start3A_233, %dma_start3A_234] : memref<10240x32xf32, #tpu.memory_space<vmem_shared>> -> memref<10240x32xf32, #tpu.memory_space<vmem_shared>>
      tpu.enqueue_indirect_dma source(%dma_start3A_229 : memref<125x32xf32, #tpu.memory_space<vmem>>) target(%dma_start3A_235 : memref<10240x32xf32, #tpu.memory_space<vmem_shared>>) offsets(%dma_start3A_232 : memref<125xi32, #tpu.memory_space<vmem>>) semaphore(%arg18 : memref<!tpu.dma_semaphore, #tpu.memory_space<semaphore_mem>>) {add = true}
      %add3A_236 = arith.constant 4 : i32
      %add3A_237 = arith.addi %mul3A_120, %add3A_236 : i32
      %dma_wait3A_238 = arith.constant 0 : i32
      %dma_wait3A_239 = arith.constant 4 : i32
      %dma_wait3A_240 = arith.constant 0 : i32
      %dma_wait3A_241 = arith.constant 0 : i32
      %dma_wait3A_242 = tpu.memref_slice %arg7[%dma_wait3A_239, %dma_wait3A_240, %dma_wait3A_241] : memref<5x125x32xf32, #tpu.memory_space<vmem>> -> memref<1x125x32xf32, #tpu.memory_space<vmem>>
      %dma_wait3A_243 = tpu.memref_squeeze %dma_wait3A_242 : memref<1x125x32xf32, #tpu.memory_space<vmem>> -> memref<125x32xf32, #tpu.memory_space<vmem>>
      %dma_wait3A_244 = arith.constant 0 : i32
      %dma_wait3A_245 = tpu.memref_slice %arg5[%dma_wait3A_238, %dma_wait3A_244] : memref<160x125xi32, #tpu.memory_space<vmem>> -> memref<1x125xi32, #tpu.memory_space<vmem>>
      %dma_wait3A_246 = tpu.memref_squeeze %dma_wait3A_245 : memref<1x125xi32, #tpu.memory_space<vmem>> -> memref<125xi32, #tpu.memory_space<vmem>>
      %dma_wait3A_247 = arith.constant 0 : i32
      %dma_wait3A_248 = arith.constant 0 : i32
      %dma_wait3A_249 = tpu.memref_slice %arg2[%arg0, %dma_wait3A_247, %dma_wait3A_248] : memref<2x10000x32xf32, #tpu.memory_space<hbm>> -> memref<1x10000x32xf32, #tpu.memory_space<hbm>>
      %dma_wait3A_250 = tpu.memref_squeeze %dma_wait3A_249 : memref<1x10000x32xf32, #tpu.memory_space<hbm>> -> memref<10000x32xf32, #tpu.memory_space<hbm>>
      %dma_wait3A_251 = arith.constant 0 : i32
      %dma_wait3A_252 = arith.constant 0 : i32
      %dma_wait3A_253 = tpu.memref_slice %dma_wait3A_250[%dma_wait3A_251, %dma_wait3A_252] : memref<10000x32xf32, #tpu.memory_space<hbm>> -> memref<10000x32xf32, #tpu.memory_space<hbm>>
      tpu.wait_indirect_dma semaphore(%arg14 : memref<!tpu.dma_semaphore, #tpu.memory_space<semaphore_mem>>) src(%dma_wait3A_253 : memref<10000x32xf32, #tpu.memory_space<hbm>>) dst(%dma_wait3A_243 : memref<125x32xf32, #tpu.memory_space<vmem>>)
      %dma_start3A_254 = arith.constant 4 : i32
      %dma_start3A_255 = arith.constant 0 : i32
      %dma_start3A_256 = arith.constant 0 : i32
      %dma_start3A_257 = tpu.memref_slice %arg7[%dma_start3A_254, %dma_start3A_255, %dma_start3A_256] : memref<5x125x32xf32, #tpu.memory_space<vmem>> -> memref<1x125x32xf32, #tpu.memory_space<vmem>>
      %dma_start3A_258 = tpu.memref_squeeze %dma_start3A_257 : memref<1x125x32xf32, #tpu.memory_space<vmem>> -> memref<125x32xf32, #tpu.memory_space<vmem>>
      %dma_start3A_259 = arith.constant 0 : i32
      %dma_start3A_260 = tpu.memref_slice %arg6[%add3A_237, %dma_start3A_259] : memref<160x125xi32, #tpu.memory_space<vmem>> -> memref<1x125xi32, #tpu.memory_space<vmem>>
      %dma_start3A_261 = tpu.memref_squeeze %dma_start3A_260 : memref<1x125xi32, #tpu.memory_space<vmem>> -> memref<125xi32, #tpu.memory_space<vmem>>
      %dma_start3A_262 = arith.constant 0 : i32
      %dma_start3A_263 = arith.constant 0 : i32
      %dma_start3A_264 = tpu.memref_slice %arg9[%dma_start3A_262, %dma_start3A_263] : memref<10240x32xf32, #tpu.memory_space<vmem_shared>> -> memref<10240x32xf32, #tpu.memory_space<vmem_shared>>
      tpu.enqueue_indirect_dma source(%dma_start3A_258 : memref<125x32xf32, #tpu.memory_space<vmem>>) target(%dma_start3A_264 : memref<10240x32xf32, #tpu.memory_space<vmem_shared>>) offsets(%dma_start3A_261 : memref<125xi32, #tpu.memory_space<vmem>>) semaphore(%arg19 : memref<!tpu.dma_semaphore, #tpu.memory_space<semaphore_mem>>) {add = true}
      %add3A_265 = arith.constant 0 : i32
      %add3A_266 = arith.addi %mul3A_120, %add3A_265 : i32
      %dma_wait3A_267 = arith.constant 0 : i32
      %dma_wait3A_268 = arith.constant 0 : i32
      %dma_wait3A_269 = arith.constant 0 : i32
      %dma_wait3A_270 = arith.constant 0 : i32
      %dma_wait3A_271 = tpu.memref_slice %arg7[%dma_wait3A_267, %dma_wait3A_269, %dma_wait3A_270] : memref<5x125x32xf32, #tpu.memory_space<vmem>> -> memref<1x125x32xf32, #tpu.memory_space<vmem>>
      %dma_wait3A_272 = tpu.memref_squeeze %dma_wait3A_271 : memref<1x125x32xf32, #tpu.memory_space<vmem>> -> memref<125x32xf32, #tpu.memory_space<vmem>>
      %dma_wait3A_273 = arith.constant 0 : i32
      %dma_wait3A_274 = tpu.memref_slice %arg6[%dma_wait3A_268, %dma_wait3A_273] : memref<160x125xi32, #tpu.memory_space<vmem>> -> memref<1x125xi32, #tpu.memory_space<vmem>>
      %dma_wait3A_275 = tpu.memref_squeeze %dma_wait3A_274 : memref<1x125xi32, #tpu.memory_space<vmem>> -> memref<125xi32, #tpu.memory_space<vmem>>
      %dma_wait3A_276 = arith.constant 0 : i32
      %dma_wait3A_277 = arith.constant 0 : i32
      %dma_wait3A_278 = tpu.memref_slice %arg9[%dma_wait3A_276, %dma_wait3A_277] : memref<10240x32xf32, #tpu.memory_space<vmem_shared>> -> memref<10240x32xf32, #tpu.memory_space<vmem_shared>>
      tpu.wait_indirect_dma semaphore(%arg15 : memref<!tpu.dma_semaphore, #tpu.memory_space<semaphore_mem>>) src(%dma_wait3A_272 : memref<125x32xf32, #tpu.memory_space<vmem>>) dst(%dma_wait3A_278 : memref<10240x32xf32, #tpu.memory_space<vmem_shared>>)
      %add3A_279 = arith.constant 5 : i32
      %add3A_280 = arith.addi %add3A_266, %add3A_279 : i32
      %lt3A = arith.constant 160 : i32
      %lt3A_281 = arith.cmpi slt, %add3A_280, %lt3A : i32
      %convert_element_type3A = arith.extui %lt3A_281 : i1 to i32
      %cond3A = arith.constant 0 : i32
      %cond3A_282 = arith.cmpi ne, %convert_element_type3A, %cond3A : i32
      scf.if %cond3A_282 {
        %add3A_367 = arith.constant 5 : i32
        %add3A_368 = arith.addi %add3A_266, %add3A_367 : i32
        %dma_start3A_369 = arith.constant 0 : i32
        %dma_start3A_370 = arith.constant 0 : i32
        %dma_start3A_371 = arith.constant 0 : i32
        %dma_start3A_372 = tpu.memref_slice %arg7[%dma_start3A_369, %dma_start3A_370, %dma_start3A_371] : memref<5x125x32xf32, #tpu.memory_space<vmem>> -> memref<1x125x32xf32, #tpu.memory_space<vmem>>
        %dma_start3A_373 = tpu.memref_squeeze %dma_start3A_372 : memref<1x125x32xf32, #tpu.memory_space<vmem>> -> memref<125x32xf32, #tpu.memory_space<vmem>>
        %dma_start3A_374 = arith.constant 0 : i32
        %dma_start3A_375 = tpu.memref_slice %arg5[%add3A_368, %dma_start3A_374] : memref<160x125xi32, #tpu.memory_space<vmem>> -> memref<1x125xi32, #tpu.memory_space<vmem>>
        %dma_start3A_376 = tpu.memref_squeeze %dma_start3A_375 : memref<1x125xi32, #tpu.memory_space<vmem>> -> memref<125xi32, #tpu.memory_space<vmem>>
        %dma_start3A_377 = arith.constant 0 : i32
        %dma_start3A_378 = arith.constant 0 : i32
        %dma_start3A_379 = tpu.memref_slice %arg2[%arg0, %dma_start3A_377, %dma_start3A_378] : memref<2x10000x32xf32, #tpu.memory_space<hbm>> -> memref<1x10000x32xf32, #tpu.memory_space<hbm>>
        %dma_start3A_380 = tpu.memref_squeeze %dma_start3A_379 : memref<1x10000x32xf32, #tpu.memory_space<hbm>> -> memref<10000x32xf32, #tpu.memory_space<hbm>>
        %dma_start3A_381 = arith.constant 0 : i32
        %dma_start3A_382 = arith.constant 0 : i32
        %dma_start3A_383 = tpu.memref_slice %dma_start3A_380[%dma_start3A_381, %dma_start3A_382] : memref<10000x32xf32, #tpu.memory_space<hbm>> -> memref<10000x32xf32, #tpu.memory_space<hbm>>
        tpu.enqueue_indirect_dma source(%dma_start3A_383 : memref<10000x32xf32, #tpu.memory_space<hbm>>) target(%dma_start3A_373 : memref<125x32xf32, #tpu.memory_space<vmem>>) offsets(%dma_start3A_376 : memref<125xi32, #tpu.memory_space<vmem>>) semaphore(%arg10 : memref<!tpu.dma_semaphore, #tpu.memory_space<semaphore_mem>>)
      } else {
      }
      %add3A_283 = arith.constant 1 : i32
      %add3A_284 = arith.addi %mul3A_120, %add3A_283 : i32
      %dma_wait3A_285 = arith.constant 1 : i32
      %dma_wait3A_286 = arith.constant 0 : i32
      %dma_wait3A_287 = arith.constant 0 : i32
      %dma_wait3A_288 = arith.constant 0 : i32
      %dma_wait3A_289 = tpu.memref_slice %arg7[%dma_wait3A_285, %dma_wait3A_287, %dma_wait3A_288] : memref<5x125x32xf32, #tpu.memory_space<vmem>> -> memref<1x125x32xf32, #tpu.memory_space<vmem>>
      %dma_wait3A_290 = tpu.memref_squeeze %dma_wait3A_289 : memref<1x125x32xf32, #tpu.memory_space<vmem>> -> memref<125x32xf32, #tpu.memory_space<vmem>>
      %dma_wait3A_291 = arith.constant 0 : i32
      %dma_wait3A_292 = tpu.memref_slice %arg6[%dma_wait3A_286, %dma_wait3A_291] : memref<160x125xi32, #tpu.memory_space<vmem>> -> memref<1x125xi32, #tpu.memory_space<vmem>>
      %dma_wait3A_293 = tpu.memref_squeeze %dma_wait3A_292 : memref<1x125xi32, #tpu.memory_space<vmem>> -> memref<125xi32, #tpu.memory_space<vmem>>
      %dma_wait3A_294 = arith.constant 0 : i32
      %dma_wait3A_295 = arith.constant 0 : i32
      %dma_wait3A_296 = tpu.memref_slice %arg9[%dma_wait3A_294, %dma_wait3A_295] : memref<10240x32xf32, #tpu.memory_space<vmem_shared>> -> memref<10240x32xf32, #tpu.memory_space<vmem_shared>>
      tpu.wait_indirect_dma semaphore(%arg16 : memref<!tpu.dma_semaphore, #tpu.memory_space<semaphore_mem>>) src(%dma_wait3A_290 : memref<125x32xf32, #tpu.memory_space<vmem>>) dst(%dma_wait3A_296 : memref<10240x32xf32, #tpu.memory_space<vmem_shared>>)
      %add3A_297 = arith.constant 5 : i32
      %add3A_298 = arith.addi %add3A_284, %add3A_297 : i32
      %lt3A_299 = arith.constant 160 : i32
      %lt3A_300 = arith.cmpi slt, %add3A_298, %lt3A_299 : i32
      %convert_element_type3A_301 = arith.extui %lt3A_300 : i1 to i32
      %cond3A_302 = arith.constant 0 : i32
      %cond3A_303 = arith.cmpi ne, %convert_element_type3A_301, %cond3A_302 : i32
      scf.if %cond3A_303 {
        %add3A_367 = arith.constant 5 : i32
        %add3A_368 = arith.addi %add3A_284, %add3A_367 : i32
        %dma_start3A_369 = arith.constant 1 : i32
        %dma_start3A_370 = arith.constant 0 : i32
        %dma_start3A_371 = arith.constant 0 : i32
        %dma_start3A_372 = tpu.memref_slice %arg7[%dma_start3A_369, %dma_start3A_370, %dma_start3A_371] : memref<5x125x32xf32, #tpu.memory_space<vmem>> -> memref<1x125x32xf32, #tpu.memory_space<vmem>>
        %dma_start3A_373 = tpu.memref_squeeze %dma_start3A_372 : memref<1x125x32xf32, #tpu.memory_space<vmem>> -> memref<125x32xf32, #tpu.memory_space<vmem>>
        %dma_start3A_374 = arith.constant 0 : i32
        %dma_start3A_375 = tpu.memref_slice %arg5[%add3A_368, %dma_start3A_374] : memref<160x125xi32, #tpu.memory_space<vmem>> -> memref<1x125xi32, #tpu.memory_space<vmem>>
        %dma_start3A_376 = tpu.memref_squeeze %dma_start3A_375 : memref<1x125xi32, #tpu.memory_space<vmem>> -> memref<125xi32, #tpu.memory_space<vmem>>
        %dma_start3A_377 = arith.constant 0 : i32
        %dma_start3A_378 = arith.constant 0 : i32
        %dma_start3A_379 = tpu.memref_slice %arg2[%arg0, %dma_start3A_377, %dma_start3A_378] : memref<2x10000x32xf32, #tpu.memory_space<hbm>> -> memref<1x10000x32xf32, #tpu.memory_space<hbm>>
        %dma_start3A_380 = tpu.memref_squeeze %dma_start3A_379 : memref<1x10000x32xf32, #tpu.memory_space<hbm>> -> memref<10000x32xf32, #tpu.memory_space<hbm>>
        %dma_start3A_381 = arith.constant 0 : i32
        %dma_start3A_382 = arith.constant 0 : i32
        %dma_start3A_383 = tpu.memref_slice %dma_start3A_380[%dma_start3A_381, %dma_start3A_382] : memref<10000x32xf32, #tpu.memory_space<hbm>> -> memref<10000x32xf32, #tpu.memory_space<hbm>>
        tpu.enqueue_indirect_dma source(%dma_start3A_383 : memref<10000x32xf32, #tpu.memory_space<hbm>>) target(%dma_start3A_373 : memref<125x32xf32, #tpu.memory_space<vmem>>) offsets(%dma_start3A_376 : memref<125xi32, #tpu.memory_space<vmem>>) semaphore(%arg11 : memref<!tpu.dma_semaphore, #tpu.memory_space<semaphore_mem>>)
      } else {
      }
      %add3A_304 = arith.constant 2 : i32
      %add3A_305 = arith.addi %mul3A_120, %add3A_304 : i32
      %dma_wait3A_306 = arith.constant 2 : i32
      %dma_wait3A_307 = arith.constant 0 : i32
      %dma_wait3A_308 = arith.constant 0 : i32
      %dma_wait3A_309 = arith.constant 0 : i32
      %dma_wait3A_310 = tpu.memref_slice %arg7[%dma_wait3A_306, %dma_wait3A_308, %dma_wait3A_309] : memref<5x125x32xf32, #tpu.memory_space<vmem>> -> memref<1x125x32xf32, #tpu.memory_space<vmem>>
      %dma_wait3A_311 = tpu.memref_squeeze %dma_wait3A_310 : memref<1x125x32xf32, #tpu.memory_space<vmem>> -> memref<125x32xf32, #tpu.memory_space<vmem>>
      %dma_wait3A_312 = arith.constant 0 : i32
      %dma_wait3A_313 = tpu.memref_slice %arg6[%dma_wait3A_307, %dma_wait3A_312] : memref<160x125xi32, #tpu.memory_space<vmem>> -> memref<1x125xi32, #tpu.memory_space<vmem>>
      %dma_wait3A_314 = tpu.memref_squeeze %dma_wait3A_313 : memref<1x125xi32, #tpu.memory_space<vmem>> -> memref<125xi32, #tpu.memory_space<vmem>>
      %dma_wait3A_315 = arith.constant 0 : i32
      %dma_wait3A_316 = arith.constant 0 : i32
      %dma_wait3A_317 = tpu.memref_slice %arg9[%dma_wait3A_315, %dma_wait3A_316] : memref<10240x32xf32, #tpu.memory_space<vmem_shared>> -> memref<10240x32xf32, #tpu.memory_space<vmem_shared>>
      tpu.wait_indirect_dma semaphore(%arg17 : memref<!tpu.dma_semaphore, #tpu.memory_space<semaphore_mem>>) src(%dma_wait3A_311 : memref<125x32xf32, #tpu.memory_space<vmem>>) dst(%dma_wait3A_317 : memref<10240x32xf32, #tpu.memory_space<vmem_shared>>)
      %add3A_318 = arith.constant 5 : i32
      %add3A_319 = arith.addi %add3A_305, %add3A_318 : i32
      %lt3A_320 = arith.constant 160 : i32
      %lt3A_321 = arith.cmpi slt, %add3A_319, %lt3A_320 : i32
      %convert_element_type3A_322 = arith.extui %lt3A_321 : i1 to i32
      %cond3A_323 = arith.constant 0 : i32
      %cond3A_324 = arith.cmpi ne, %convert_element_type3A_322, %cond3A_323 : i32
      scf.if %cond3A_324 {
        %add3A_367 = arith.constant 5 : i32
        %add3A_368 = arith.addi %add3A_305, %add3A_367 : i32
        %dma_start3A_369 = arith.constant 2 : i32
        %dma_start3A_370 = arith.constant 0 : i32
        %dma_start3A_371 = arith.constant 0 : i32
        %dma_start3A_372 = tpu.memref_slice %arg7[%dma_start3A_369, %dma_start3A_370, %dma_start3A_371] : memref<5x125x32xf32, #tpu.memory_space<vmem>> -> memref<1x125x32xf32, #tpu.memory_space<vmem>>
        %dma_start3A_373 = tpu.memref_squeeze %dma_start3A_372 : memref<1x125x32xf32, #tpu.memory_space<vmem>> -> memref<125x32xf32, #tpu.memory_space<vmem>>
        %dma_start3A_374 = arith.constant 0 : i32
        %dma_start3A_375 = tpu.memref_slice %arg5[%add3A_368, %dma_start3A_374] : memref<160x125xi32, #tpu.memory_space<vmem>> -> memref<1x125xi32, #tpu.memory_space<vmem>>
        %dma_start3A_376 = tpu.memref_squeeze %dma_start3A_375 : memref<1x125xi32, #tpu.memory_space<vmem>> -> memref<125xi32, #tpu.memory_space<vmem>>
        %dma_start3A_377 = arith.constant 0 : i32
        %dma_start3A_378 = arith.constant 0 : i32
        %dma_start3A_379 = tpu.memref_slice %arg2[%arg0, %dma_start3A_377, %dma_start3A_378] : memref<2x10000x32xf32, #tpu.memory_space<hbm>> -> memref<1x10000x32xf32, #tpu.memory_space<hbm>>
        %dma_start3A_380 = tpu.memref_squeeze %dma_start3A_379 : memref<1x10000x32xf32, #tpu.memory_space<hbm>> -> memref<10000x32xf32, #tpu.memory_space<hbm>>
        %dma_start3A_381 = arith.constant 0 : i32
        %dma_start3A_382 = arith.constant 0 : i32
        %dma_start3A_383 = tpu.memref_slice %dma_start3A_380[%dma_start3A_381, %dma_start3A_382] : memref<10000x32xf32, #tpu.memory_space<hbm>> -> memref<10000x32xf32, #tpu.memory_space<hbm>>
        tpu.enqueue_indirect_dma source(%dma_start3A_383 : memref<10000x32xf32, #tpu.memory_space<hbm>>) target(%dma_start3A_373 : memref<125x32xf32, #tpu.memory_space<vmem>>) offsets(%dma_start3A_376 : memref<125xi32, #tpu.memory_space<vmem>>) semaphore(%arg12 : memref<!tpu.dma_semaphore, #tpu.memory_space<semaphore_mem>>)
      } else {
      }
      %add3A_325 = arith.constant 3 : i32
      %add3A_326 = arith.addi %mul3A_120, %add3A_325 : i32
      %dma_wait3A_327 = arith.constant 3 : i32
      %dma_wait3A_328 = arith.constant 0 : i32
      %dma_wait3A_329 = arith.constant 0 : i32
      %dma_wait3A_330 = arith.constant 0 : i32
      %dma_wait3A_331 = tpu.memref_slice %arg7[%dma_wait3A_327, %dma_wait3A_329, %dma_wait3A_330] : memref<5x125x32xf32, #tpu.memory_space<vmem>> -> memref<1x125x32xf32, #tpu.memory_space<vmem>>
      %dma_wait3A_332 = tpu.memref_squeeze %dma_wait3A_331 : memref<1x125x32xf32, #tpu.memory_space<vmem>> -> memref<125x32xf32, #tpu.memory_space<vmem>>
      %dma_wait3A_333 = arith.constant 0 : i32
      %dma_wait3A_334 = tpu.memref_slice %arg6[%dma_wait3A_328, %dma_wait3A_333] : memref<160x125xi32, #tpu.memory_space<vmem>> -> memref<1x125xi32, #tpu.memory_space<vmem>>
      %dma_wait3A_335 = tpu.memref_squeeze %dma_wait3A_334 : memref<1x125xi32, #tpu.memory_space<vmem>> -> memref<125xi32, #tpu.memory_space<vmem>>
      %dma_wait3A_336 = arith.constant 0 : i32
      %dma_wait3A_337 = arith.constant 0 : i32
      %dma_wait3A_338 = tpu.memref_slice %arg9[%dma_wait3A_336, %dma_wait3A_337] : memref<10240x32xf32, #tpu.memory_space<vmem_shared>> -> memref<10240x32xf32, #tpu.memory_space<vmem_shared>>
      tpu.wait_indirect_dma semaphore(%arg18 : memref<!tpu.dma_semaphore, #tpu.memory_space<semaphore_mem>>) src(%dma_wait3A_332 : memref<125x32xf32, #tpu.memory_space<vmem>>) dst(%dma_wait3A_338 : memref<10240x32xf32, #tpu.memory_space<vmem_shared>>)
      %add3A_339 = arith.constant 5 : i32
      %add3A_340 = arith.addi %add3A_326, %add3A_339 : i32
      %lt3A_341 = arith.constant 160 : i32
      %lt3A_342 = arith.cmpi slt, %add3A_340, %lt3A_341 : i32
      %convert_element_type3A_343 = arith.extui %lt3A_342 : i1 to i32
      %cond3A_344 = arith.constant 0 : i32
      %cond3A_345 = arith.cmpi ne, %convert_element_type3A_343, %cond3A_344 : i32
      scf.if %cond3A_345 {
        %add3A_367 = arith.constant 5 : i32
        %add3A_368 = arith.addi %add3A_326, %add3A_367 : i32
        %dma_start3A_369 = arith.constant 3 : i32
        %dma_start3A_370 = arith.constant 0 : i32
        %dma_start3A_371 = arith.constant 0 : i32
        %dma_start3A_372 = tpu.memref_slice %arg7[%dma_start3A_369, %dma_start3A_370, %dma_start3A_371] : memref<5x125x32xf32, #tpu.memory_space<vmem>> -> memref<1x125x32xf32, #tpu.memory_space<vmem>>
        %dma_start3A_373 = tpu.memref_squeeze %dma_start3A_372 : memref<1x125x32xf32, #tpu.memory_space<vmem>> -> memref<125x32xf32, #tpu.memory_space<vmem>>
        %dma_start3A_374 = arith.constant 0 : i32
        %dma_start3A_375 = tpu.memref_slice %arg5[%add3A_368, %dma_start3A_374] : memref<160x125xi32, #tpu.memory_space<vmem>> -> memref<1x125xi32, #tpu.memory_space<vmem>>
        %dma_start3A_376 = tpu.memref_squeeze %dma_start3A_375 : memref<1x125xi32, #tpu.memory_space<vmem>> -> memref<125xi32, #tpu.memory_space<vmem>>
        %dma_start3A_377 = arith.constant 0 : i32
        %dma_start3A_378 = arith.constant 0 : i32
        %dma_start3A_379 = tpu.memref_slice %arg2[%arg0, %dma_start3A_377, %dma_start3A_378] : memref<2x10000x32xf32, #tpu.memory_space<hbm>> -> memref<1x10000x32xf32, #tpu.memory_space<hbm>>
        %dma_start3A_380 = tpu.memref_squeeze %dma_start3A_379 : memref<1x10000x32xf32, #tpu.memory_space<hbm>> -> memref<10000x32xf32, #tpu.memory_space<hbm>>
        %dma_start3A_381 = arith.constant 0 : i32
        %dma_start3A_382 = arith.constant 0 : i32
        %dma_start3A_383 = tpu.memref_slice %dma_start3A_380[%dma_start3A_381, %dma_start3A_382] : memref<10000x32xf32, #tpu.memory_space<hbm>> -> memref<10000x32xf32, #tpu.memory_space<hbm>>
        tpu.enqueue_indirect_dma source(%dma_start3A_383 : memref<10000x32xf32, #tpu.memory_space<hbm>>) target(%dma_start3A_373 : memref<125x32xf32, #tpu.memory_space<vmem>>) offsets(%dma_start3A_376 : memref<125xi32, #tpu.memory_space<vmem>>) semaphore(%arg13 : memref<!tpu.dma_semaphore, #tpu.memory_space<semaphore_mem>>)
      } else {
      }
      %add3A_346 = arith.constant 4 : i32
      %add3A_347 = arith.addi %mul3A_120, %add3A_346 : i32
      %dma_wait3A_348 = arith.constant 4 : i32
      %dma_wait3A_349 = arith.constant 0 : i32
      %dma_wait3A_350 = arith.constant 0 : i32
      %dma_wait3A_351 = arith.constant 0 : i32
      %dma_wait3A_352 = tpu.memref_slice %arg7[%dma_wait3A_348, %dma_wait3A_350, %dma_wait3A_351] : memref<5x125x32xf32, #tpu.memory_space<vmem>> -> memref<1x125x32xf32, #tpu.memory_space<vmem>>
      %dma_wait3A_353 = tpu.memref_squeeze %dma_wait3A_352 : memref<1x125x32xf32, #tpu.memory_space<vmem>> -> memref<125x32xf32, #tpu.memory_space<vmem>>
      %dma_wait3A_354 = arith.constant 0 : i32
      %dma_wait3A_355 = tpu.memref_slice %arg6[%dma_wait3A_349, %dma_wait3A_354] : memref<160x125xi32, #tpu.memory_space<vmem>> -> memref<1x125xi32, #tpu.memory_space<vmem>>
      %dma_wait3A_356 = tpu.memref_squeeze %dma_wait3A_355 : memref<1x125xi32, #tpu.memory_space<vmem>> -> memref<125xi32, #tpu.memory_space<vmem>>
      %dma_wait3A_357 = arith.constant 0 : i32
      %dma_wait3A_358 = arith.constant 0 : i32
      %dma_wait3A_359 = tpu.memref_slice %arg9[%dma_wait3A_357, %dma_wait3A_358] : memref<10240x32xf32, #tpu.memory_space<vmem_shared>> -> memref<10240x32xf32, #tpu.memory_space<vmem_shared>>
      tpu.wait_indirect_dma semaphore(%arg19 : memref<!tpu.dma_semaphore, #tpu.memory_space<semaphore_mem>>) src(%dma_wait3A_353 : memref<125x32xf32, #tpu.memory_space<vmem>>) dst(%dma_wait3A_359 : memref<10240x32xf32, #tpu.memory_space<vmem_shared>>)
      %add3A_360 = arith.constant 5 : i32
      %add3A_361 = arith.addi %add3A_347, %add3A_360 : i32
      %lt3A_362 = arith.constant 160 : i32
      %lt3A_363 = arith.cmpi slt, %add3A_361, %lt3A_362 : i32
      %convert_element_type3A_364 = arith.extui %lt3A_363 : i1 to i32
      %cond3A_365 = arith.constant 0 : i32
      %cond3A_366 = arith.cmpi ne, %convert_element_type3A_364, %cond3A_365 : i32
      scf.if %cond3A_366 {
        %add3A_367 = arith.constant 5 : i32
        %add3A_368 = arith.addi %add3A_347, %add3A_367 : i32
        %dma_start3A_369 = arith.constant 4 : i32
        %dma_start3A_370 = arith.constant 0 : i32
        %dma_start3A_371 = arith.constant 0 : i32
        %dma_start3A_372 = tpu.memref_slice %arg7[%dma_start3A_369, %dma_start3A_370, %dma_start3A_371] : memref<5x125x32xf32, #tpu.memory_space<vmem>> -> memref<1x125x32xf32, #tpu.memory_space<vmem>>
        %dma_start3A_373 = tpu.memref_squeeze %dma_start3A_372 : memref<1x125x32xf32, #tpu.memory_space<vmem>> -> memref<125x32xf32, #tpu.memory_space<vmem>>
        %dma_start3A_374 = arith.constant 0 : i32
        %dma_start3A_375 = tpu.memref_slice %arg5[%add3A_368, %dma_start3A_374] : memref<160x125xi32, #tpu.memory_space<vmem>> -> memref<1x125xi32, #tpu.memory_space<vmem>>
        %dma_start3A_376 = tpu.memref_squeeze %dma_start3A_375 : memref<1x125xi32, #tpu.memory_space<vmem>> -> memref<125xi32, #tpu.memory_space<vmem>>
        %dma_start3A_377 = arith.constant 0 : i32
        %dma_start3A_378 = arith.constant 0 : i32
        %dma_start3A_379 = tpu.memref_slice %arg2[%arg0, %dma_start3A_377, %dma_start3A_378] : memref<2x10000x32xf32, #tpu.memory_space<hbm>> -> memref<1x10000x32xf32, #tpu.memory_space<hbm>>
        %dma_start3A_380 = tpu.memref_squeeze %dma_start3A_379 : memref<1x10000x32xf32, #tpu.memory_space<hbm>> -> memref<10000x32xf32, #tpu.memory_space<hbm>>
        %dma_start3A_381 = arith.constant 0 : i32
        %dma_start3A_382 = arith.constant 0 : i32
        %dma_start3A_383 = tpu.memref_slice %dma_start3A_380[%dma_start3A_381, %dma_start3A_382] : memref<10000x32xf32, #tpu.memory_space<hbm>> -> memref<10000x32xf32, #tpu.memory_space<hbm>>
        tpu.enqueue_indirect_dma source(%dma_start3A_383 : memref<10000x32xf32, #tpu.memory_space<hbm>>) target(%dma_start3A_373 : memref<125x32xf32, #tpu.memory_space<vmem>>) offsets(%dma_start3A_376 : memref<125xi32, #tpu.memory_space<vmem>>) semaphore(%arg14 : memref<!tpu.dma_semaphore, #tpu.memory_space<semaphore_mem>>)
      } else {
      }
    }
    %scan3A_112 = arith.constant 32 : i32
    %barrier3A_113 = arith.constant 0 : index
    tpu.barrier barrier_id(%barrier3A_113)
    %mul3A_114 = arith.constant 640 : i32
    %mul3A_115 = arith.muli %arg1, %mul3A_114 : i32
    %mul3A_116 = arith.constant 640 : i32
    %mul3A_117 = arith.muli %arg1, %mul3A_116 : i32
    "tpu.region"() ({
      %run_scoped3A_118 = tpu.sem_alloc : memref<!tpu.dma_semaphore, #tpu.memory_space<semaphore_mem>>
      %dma_start3A_119 = arith.constant 0 : i32
      %dma_start3A_120 = tpu.memref_slice %arg4[%arg0, %mul3A_117, %dma_start3A_119] : memref<2x10240x32xf32, #tpu.memory_space<hbm>> -> memref<1x640x32xf32, #tpu.memory_space<hbm>>
      %dma_start3A_121 = tpu.memref_squeeze %dma_start3A_120 : memref<1x640x32xf32, #tpu.memory_space<hbm>> -> memref<640x32xf32, #tpu.memory_space<hbm>>
      %dma_start3A_122 = arith.constant 0 : i32
      %dma_start3A_123 = tpu.memref_slice %arg9[%mul3A_115, %dma_start3A_122] : memref<10240x32xf32, #tpu.memory_space<vmem_shared>> -> memref<640x32xf32, #tpu.memory_space<vmem_shared>>
      tpu.enqueue_dma source(%dma_start3A_123 : memref<640x32xf32, #tpu.memory_space<vmem_shared>>) target(%dma_start3A_121 : memref<640x32xf32, #tpu.memory_space<hbm>>) target_semaphore(%run_scoped3A_118 : memref<!tpu.dma_semaphore, #tpu.memory_space<semaphore_mem>>)
      %dma_wait3A = arith.constant 0 : i32
      %dma_wait3A_124 = tpu.memref_slice %arg4[%arg0, %mul3A_117, %dma_wait3A] : memref<2x10240x32xf32, #tpu.memory_space<hbm>> -> memref<1x640x32xf32, #tpu.memory_space<hbm>>
      %dma_wait3A_125 = tpu.memref_squeeze %dma_wait3A_124 : memref<1x640x32xf32, #tpu.memory_space<hbm>> -> memref<640x32xf32, #tpu.memory_space<hbm>>
      %dma_wait3A_126 = arith.constant 0 : i32
      %dma_wait3A_127 = tpu.memref_slice %arg9[%mul3A_115, %dma_wait3A_126] : memref<10240x32xf32, #tpu.memory_space<vmem_shared>> -> memref<640x32xf32, #tpu.memory_space<vmem_shared>>
      tpu.wait_dma2 semaphore(%run_scoped3A_118 : memref<!tpu.dma_semaphore, #tpu.memory_space<semaphore_mem>>) src(%dma_wait3A_127 : memref<640x32xf32, #tpu.memory_space<vmem_shared>>) dst(%dma_wait3A_125 : memref<640x32xf32, #tpu.memory_space<hbm>>)
      tpu.yield
    }) : () -> ()
    return
  }
}

#map = affine_map<(d0, d1) -> (0, 0, 0)>
#map1 = affine_map<(d0, d1) -> (0, 0)>
module attributes {stable_mosaic.version = 14 : i64} {
  func.func @_deg_body(%arg0: i32, %arg1: i32, %arg2: memref<2x2560x125xi32, #tpu.memory_space<hbm>>, %arg3: memref<2x10240xf32, #tpu.memory_space<hbm>>, %arg4: memref<80x125xi32, #tpu.memory_space<vmem>>, %arg5: memref<125xf32, #tpu.memory_space<vmem>>, %arg6: memref<640xf32, #tpu.memory_space<vmem>>, %arg7: memref<10240xf32, #tpu.memory_space<vmem_shared>>, %arg8: memref<!tpu.dma_semaphore, #tpu.memory_space<semaphore_mem>>) attributes {dimension_semantics = [#tpu.dimension_semantics<core_parallel>, #tpu.dimension_semantics<subcore_parallel>], iteration_bounds = array<i64: 2, 16>, scalar_prefetch = 0 : i64, scratch_operands = 5 : i64, tpu.core_type = #tpu.core_type<sc_vector_subcore>, window_params = [{transform_indices = #map}, {transform_indices = #map1}]} {
    %mul3A = arith.constant 2 : i32
    %mul3A_0 = arith.muli %arg1, %mul3A : i32
    %add3A = arith.addi %mul3A_0, %arg0 : i32
    %mul3A_1 = arith.constant 80 : i32
    %mul3A_2 = arith.muli %add3A, %mul3A_1 : i32
    %run_scoped3A = arith.constant 1 : i32
    "tpu.region"() ({
      %run_scoped3A_73 = tpu.sem_alloc : memref<!tpu.dma_semaphore, #tpu.memory_space<semaphore_mem>>
      %dma_start3A = arith.constant 0 : i32
      %dma_start3A_74 = tpu.memref_slice %arg2[%run_scoped3A, %mul3A_2, %dma_start3A] : memref<2x2560x125xi32, #tpu.memory_space<hbm>> -> memref<1x80x125xi32, #tpu.memory_space<hbm>>
      %dma_start3A_75 = tpu.memref_squeeze %dma_start3A_74 : memref<1x80x125xi32, #tpu.memory_space<hbm>> -> memref<80x125xi32, #tpu.memory_space<hbm>>
      %dma_start3A_76 = arith.constant 0 : i32
      %dma_start3A_77 = tpu.memref_slice %arg2[%run_scoped3A, %mul3A_2, %dma_start3A_76] : memref<2x2560x125xi32, #tpu.memory_space<hbm>> -> memref<1x80x125xi32, #tpu.memory_space<hbm>>
      %dma_start3A_78 = tpu.memref_squeeze %dma_start3A_77 : memref<1x80x125xi32, #tpu.memory_space<hbm>> -> memref<80x125xi32, #tpu.memory_space<hbm>>
      tpu.enqueue_dma source(%dma_start3A_78 : memref<80x125xi32, #tpu.memory_space<hbm>>) target(%arg4 : memref<80x125xi32, #tpu.memory_space<vmem>>) target_semaphore(%run_scoped3A_73 : memref<!tpu.dma_semaphore, #tpu.memory_space<semaphore_mem>>)
      %dma_wait3A = arith.constant 0 : i32
      %dma_wait3A_79 = tpu.memref_slice %arg2[%run_scoped3A, %mul3A_2, %dma_wait3A] : memref<2x2560x125xi32, #tpu.memory_space<hbm>> -> memref<1x80x125xi32, #tpu.memory_space<hbm>>
      %dma_wait3A_80 = tpu.memref_squeeze %dma_wait3A_79 : memref<1x80x125xi32, #tpu.memory_space<hbm>> -> memref<80x125xi32, #tpu.memory_space<hbm>>
      %dma_wait3A_81 = arith.constant 0 : i32
      %dma_wait3A_82 = tpu.memref_slice %arg2[%run_scoped3A, %mul3A_2, %dma_wait3A_81] : memref<2x2560x125xi32, #tpu.memory_space<hbm>> -> memref<1x80x125xi32, #tpu.memory_space<hbm>>
      %dma_wait3A_83 = tpu.memref_squeeze %dma_wait3A_82 : memref<1x80x125xi32, #tpu.memory_space<hbm>> -> memref<80x125xi32, #tpu.memory_space<hbm>>
      tpu.wait_dma2 semaphore(%run_scoped3A_73 : memref<!tpu.dma_semaphore, #tpu.memory_space<semaphore_mem>>) src(%dma_wait3A_83 : memref<80x125xi32, #tpu.memory_space<hbm>>) dst(%arg4 : memref<80x125xi32, #tpu.memory_space<vmem>>)
      tpu.yield
    }) : () -> ()
    %broadcast_in_dim3A = arith.constant 1.000000e+00 : f32
    %broadcast_in_dim3A_3 = vector.broadcast %broadcast_in_dim3A : f32 to vector<16xf32>
    %swap3A = arith.constant 0 : index
    %swap3A_4 = tpu.vector_load %arg5[%swap3A] {strides = array<i32>} : memref<125xf32, #tpu.memory_space<vmem>>, vector<16xf32>,
    %swap3A_5 = vector.shape_cast %swap3A_4 : vector<16xf32> to vector<16xf32>
    %swap3A_6 = vector.shape_cast %broadcast_in_dim3A_3 : vector<16xf32> to vector<16xf32>
    tpu.vector_store %arg5[%swap3A], %swap3A_6 {strides = array<i32>} : memref<125xf32, #tpu.memory_space<vmem>>, vector<16xf32>,
    %broadcast_in_dim3A_7 = arith.constant 1.000000e+00 : f32
    %broadcast_in_dim3A_8 = vector.broadcast %broadcast_in_dim3A_7 : f32 to vector<16xf32>
    %swap3A_9 = arith.constant 16 : index
    %swap3A_10 = tpu.vector_load %arg5[%swap3A_9] {strides = array<i32>} : memref<125xf32, #tpu.memory_space<vmem>>, vector<16xf32>,
    %swap3A_11 = vector.shape_cast %swap3A_10 : vector<16xf32> to vector<16xf32>
    %swap3A_12 = vector.shape_cast %broadcast_in_dim3A_8 : vector<16xf32> to vector<16xf32>
    tpu.vector_store %arg5[%swap3A_9], %swap3A_12 {strides = array<i32>} : memref<125xf32, #tpu.memory_space<vmem>>, vector<16xf32>,
    %broadcast_in_dim3A_13 = arith.constant 1.000000e+00 : f32
    %broadcast_in_dim3A_14 = vector.broadcast %broadcast_in_dim3A_13 : f32 to vector<16xf32>
    %swap3A_15 = arith.constant 32 : index
    %swap3A_16 = tpu.vector_load %arg5[%swap3A_15] {strides = array<i32>} : memref<125xf32, #tpu.memory_space<vmem>>, vector<16xf32>,
    %swap3A_17 = vector.shape_cast %swap3A_16 : vector<16xf32> to vector<16xf32>
    %swap3A_18 = vector.shape_cast %broadcast_in_dim3A_14 : vector<16xf32> to vector<16xf32>
    tpu.vector_store %arg5[%swap3A_15], %swap3A_18 {strides = array<i32>} : memref<125xf32, #tpu.memory_space<vmem>>, vector<16xf32>,
    %broadcast_in_dim3A_19 = arith.constant 1.000000e+00 : f32
    %broadcast_in_dim3A_20 = vector.broadcast %broadcast_in_dim3A_19 : f32 to vector<16xf32>
    %swap3A_21 = arith.constant 48 : index
    %swap3A_22 = tpu.vector_load %arg5[%swap3A_21] {strides = array<i32>} : memref<125xf32, #tpu.memory_space<vmem>>, vector<16xf32>,
    %swap3A_23 = vector.shape_cast %swap3A_22 : vector<16xf32> to vector<16xf32>
    %swap3A_24 = vector.shape_cast %broadcast_in_dim3A_20 : vector<16xf32> to vector<16xf32>
    tpu.vector_store %arg5[%swap3A_21], %swap3A_24 {strides = array<i32>} : memref<125xf32, #tpu.memory_space<vmem>>, vector<16xf32>,
    %broadcast_in_dim3A_25 = arith.constant 1.000000e+00 : f32
    %broadcast_in_dim3A_26 = vector.broadcast %broadcast_in_dim3A_25 : f32 to vector<16xf32>
    %swap3A_27 = arith.constant 64 : index
    %swap3A_28 = tpu.vector_load %arg5[%swap3A_27] {strides = array<i32>} : memref<125xf32, #tpu.memory_space<vmem>>, vector<16xf32>,
    %swap3A_29 = vector.shape_cast %swap3A_28 : vector<16xf32> to vector<16xf32>
    %swap3A_30 = vector.shape_cast %broadcast_in_dim3A_26 : vector<16xf32> to vector<16xf32>
    tpu.vector_store %arg5[%swap3A_27], %swap3A_30 {strides = array<i32>} : memref<125xf32, #tpu.memory_space<vmem>>, vector<16xf32>,
    %broadcast_in_dim3A_31 = arith.constant 1.000000e+00 : f32
    %broadcast_in_dim3A_32 = vector.broadcast %broadcast_in_dim3A_31 : f32 to vector<16xf32>
    %swap3A_33 = arith.constant 80 : index
    %swap3A_34 = tpu.vector_load %arg5[%swap3A_33] {strides = array<i32>} : memref<125xf32, #tpu.memory_space<vmem>>, vector<16xf32>,
    %swap3A_35 = vector.shape_cast %swap3A_34 : vector<16xf32> to vector<16xf32>
    %swap3A_36 = vector.shape_cast %broadcast_in_dim3A_32 : vector<16xf32> to vector<16xf32>
    tpu.vector_store %arg5[%swap3A_33], %swap3A_36 {strides = array<i32>} : memref<125xf32, #tpu.memory_space<vmem>>, vector<16xf32>,
    %broadcast_in_dim3A_37 = arith.constant 1.000000e+00 : f32
    %broadcast_in_dim3A_38 = vector.broadcast %broadcast_in_dim3A_37 : f32 to vector<16xf32>
    %swap3A_39 = arith.constant 96 : index
    %swap3A_40 = tpu.vector_load %arg5[%swap3A_39] {strides = array<i32>} : memref<125xf32, #tpu.memory_space<vmem>>, vector<16xf32>,
    %swap3A_41 = vector.shape_cast %swap3A_40 : vector<16xf32> to vector<16xf32>
    %swap3A_42 = vector.shape_cast %broadcast_in_dim3A_38 : vector<16xf32> to vector<16xf32>
    tpu.vector_store %arg5[%swap3A_39], %swap3A_42 {strides = array<i32>} : memref<125xf32, #tpu.memory_space<vmem>>, vector<16xf32>,
    %broadcast_in_dim3A_43 = arith.constant 1.000000e+00 : f32
    %broadcast_in_dim3A_44 = vector.broadcast %broadcast_in_dim3A_43 : f32 to vector<16xf32>
    %swap3A_45 = arith.constant 109 : index
    %swap3A_46 = tpu.vector_load %arg5[%swap3A_45] {strides = array<i32>} : memref<125xf32, #tpu.memory_space<vmem>>, vector<16xf32>,
    %swap3A_47 = vector.shape_cast %swap3A_46 : vector<16xf32> to vector<16xf32>
    %swap3A_48 = vector.shape_cast %broadcast_in_dim3A_44 : vector<16xf32> to vector<16xf32>
    tpu.vector_store %arg5[%swap3A_45], %swap3A_48 {strides = array<i32>} : memref<125xf32, #tpu.memory_space<vmem>>, vector<16xf32>,
    %scan3A = arith.constant 0 : i32
    %scan3A_49 = arith.constant 0 : i32
    %scan3A_50 = arith.constant 40 : i32
    %scan3A_51 = arith.addi %scan3A_49, %scan3A_50 : i32
    %scan3A_52 = arith.constant 1 : i32
    scf.for %scan3A_73 = %scan3A_49 to %scan3A_51 step %scan3A_52  : i32 {
      %broadcast_in_dim3A_74 = arith.constant 0.000000e+00 : f32
      %broadcast_in_dim3A_75 = vector.broadcast %broadcast_in_dim3A_74 : f32 to vector<16xf32>
      %mul3A_76 = arith.constant 16 : i32
      %mul3A_77 = arith.muli %scan3A_73, %mul3A_76 : i32
      %swap3A_78 = arith.index_cast %mul3A_77 : i32 to index
      %swap3A_79 = tpu.vector_load %arg6[%swap3A_78] {strides = array<i32>} : memref<640xf32, #tpu.memory_space<vmem>>, vector<16xf32>,
      %swap3A_80 = vector.shape_cast %swap3A_79 : vector<16xf32> to vector<16xf32>
      %swap3A_81 = vector.shape_cast %broadcast_in_dim3A_75 : vector<16xf32> to vector<16xf32>
      tpu.vector_store %arg6[%swap3A_78], %swap3A_81 {strides = array<i32>} : memref<640xf32, #tpu.memory_space<vmem>>, vector<16xf32>,
    }
    %scan3A_53 = arith.constant 40 : i32
    %mul3A_54 = arith.constant 640 : i32
    %mul3A_55 = arith.muli %arg1, %mul3A_54 : i32
    "tpu.region"() ({
      %run_scoped3A_73 = tpu.sem_alloc : memref<!tpu.dma_semaphore, #tpu.memory_space<semaphore_mem>>
      %dma_start3A = tpu.memref_slice %arg7[%mul3A_55] : memref<10240xf32, #tpu.memory_space<vmem_shared>> -> memref<640xf32, #tpu.memory_space<vmem_shared>>
      %dma_start3A_74 = tpu.memref_slice %arg7[%mul3A_55] : memref<10240xf32, #tpu.memory_space<vmem_shared>> -> memref<640xf32, #tpu.memory_space<vmem_shared>>
      tpu.enqueue_dma source(%arg6 : memref<640xf32, #tpu.memory_space<vmem>>) target(%dma_start3A_74 : memref<640xf32, #tpu.memory_space<vmem_shared>>) target_semaphore(%run_scoped3A_73 : memref<!tpu.dma_semaphore, #tpu.memory_space<semaphore_mem>>)
      %dma_wait3A = tpu.memref_slice %arg7[%mul3A_55] : memref<10240xf32, #tpu.memory_space<vmem_shared>> -> memref<640xf32, #tpu.memory_space<vmem_shared>>
      %dma_wait3A_75 = tpu.memref_slice %arg7[%mul3A_55] : memref<10240xf32, #tpu.memory_space<vmem_shared>> -> memref<640xf32, #tpu.memory_space<vmem_shared>>
      tpu.wait_dma2 semaphore(%run_scoped3A_73 : memref<!tpu.dma_semaphore, #tpu.memory_space<semaphore_mem>>) src(%arg6 : memref<640xf32, #tpu.memory_space<vmem>>) dst(%dma_wait3A_75 : memref<640xf32, #tpu.memory_space<vmem_shared>>)
      tpu.yield
    }) : () -> ()
    %barrier3A = arith.constant 0 : index
    tpu.barrier barrier_id(%barrier3A)
    %scan3A_56 = arith.constant 0 : i32
    %scan3A_57 = arith.constant 0 : i32
    %scan3A_58 = arith.constant 80 : i32
    %scan3A_59 = arith.addi %scan3A_57, %scan3A_58 : i32
    %scan3A_60 = arith.constant 1 : i32
    scf.for %scan3A_73 = %scan3A_57 to %scan3A_59 step %scan3A_60  : i32 {
      %dma_start3A = arith.constant 0 : i32
      %dma_start3A_74 = tpu.memref_slice %arg4[%scan3A_73, %dma_start3A] : memref<80x125xi32, #tpu.memory_space<vmem>> -> memref<1x125xi32, #tpu.memory_space<vmem>>
      %dma_start3A_75 = tpu.memref_squeeze %dma_start3A_74 : memref<1x125xi32, #tpu.memory_space<vmem>> -> memref<125xi32, #tpu.memory_space<vmem>>
      %dma_start3A_76 = arith.constant 0 : i32
      %dma_start3A_77 = tpu.memref_slice %arg7[%dma_start3A_76] : memref<10240xf32, #tpu.memory_space<vmem_shared>> -> memref<10240xf32, #tpu.memory_space<vmem_shared>>
      tpu.enqueue_indirect_dma source(%arg5 : memref<125xf32, #tpu.memory_space<vmem>>) target(%dma_start3A_77 : memref<10240xf32, #tpu.memory_space<vmem_shared>>) offsets(%dma_start3A_75 : memref<125xi32, #tpu.memory_space<vmem>>) semaphore(%arg8 : memref<!tpu.dma_semaphore, #tpu.memory_space<semaphore_mem>>) {add = true}
    }
    %scan3A_61 = arith.constant 80 : i32
    %scan3A_62 = arith.constant 0 : i32
    %scan3A_63 = arith.constant 0 : i32
    %scan3A_64 = arith.constant 80 : i32
    %scan3A_65 = arith.addi %scan3A_63, %scan3A_64 : i32
    %scan3A_66 = arith.constant 1 : i32
    scf.for %scan3A_73 = %scan3A_63 to %scan3A_65 step %scan3A_66  : i32 {
      %dma_wait3A = arith.constant 0 : i32
      %dma_wait3A_74 = arith.constant 0 : i32
      %dma_wait3A_75 = tpu.memref_slice %arg4[%dma_wait3A, %dma_wait3A_74] : memref<80x125xi32, #tpu.memory_space<vmem>> -> memref<1x125xi32, #tpu.memory_space<vmem>>
      %dma_wait3A_76 = tpu.memref_squeeze %dma_wait3A_75 : memref<1x125xi32, #tpu.memory_space<vmem>> -> memref<125xi32, #tpu.memory_space<vmem>>
      %dma_wait3A_77 = arith.constant 0 : i32
      %dma_wait3A_78 = tpu.memref_slice %arg7[%dma_wait3A_77] : memref<10240xf32, #tpu.memory_space<vmem_shared>> -> memref<10240xf32, #tpu.memory_space<vmem_shared>>
      tpu.wait_indirect_dma semaphore(%arg8 : memref<!tpu.dma_semaphore, #tpu.memory_space<semaphore_mem>>) src(%arg5 : memref<125xf32, #tpu.memory_space<vmem>>) dst(%dma_wait3A_78 : memref<10240xf32, #tpu.memory_space<vmem_shared>>)
    }
    %scan3A_67 = arith.constant 80 : i32
    %barrier3A_68 = arith.constant 0 : index
    tpu.barrier barrier_id(%barrier3A_68)
    %mul3A_69 = arith.constant 640 : i32
    %mul3A_70 = arith.muli %arg1, %mul3A_69 : i32
    %mul3A_71 = arith.constant 640 : i32
    %mul3A_72 = arith.muli %arg1, %mul3A_71 : i32
    "tpu.region"() ({
      %run_scoped3A_73 = tpu.sem_alloc : memref<!tpu.dma_semaphore, #tpu.memory_space<semaphore_mem>>
      %dma_start3A = tpu.memref_slice %arg3[%arg0, %mul3A_72] : memref<2x10240xf32, #tpu.memory_space<hbm>> -> memref<1x640xf32, #tpu.memory_space<hbm>>
      %dma_start3A_74 = tpu.memref_squeeze %dma_start3A : memref<1x640xf32, #tpu.memory_space<hbm>> -> memref<640xf32, #tpu.memory_space<hbm>>
      %dma_start3A_75 = tpu.memref_slice %arg7[%mul3A_70] : memref<10240xf32, #tpu.memory_space<vmem_shared>> -> memref<640xf32, #tpu.memory_space<vmem_shared>>
      tpu.enqueue_dma source(%dma_start3A_75 : memref<640xf32, #tpu.memory_space<vmem_shared>>) target(%dma_start3A_74 : memref<640xf32, #tpu.memory_space<hbm>>) target_semaphore(%run_scoped3A_73 : memref<!tpu.dma_semaphore, #tpu.memory_space<semaphore_mem>>)
      %dma_wait3A = tpu.memref_slice %arg3[%arg0, %mul3A_72] : memref<2x10240xf32, #tpu.memory_space<hbm>> -> memref<1x640xf32, #tpu.memory_space<hbm>>
      %dma_wait3A_76 = tpu.memref_squeeze %dma_wait3A : memref<1x640xf32, #tpu.memory_space<hbm>> -> memref<640xf32, #tpu.memory_space<hbm>>
      %dma_wait3A_77 = tpu.memref_slice %arg7[%mul3A_70] : memref<10240xf32, #tpu.memory_space<vmem_shared>> -> memref<640xf32, #tpu.memory_space<vmem_shared>>
      tpu.wait_dma2 semaphore(%run_scoped3A_73 : memref<!tpu.dma_semaphore, #tpu.memory_space<semaphore_mem>>) src(%dma_wait3A_77 : memref<640xf32, #tpu.memory_space<vmem_shared>>) dst(%dma_wait3A_76 : memref<640xf32, #tpu.memory_space<hbm>>)
      tpu.yield
    }) : () -> ()
    return
  }
}

#map = affine_map<(d0, d1) -> (0, 0, 0)>
module attributes {stable_mosaic.version = 14 : i64} {
  func.func @body(%arg0: i32, %arg1: i32, %arg2: memref<2x10000x64xf32, #tpu.memory_space<hbm>>, %arg3: memref<2x2560x125xi32, #tpu.memory_space<hbm>>, %arg4: memref<2x10240x64xf32, #tpu.memory_space<hbm>>, %arg5: memref<160x125xi32, #tpu.memory_space<vmem>>, %arg6: memref<160x125xi32, #tpu.memory_space<vmem>>, %arg7: memref<5x125x64xf32, #tpu.memory_space<vmem>>, %arg8: memref<128x64xf32, #tpu.memory_space<vmem>>, %arg9: memref<10240x64xf32, #tpu.memory_space<vmem_shared>>, %arg10: memref<!tpu.dma_semaphore, #tpu.memory_space<semaphore_mem>>, %arg11: memref<!tpu.dma_semaphore, #tpu.memory_space<semaphore_mem>>, %arg12: memref<!tpu.dma_semaphore, #tpu.memory_space<semaphore_mem>>, %arg13: memref<!tpu.dma_semaphore, #tpu.memory_space<semaphore_mem>>, %arg14: memref<!tpu.dma_semaphore, #tpu.memory_space<semaphore_mem>>, %arg15: memref<!tpu.dma_semaphore, #tpu.memory_space<semaphore_mem>>, %arg16: memref<!tpu.dma_semaphore, #tpu.memory_space<semaphore_mem>>, %arg17: memref<!tpu.dma_semaphore, #tpu.memory_space<semaphore_mem>>, %arg18: memref<!tpu.dma_semaphore, #tpu.memory_space<semaphore_mem>>, %arg19: memref<!tpu.dma_semaphore, #tpu.memory_space<semaphore_mem>>) attributes {dimension_semantics = [#tpu.dimension_semantics<core_parallel>, #tpu.dimension_semantics<subcore_parallel>], iteration_bounds = array<i64: 2, 16>, scalar_prefetch = 0 : i64, scratch_operands = 15 : i64, tpu.core_type = #tpu.core_type<sc_vector_subcore>, window_params = [{transform_indices = #map}, {transform_indices = #map}, {transform_indices = #map}]} {
    %mul3A = arith.constant 160 : i32
    %mul3A_0 = arith.muli %arg1, %mul3A : i32
    %run_scoped3A = arith.constant 0 : i32
    "tpu.region"() ({
      %run_scoped3A_118 = tpu.sem_alloc : memref<!tpu.dma_semaphore, #tpu.memory_space<semaphore_mem>>
      %dma_start3A_119 = arith.constant 0 : i32
      %dma_start3A_120 = tpu.memref_slice %arg3[%run_scoped3A, %mul3A_0, %dma_start3A_119] : memref<2x2560x125xi32, #tpu.memory_space<hbm>> -> memref<1x160x125xi32, #tpu.memory_space<hbm>>
      %dma_start3A_121 = tpu.memref_squeeze %dma_start3A_120 : memref<1x160x125xi32, #tpu.memory_space<hbm>> -> memref<160x125xi32, #tpu.memory_space<hbm>>
      %dma_start3A_122 = arith.constant 0 : i32
      %dma_start3A_123 = tpu.memref_slice %arg3[%run_scoped3A, %mul3A_0, %dma_start3A_122] : memref<2x2560x125xi32, #tpu.memory_space<hbm>> -> memref<1x160x125xi32, #tpu.memory_space<hbm>>
      %dma_start3A_124 = tpu.memref_squeeze %dma_start3A_123 : memref<1x160x125xi32, #tpu.memory_space<hbm>> -> memref<160x125xi32, #tpu.memory_space<hbm>>
      tpu.enqueue_dma source(%dma_start3A_124 : memref<160x125xi32, #tpu.memory_space<hbm>>) target(%arg5 : memref<160x125xi32, #tpu.memory_space<vmem>>) target_semaphore(%run_scoped3A_118 : memref<!tpu.dma_semaphore, #tpu.memory_space<semaphore_mem>>)
      %dma_wait3A = arith.constant 0 : i32
      %dma_wait3A_125 = tpu.memref_slice %arg3[%run_scoped3A, %mul3A_0, %dma_wait3A] : memref<2x2560x125xi32, #tpu.memory_space<hbm>> -> memref<1x160x125xi32, #tpu.memory_space<hbm>>
      %dma_wait3A_126 = tpu.memref_squeeze %dma_wait3A_125 : memref<1x160x125xi32, #tpu.memory_space<hbm>> -> memref<160x125xi32, #tpu.memory_space<hbm>>
      %dma_wait3A_127 = arith.constant 0 : i32
      %dma_wait3A_128 = tpu.memref_slice %arg3[%run_scoped3A, %mul3A_0, %dma_wait3A_127] : memref<2x2560x125xi32, #tpu.memory_space<hbm>> -> memref<1x160x125xi32, #tpu.memory_space<hbm>>
      %dma_wait3A_129 = tpu.memref_squeeze %dma_wait3A_128 : memref<1x160x125xi32, #tpu.memory_space<hbm>> -> memref<160x125xi32, #tpu.memory_space<hbm>>
      tpu.wait_dma2 semaphore(%run_scoped3A_118 : memref<!tpu.dma_semaphore, #tpu.memory_space<semaphore_mem>>) src(%dma_wait3A_129 : memref<160x125xi32, #tpu.memory_space<hbm>>) dst(%arg5 : memref<160x125xi32, #tpu.memory_space<vmem>>)
      tpu.yield
    }) : () -> ()
    %mul3A_1 = arith.constant 160 : i32
    %mul3A_2 = arith.muli %arg1, %mul3A_1 : i32
    %run_scoped3A_3 = arith.constant 1 : i32
    "tpu.region"() ({
      %run_scoped3A_118 = tpu.sem_alloc : memref<!tpu.dma_semaphore, #tpu.memory_space<semaphore_mem>>
      %dma_start3A_119 = arith.constant 0 : i32
      %dma_start3A_120 = tpu.memref_slice %arg3[%run_scoped3A_3, %mul3A_2, %dma_start3A_119] : memref<2x2560x125xi32, #tpu.memory_space<hbm>> -> memref<1x160x125xi32, #tpu.memory_space<hbm>>
      %dma_start3A_121 = tpu.memref_squeeze %dma_start3A_120 : memref<1x160x125xi32, #tpu.memory_space<hbm>> -> memref<160x125xi32, #tpu.memory_space<hbm>>
      %dma_start3A_122 = arith.constant 0 : i32
      %dma_start3A_123 = tpu.memref_slice %arg3[%run_scoped3A_3, %mul3A_2, %dma_start3A_122] : memref<2x2560x125xi32, #tpu.memory_space<hbm>> -> memref<1x160x125xi32, #tpu.memory_space<hbm>>
      %dma_start3A_124 = tpu.memref_squeeze %dma_start3A_123 : memref<1x160x125xi32, #tpu.memory_space<hbm>> -> memref<160x125xi32, #tpu.memory_space<hbm>>
      tpu.enqueue_dma source(%dma_start3A_124 : memref<160x125xi32, #tpu.memory_space<hbm>>) target(%arg6 : memref<160x125xi32, #tpu.memory_space<vmem>>) target_semaphore(%run_scoped3A_118 : memref<!tpu.dma_semaphore, #tpu.memory_space<semaphore_mem>>)
      %dma_wait3A = arith.constant 0 : i32
      %dma_wait3A_125 = tpu.memref_slice %arg3[%run_scoped3A_3, %mul3A_2, %dma_wait3A] : memref<2x2560x125xi32, #tpu.memory_space<hbm>> -> memref<1x160x125xi32, #tpu.memory_space<hbm>>
      %dma_wait3A_126 = tpu.memref_squeeze %dma_wait3A_125 : memref<1x160x125xi32, #tpu.memory_space<hbm>> -> memref<160x125xi32, #tpu.memory_space<hbm>>
      %dma_wait3A_127 = arith.constant 0 : i32
      %dma_wait3A_128 = tpu.memref_slice %arg3[%run_scoped3A_3, %mul3A_2, %dma_wait3A_127] : memref<2x2560x125xi32, #tpu.memory_space<hbm>> -> memref<1x160x125xi32, #tpu.memory_space<hbm>>
      %dma_wait3A_129 = tpu.memref_squeeze %dma_wait3A_128 : memref<1x160x125xi32, #tpu.memory_space<hbm>> -> memref<160x125xi32, #tpu.memory_space<hbm>>
      tpu.wait_dma2 semaphore(%run_scoped3A_118 : memref<!tpu.dma_semaphore, #tpu.memory_space<semaphore_mem>>) src(%dma_wait3A_129 : memref<160x125xi32, #tpu.memory_space<hbm>>) dst(%arg6 : memref<160x125xi32, #tpu.memory_space<vmem>>)
      tpu.yield
    }) : () -> ()
    %dma_start3A = arith.constant 0 : i32
    %dma_start3A_4 = arith.constant 0 : i32
    %dma_start3A_5 = arith.constant 0 : i32
    %dma_start3A_6 = arith.constant 0 : i32
    %dma_start3A_7 = tpu.memref_slice %arg7[%dma_start3A_4, %dma_start3A_5, %dma_start3A_6] : memref<5x125x64xf32, #tpu.memory_space<vmem>> -> memref<1x125x64xf32, #tpu.memory_space<vmem>>
    %dma_start3A_8 = tpu.memref_squeeze %dma_start3A_7 : memref<1x125x64xf32, #tpu.memory_space<vmem>> -> memref<125x64xf32, #tpu.memory_space<vmem>>
    %dma_start3A_9 = arith.constant 0 : i32
    %dma_start3A_10 = tpu.memref_slice %arg5[%dma_start3A, %dma_start3A_9] : memref<160x125xi32, #tpu.memory_space<vmem>> -> memref<1x125xi32, #tpu.memory_space<vmem>>
    %dma_start3A_11 = tpu.memref_squeeze %dma_start3A_10 : memref<1x125xi32, #tpu.memory_space<vmem>> -> memref<125xi32, #tpu.memory_space<vmem>>
    %dma_start3A_12 = arith.constant 0 : i32
    %dma_start3A_13 = arith.constant 0 : i32
    %dma_start3A_14 = tpu.memref_slice %arg2[%arg0, %dma_start3A_12, %dma_start3A_13] : memref<2x10000x64xf32, #tpu.memory_space<hbm>> -> memref<1x10000x64xf32, #tpu.memory_space<hbm>>
    %dma_start3A_15 = tpu.memref_squeeze %dma_start3A_14 : memref<1x10000x64xf32, #tpu.memory_space<hbm>> -> memref<10000x64xf32, #tpu.memory_space<hbm>>
    %dma_start3A_16 = arith.constant 0 : i32
    %dma_start3A_17 = arith.constant 0 : i32
    %dma_start3A_18 = tpu.memref_slice %dma_start3A_15[%dma_start3A_16, %dma_start3A_17] : memref<10000x64xf32, #tpu.memory_space<hbm>> -> memref<10000x64xf32, #tpu.memory_space<hbm>>
    tpu.enqueue_indirect_dma source(%dma_start3A_18 : memref<10000x64xf32, #tpu.memory_space<hbm>>) target(%dma_start3A_8 : memref<125x64xf32, #tpu.memory_space<vmem>>) offsets(%dma_start3A_11 : memref<125xi32, #tpu.memory_space<vmem>>) semaphore(%arg10 : memref<!tpu.dma_semaphore, #tpu.memory_space<semaphore_mem>>)
    %dma_start3A_19 = arith.constant 1 : i32
    %dma_start3A_20 = arith.constant 1 : i32
    %dma_start3A_21 = arith.constant 0 : i32
    %dma_start3A_22 = arith.constant 0 : i32
    %dma_start3A_23 = tpu.memref_slice %arg7[%dma_start3A_20, %dma_start3A_21, %dma_start3A_22] : memref<5x125x64xf32, #tpu.memory_space<vmem>> -> memref<1x125x64xf32, #tpu.memory_space<vmem>>
    %dma_start3A_24 = tpu.memref_squeeze %dma_start3A_23 : memref<1x125x64xf32, #tpu.memory_space<vmem>> -> memref<125x64xf32, #tpu.memory_space<vmem>>
    %dma_start3A_25 = arith.constant 0 : i32
    %dma_start3A_26 = tpu.memref_slice %arg5[%dma_start3A_19, %dma_start3A_25] : memref<160x125xi32, #tpu.memory_space<vmem>> -> memref<1x125xi32, #tpu.memory_space<vmem>>
    %dma_start3A_27 = tpu.memref_squeeze %dma_start3A_26 : memref<1x125xi32, #tpu.memory_space<vmem>> -> memref<125xi32, #tpu.memory_space<vmem>>
    %dma_start3A_28 = arith.constant 0 : i32
    %dma_start3A_29 = arith.constant 0 : i32
    %dma_start3A_30 = tpu.memref_slice %arg2[%arg0, %dma_start3A_28, %dma_start3A_29] : memref<2x10000x64xf32, #tpu.memory_space<hbm>> -> memref<1x10000x64xf32, #tpu.memory_space<hbm>>
    %dma_start3A_31 = tpu.memref_squeeze %dma_start3A_30 : memref<1x10000x64xf32, #tpu.memory_space<hbm>> -> memref<10000x64xf32, #tpu.memory_space<hbm>>
    %dma_start3A_32 = arith.constant 0 : i32
    %dma_start3A_33 = arith.constant 0 : i32
    %dma_start3A_34 = tpu.memref_slice %dma_start3A_31[%dma_start3A_32, %dma_start3A_33] : memref<10000x64xf32, #tpu.memory_space<hbm>> -> memref<10000x64xf32, #tpu.memory_space<hbm>>
    tpu.enqueue_indirect_dma source(%dma_start3A_34 : memref<10000x64xf32, #tpu.memory_space<hbm>>) target(%dma_start3A_24 : memref<125x64xf32, #tpu.memory_space<vmem>>) offsets(%dma_start3A_27 : memref<125xi32, #tpu.memory_space<vmem>>) semaphore(%arg11 : memref<!tpu.dma_semaphore, #tpu.memory_space<semaphore_mem>>)
    %scan3A = arith.constant 0 : i32
    %scan3A_35 = arith.constant 0 : i32
    %scan3A_36 = arith.constant 128 : i32
    %scan3A_37 = arith.addi %scan3A_35, %scan3A_36 : i32
    %scan3A_38 = arith.constant 1 : i32
    scf.for %scan3A_118 = %scan3A_35 to %scan3A_37 step %scan3A_38  : i32 {
      %broadcast_in_dim3A = arith.constant 0.000000e+00 : f32
      %broadcast_in_dim3A_119 = vector.broadcast %broadcast_in_dim3A : f32 to vector<16xf32>
      %swap3A = arith.index_cast %scan3A_118 : i32 to index
      %swap3A_120 = arith.constant 0 : index
      %swap3A_121 = tpu.vector_load %arg8[%swap3A, %swap3A_120] {strides = array<i32>} : memref<128x64xf32, #tpu.memory_space<vmem>>, vector<1x16xf32>,
      %swap3A_122 = vector.shape_cast %swap3A_121 : vector<1x16xf32> to vector<16xf32>
      %swap3A_123 = vector.shape_cast %broadcast_in_dim3A_119 : vector<16xf32> to vector<1x16xf32>
      tpu.vector_store %arg8[%swap3A, %swap3A_120], %swap3A_123 {strides = array<i32>} : memref<128x64xf32, #tpu.memory_space<vmem>>, vector<1x16xf32>,
      %broadcast_in_dim3A_124 = arith.constant 0.000000e+00 : f32
      %broadcast_in_dim3A_125 = vector.broadcast %broadcast_in_dim3A_124 : f32 to vector<16xf32>
      %swap3A_126 = arith.index_cast %scan3A_118 : i32 to index
      %swap3A_127 = arith.constant 16 : index
      %swap3A_128 = tpu.vector_load %arg8[%swap3A_126, %swap3A_127] {strides = array<i32>} : memref<128x64xf32, #tpu.memory_space<vmem>>, vector<1x16xf32>,
      %swap3A_129 = vector.shape_cast %swap3A_128 : vector<1x16xf32> to vector<16xf32>
      %swap3A_130 = vector.shape_cast %broadcast_in_dim3A_125 : vector<16xf32> to vector<1x16xf32>
      tpu.vector_store %arg8[%swap3A_126, %swap3A_127], %swap3A_130 {strides = array<i32>} : memref<128x64xf32, #tpu.memory_space<vmem>>, vector<1x16xf32>,
      %broadcast_in_dim3A_131 = arith.constant 0.000000e+00 : f32
      %broadcast_in_dim3A_132 = vector.broadcast %broadcast_in_dim3A_131 : f32 to vector<16xf32>
      %swap3A_133 = arith.index_cast %scan3A_118 : i32 to index
      %swap3A_134 = arith.constant 32 : index
      %swap3A_135 = tpu.vector_load %arg8[%swap3A_133, %swap3A_134] {strides = array<i32>} : memref<128x64xf32, #tpu.memory_space<vmem>>, vector<1x16xf32>,
      %swap3A_136 = vector.shape_cast %swap3A_135 : vector<1x16xf32> to vector<16xf32>
      %swap3A_137 = vector.shape_cast %broadcast_in_dim3A_132 : vector<16xf32> to vector<1x16xf32>
      tpu.vector_store %arg8[%swap3A_133, %swap3A_134], %swap3A_137 {strides = array<i32>} : memref<128x64xf32, #tpu.memory_space<vmem>>, vector<1x16xf32>,
      %broadcast_in_dim3A_138 = arith.constant 0.000000e+00 : f32
      %broadcast_in_dim3A_139 = vector.broadcast %broadcast_in_dim3A_138 : f32 to vector<16xf32>
      %swap3A_140 = arith.index_cast %scan3A_118 : i32 to index
      %swap3A_141 = arith.constant 48 : index
      %swap3A_142 = tpu.vector_load %arg8[%swap3A_140, %swap3A_141] {strides = array<i32>} : memref<128x64xf32, #tpu.memory_space<vmem>>, vector<1x16xf32>,
      %swap3A_143 = vector.shape_cast %swap3A_142 : vector<1x16xf32> to vector<16xf32>
      %swap3A_144 = vector.shape_cast %broadcast_in_dim3A_139 : vector<16xf32> to vector<1x16xf32>
      tpu.vector_store %arg8[%swap3A_140, %swap3A_141], %swap3A_144 {strides = array<i32>} : memref<128x64xf32, #tpu.memory_space<vmem>>, vector<1x16xf32>,
    }
    %scan3A_39 = arith.constant 128 : i32
    %mul3A_40 = arith.constant 640 : i32
    %mul3A_41 = arith.muli %arg1, %mul3A_40 : i32
    %add3A = arith.constant 0 : i32
    %add3A_42 = arith.addi %mul3A_41, %add3A : i32
    "tpu.region"() ({
      %run_scoped3A_118 = tpu.sem_alloc : memref<!tpu.dma_semaphore, #tpu.memory_space<semaphore_mem>>
      %dma_start3A_119 = arith.constant 0 : i32
      %dma_start3A_120 = tpu.memref_slice %arg9[%add3A_42, %dma_start3A_119] : memref<10240x64xf32, #tpu.memory_space<vmem_shared>> -> memref<128x64xf32, #tpu.memory_space<vmem_shared>>
      %dma_start3A_121 = arith.constant 0 : i32
      %dma_start3A_122 = tpu.memref_slice %arg9[%add3A_42, %dma_start3A_121] : memref<10240x64xf32, #tpu.memory_space<vmem_shared>> -> memref<128x64xf32, #tpu.memory_space<vmem_shared>>
      tpu.enqueue_dma source(%arg8 : memref<128x64xf32, #tpu.memory_space<vmem>>) target(%dma_start3A_122 : memref<128x64xf32, #tpu.memory_space<vmem_shared>>) target_semaphore(%run_scoped3A_118 : memref<!tpu.dma_semaphore, #tpu.memory_space<semaphore_mem>>)
      %dma_wait3A = arith.constant 0 : i32
      %dma_wait3A_123 = tpu.memref_slice %arg9[%add3A_42, %dma_wait3A] : memref<10240x64xf32, #tpu.memory_space<vmem_shared>> -> memref<128x64xf32, #tpu.memory_space<vmem_shared>>
      %dma_wait3A_124 = arith.constant 0 : i32
      %dma_wait3A_125 = tpu.memref_slice %arg9[%add3A_42, %dma_wait3A_124] : memref<10240x64xf32, #tpu.memory_space<vmem_shared>> -> memref<128x64xf32, #tpu.memory_space<vmem_shared>>
      tpu.wait_dma2 semaphore(%run_scoped3A_118 : memref<!tpu.dma_semaphore, #tpu.memory_space<semaphore_mem>>) src(%arg8 : memref<128x64xf32, #tpu.memory_space<vmem>>) dst(%dma_wait3A_125 : memref<128x64xf32, #tpu.memory_space<vmem_shared>>)
      tpu.yield
    }) : () -> ()
    %mul3A_43 = arith.constant 640 : i32
    %mul3A_44 = arith.muli %arg1, %mul3A_43 : i32
    %add3A_45 = arith.constant 128 : i32
    %add3A_46 = arith.addi %mul3A_44, %add3A_45 : i32
    "tpu.region"() ({
      %run_scoped3A_118 = tpu.sem_alloc : memref<!tpu.dma_semaphore, #tpu.memory_space<semaphore_mem>>
      %dma_start3A_119 = arith.constant 0 : i32
      %dma_start3A_120 = tpu.memref_slice %arg9[%add3A_46, %dma_start3A_119] : memref<10240x64xf32, #tpu.memory_space<vmem_shared>> -> memref<128x64xf32, #tpu.memory_space<vmem_shared>>
      %dma_start3A_121 = arith.constant 0 : i32
      %dma_start3A_122 = tpu.memref_slice %arg9[%add3A_46, %dma_start3A_121] : memref<10240x64xf32, #tpu.memory_space<vmem_shared>> -> memref<128x64xf32, #tpu.memory_space<vmem_shared>>
      tpu.enqueue_dma source(%arg8 : memref<128x64xf32, #tpu.memory_space<vmem>>) target(%dma_start3A_122 : memref<128x64xf32, #tpu.memory_space<vmem_shared>>) target_semaphore(%run_scoped3A_118 : memref<!tpu.dma_semaphore, #tpu.memory_space<semaphore_mem>>)
      %dma_wait3A = arith.constant 0 : i32
      %dma_wait3A_123 = tpu.memref_slice %arg9[%add3A_46, %dma_wait3A] : memref<10240x64xf32, #tpu.memory_space<vmem_shared>> -> memref<128x64xf32, #tpu.memory_space<vmem_shared>>
      %dma_wait3A_124 = arith.constant 0 : i32
      %dma_wait3A_125 = tpu.memref_slice %arg9[%add3A_46, %dma_wait3A_124] : memref<10240x64xf32, #tpu.memory_space<vmem_shared>> -> memref<128x64xf32, #tpu.memory_space<vmem_shared>>
      tpu.wait_dma2 semaphore(%run_scoped3A_118 : memref<!tpu.dma_semaphore, #tpu.memory_space<semaphore_mem>>) src(%arg8 : memref<128x64xf32, #tpu.memory_space<vmem>>) dst(%dma_wait3A_125 : memref<128x64xf32, #tpu.memory_space<vmem_shared>>)
      tpu.yield
    }) : () -> ()
    %mul3A_47 = arith.constant 640 : i32
    %mul3A_48 = arith.muli %arg1, %mul3A_47 : i32
    %add3A_49 = arith.constant 256 : i32
    %add3A_50 = arith.addi %mul3A_48, %add3A_49 : i32
    "tpu.region"() ({
      %run_scoped3A_118 = tpu.sem_alloc : memref<!tpu.dma_semaphore, #tpu.memory_space<semaphore_mem>>
      %dma_start3A_119 = arith.constant 0 : i32
      %dma_start3A_120 = tpu.memref_slice %arg9[%add3A_50, %dma_start3A_119] : memref<10240x64xf32, #tpu.memory_space<vmem_shared>> -> memref<128x64xf32, #tpu.memory_space<vmem_shared>>
      %dma_start3A_121 = arith.constant 0 : i32
      %dma_start3A_122 = tpu.memref_slice %arg9[%add3A_50, %dma_start3A_121] : memref<10240x64xf32, #tpu.memory_space<vmem_shared>> -> memref<128x64xf32, #tpu.memory_space<vmem_shared>>
      tpu.enqueue_dma source(%arg8 : memref<128x64xf32, #tpu.memory_space<vmem>>) target(%dma_start3A_122 : memref<128x64xf32, #tpu.memory_space<vmem_shared>>) target_semaphore(%run_scoped3A_118 : memref<!tpu.dma_semaphore, #tpu.memory_space<semaphore_mem>>)
      %dma_wait3A = arith.constant 0 : i32
      %dma_wait3A_123 = tpu.memref_slice %arg9[%add3A_50, %dma_wait3A] : memref<10240x64xf32, #tpu.memory_space<vmem_shared>> -> memref<128x64xf32, #tpu.memory_space<vmem_shared>>
      %dma_wait3A_124 = arith.constant 0 : i32
      %dma_wait3A_125 = tpu.memref_slice %arg9[%add3A_50, %dma_wait3A_124] : memref<10240x64xf32, #tpu.memory_space<vmem_shared>> -> memref<128x64xf32, #tpu.memory_space<vmem_shared>>
      tpu.wait_dma2 semaphore(%run_scoped3A_118 : memref<!tpu.dma_semaphore, #tpu.memory_space<semaphore_mem>>) src(%arg8 : memref<128x64xf32, #tpu.memory_space<vmem>>) dst(%dma_wait3A_125 : memref<128x64xf32, #tpu.memory_space<vmem_shared>>)
      tpu.yield
    }) : () -> ()
    %mul3A_51 = arith.constant 640 : i32
    %mul3A_52 = arith.muli %arg1, %mul3A_51 : i32
    %add3A_53 = arith.constant 384 : i32
    %add3A_54 = arith.addi %mul3A_52, %add3A_53 : i32
    "tpu.region"() ({
      %run_scoped3A_118 = tpu.sem_alloc : memref<!tpu.dma_semaphore, #tpu.memory_space<semaphore_mem>>
      %dma_start3A_119 = arith.constant 0 : i32
      %dma_start3A_120 = tpu.memref_slice %arg9[%add3A_54, %dma_start3A_119] : memref<10240x64xf32, #tpu.memory_space<vmem_shared>> -> memref<128x64xf32, #tpu.memory_space<vmem_shared>>
      %dma_start3A_121 = arith.constant 0 : i32
      %dma_start3A_122 = tpu.memref_slice %arg9[%add3A_54, %dma_start3A_121] : memref<10240x64xf32, #tpu.memory_space<vmem_shared>> -> memref<128x64xf32, #tpu.memory_space<vmem_shared>>
      tpu.enqueue_dma source(%arg8 : memref<128x64xf32, #tpu.memory_space<vmem>>) target(%dma_start3A_122 : memref<128x64xf32, #tpu.memory_space<vmem_shared>>) target_semaphore(%run_scoped3A_118 : memref<!tpu.dma_semaphore, #tpu.memory_space<semaphore_mem>>)
      %dma_wait3A = arith.constant 0 : i32
      %dma_wait3A_123 = tpu.memref_slice %arg9[%add3A_54, %dma_wait3A] : memref<10240x64xf32, #tpu.memory_space<vmem_shared>> -> memref<128x64xf32, #tpu.memory_space<vmem_shared>>
      %dma_wait3A_124 = arith.constant 0 : i32
      %dma_wait3A_125 = tpu.memref_slice %arg9[%add3A_54, %dma_wait3A_124] : memref<10240x64xf32, #tpu.memory_space<vmem_shared>> -> memref<128x64xf32, #tpu.memory_space<vmem_shared>>
      tpu.wait_dma2 semaphore(%run_scoped3A_118 : memref<!tpu.dma_semaphore, #tpu.memory_space<semaphore_mem>>) src(%arg8 : memref<128x64xf32, #tpu.memory_space<vmem>>) dst(%dma_wait3A_125 : memref<128x64xf32, #tpu.memory_space<vmem_shared>>)
      tpu.yield
    }) : () -> ()
    %mul3A_55 = arith.constant 640 : i32
    %mul3A_56 = arith.muli %arg1, %mul3A_55 : i32
    %add3A_57 = arith.constant 512 : i32
    %add3A_58 = arith.addi %mul3A_56, %add3A_57 : i32
    "tpu.region"() ({
      %run_scoped3A_118 = tpu.sem_alloc : memref<!tpu.dma_semaphore, #tpu.memory_space<semaphore_mem>>
      %dma_start3A_119 = arith.constant 0 : i32
      %dma_start3A_120 = tpu.memref_slice %arg9[%add3A_58, %dma_start3A_119] : memref<10240x64xf32, #tpu.memory_space<vmem_shared>> -> memref<128x64xf32, #tpu.memory_space<vmem_shared>>
      %dma_start3A_121 = arith.constant 0 : i32
      %dma_start3A_122 = tpu.memref_slice %arg9[%add3A_58, %dma_start3A_121] : memref<10240x64xf32, #tpu.memory_space<vmem_shared>> -> memref<128x64xf32, #tpu.memory_space<vmem_shared>>
      tpu.enqueue_dma source(%arg8 : memref<128x64xf32, #tpu.memory_space<vmem>>) target(%dma_start3A_122 : memref<128x64xf32, #tpu.memory_space<vmem_shared>>) target_semaphore(%run_scoped3A_118 : memref<!tpu.dma_semaphore, #tpu.memory_space<semaphore_mem>>)
      %dma_wait3A = arith.constant 0 : i32
      %dma_wait3A_123 = tpu.memref_slice %arg9[%add3A_58, %dma_wait3A] : memref<10240x64xf32, #tpu.memory_space<vmem_shared>> -> memref<128x64xf32, #tpu.memory_space<vmem_shared>>
      %dma_wait3A_124 = arith.constant 0 : i32
      %dma_wait3A_125 = tpu.memref_slice %arg9[%add3A_58, %dma_wait3A_124] : memref<10240x64xf32, #tpu.memory_space<vmem_shared>> -> memref<128x64xf32, #tpu.memory_space<vmem_shared>>
      tpu.wait_dma2 semaphore(%run_scoped3A_118 : memref<!tpu.dma_semaphore, #tpu.memory_space<semaphore_mem>>) src(%arg8 : memref<128x64xf32, #tpu.memory_space<vmem>>) dst(%dma_wait3A_125 : memref<128x64xf32, #tpu.memory_space<vmem_shared>>)
      tpu.yield
    }) : () -> ()
    %barrier3A = arith.constant 0 : index
    tpu.barrier barrier_id(%barrier3A)
    %dma_start3A_59 = arith.constant 2 : i32
    %dma_start3A_60 = arith.constant 2 : i32
    %dma_start3A_61 = arith.constant 0 : i32
    %dma_start3A_62 = arith.constant 0 : i32
    %dma_start3A_63 = tpu.memref_slice %arg7[%dma_start3A_60, %dma_start3A_61, %dma_start3A_62] : memref<5x125x64xf32, #tpu.memory_space<vmem>> -> memref<1x125x64xf32, #tpu.memory_space<vmem>>
    %dma_start3A_64 = tpu.memref_squeeze %dma_start3A_63 : memref<1x125x64xf32, #tpu.memory_space<vmem>> -> memref<125x64xf32, #tpu.memory_space<vmem>>
    %dma_start3A_65 = arith.constant 0 : i32
    %dma_start3A_66 = tpu.memref_slice %arg5[%dma_start3A_59, %dma_start3A_65] : memref<160x125xi32, #tpu.memory_space<vmem>> -> memref<1x125xi32, #tpu.memory_space<vmem>>
    %dma_start3A_67 = tpu.memref_squeeze %dma_start3A_66 : memref<1x125xi32, #tpu.memory_space<vmem>> -> memref<125xi32, #tpu.memory_space<vmem>>
    %dma_start3A_68 = arith.constant 0 : i32
    %dma_start3A_69 = arith.constant 0 : i32
    %dma_start3A_70 = tpu.memref_slice %arg2[%arg0, %dma_start3A_68, %dma_start3A_69] : memref<2x10000x64xf32, #tpu.memory_space<hbm>> -> memref<1x10000x64xf32, #tpu.memory_space<hbm>>
    %dma_start3A_71 = tpu.memref_squeeze %dma_start3A_70 : memref<1x10000x64xf32, #tpu.memory_space<hbm>> -> memref<10000x64xf32, #tpu.memory_space<hbm>>
    %dma_start3A_72 = arith.constant 0 : i32
    %dma_start3A_73 = arith.constant 0 : i32
    %dma_start3A_74 = tpu.memref_slice %dma_start3A_71[%dma_start3A_72, %dma_start3A_73] : memref<10000x64xf32, #tpu.memory_space<hbm>> -> memref<10000x64xf32, #tpu.memory_space<hbm>>
    tpu.enqueue_indirect_dma source(%dma_start3A_74 : memref<10000x64xf32, #tpu.memory_space<hbm>>) target(%dma_start3A_64 : memref<125x64xf32, #tpu.memory_space<vmem>>) offsets(%dma_start3A_67 : memref<125xi32, #tpu.memory_space<vmem>>) semaphore(%arg12 : memref<!tpu.dma_semaphore, #tpu.memory_space<semaphore_mem>>)
    %dma_start3A_75 = arith.constant 3 : i32
    %dma_start3A_76 = arith.constant 3 : i32
    %dma_start3A_77 = arith.constant 0 : i32
    %dma_start3A_78 = arith.constant 0 : i32
    %dma_start3A_79 = tpu.memref_slice %arg7[%dma_start3A_76, %dma_start3A_77, %dma_start3A_78] : memref<5x125x64xf32, #tpu.memory_space<vmem>> -> memref<1x125x64xf32, #tpu.memory_space<vmem>>
    %dma_start3A_80 = tpu.memref_squeeze %dma_start3A_79 : memref<1x125x64xf32, #tpu.memory_space<vmem>> -> memref<125x64xf32, #tpu.memory_space<vmem>>
    %dma_start3A_81 = arith.constant 0 : i32
    %dma_start3A_82 = tpu.memref_slice %arg5[%dma_start3A_75, %dma_start3A_81] : memref<160x125xi32, #tpu.memory_space<vmem>> -> memref<1x125xi32, #tpu.memory_space<vmem>>
    %dma_start3A_83 = tpu.memref_squeeze %dma_start3A_82 : memref<1x125xi32, #tpu.memory_space<vmem>> -> memref<125xi32, #tpu.memory_space<vmem>>
    %dma_start3A_84 = arith.constant 0 : i32
    %dma_start3A_85 = arith.constant 0 : i32
    %dma_start3A_86 = tpu.memref_slice %arg2[%arg0, %dma_start3A_84, %dma_start3A_85] : memref<2x10000x64xf32, #tpu.memory_space<hbm>> -> memref<1x10000x64xf32, #tpu.memory_space<hbm>>
    %dma_start3A_87 = tpu.memref_squeeze %dma_start3A_86 : memref<1x10000x64xf32, #tpu.memory_space<hbm>> -> memref<10000x64xf32, #tpu.memory_space<hbm>>
    %dma_start3A_88 = arith.constant 0 : i32
    %dma_start3A_89 = arith.constant 0 : i32
    %dma_start3A_90 = tpu.memref_slice %dma_start3A_87[%dma_start3A_88, %dma_start3A_89] : memref<10000x64xf32, #tpu.memory_space<hbm>> -> memref<10000x64xf32, #tpu.memory_space<hbm>>
    tpu.enqueue_indirect_dma source(%dma_start3A_90 : memref<10000x64xf32, #tpu.memory_space<hbm>>) target(%dma_start3A_80 : memref<125x64xf32, #tpu.memory_space<vmem>>) offsets(%dma_start3A_83 : memref<125xi32, #tpu.memory_space<vmem>>) semaphore(%arg13 : memref<!tpu.dma_semaphore, #tpu.memory_space<semaphore_mem>>)
    %dma_start3A_91 = arith.constant 4 : i32
    %dma_start3A_92 = arith.constant 4 : i32
    %dma_start3A_93 = arith.constant 0 : i32
    %dma_start3A_94 = arith.constant 0 : i32
    %dma_start3A_95 = tpu.memref_slice %arg7[%dma_start3A_92, %dma_start3A_93, %dma_start3A_94] : memref<5x125x64xf32, #tpu.memory_space<vmem>> -> memref<1x125x64xf32, #tpu.memory_space<vmem>>
    %dma_start3A_96 = tpu.memref_squeeze %dma_start3A_95 : memref<1x125x64xf32, #tpu.memory_space<vmem>> -> memref<125x64xf32, #tpu.memory_space<vmem>>
    %dma_start3A_97 = arith.constant 0 : i32
    %dma_start3A_98 = tpu.memref_slice %arg5[%dma_start3A_91, %dma_start3A_97] : memref<160x125xi32, #tpu.memory_space<vmem>> -> memref<1x125xi32, #tpu.memory_space<vmem>>
    %dma_start3A_99 = tpu.memref_squeeze %dma_start3A_98 : memref<1x125xi32, #tpu.memory_space<vmem>> -> memref<125xi32, #tpu.memory_space<vmem>>
    %dma_start3A_100 = arith.constant 0 : i32
    %dma_start3A_101 = arith.constant 0 : i32
    %dma_start3A_102 = tpu.memref_slice %arg2[%arg0, %dma_start3A_100, %dma_start3A_101] : memref<2x10000x64xf32, #tpu.memory_space<hbm>> -> memref<1x10000x64xf32, #tpu.memory_space<hbm>>
    %dma_start3A_103 = tpu.memref_squeeze %dma_start3A_102 : memref<1x10000x64xf32, #tpu.memory_space<hbm>> -> memref<10000x64xf32, #tpu.memory_space<hbm>>
    %dma_start3A_104 = arith.constant 0 : i32
    %dma_start3A_105 = arith.constant 0 : i32
    %dma_start3A_106 = tpu.memref_slice %dma_start3A_103[%dma_start3A_104, %dma_start3A_105] : memref<10000x64xf32, #tpu.memory_space<hbm>> -> memref<10000x64xf32, #tpu.memory_space<hbm>>
    tpu.enqueue_indirect_dma source(%dma_start3A_106 : memref<10000x64xf32, #tpu.memory_space<hbm>>) target(%dma_start3A_96 : memref<125x64xf32, #tpu.memory_space<vmem>>) offsets(%dma_start3A_99 : memref<125xi32, #tpu.memory_space<vmem>>) semaphore(%arg14 : memref<!tpu.dma_semaphore, #tpu.memory_space<semaphore_mem>>)
    %scan3A_107 = arith.constant 0 : i32
    %scan3A_108 = arith.constant 0 : i32
    %scan3A_109 = arith.constant 32 : i32
    %scan3A_110 = arith.addi %scan3A_108, %scan3A_109 : i32
    %scan3A_111 = arith.constant 1 : i32
    scf.for %scan3A_118 = %scan3A_108 to %scan3A_110 step %scan3A_111  : i32 {
      %mul3A_119 = arith.constant 5 : i32
      %mul3A_120 = arith.muli %scan3A_118, %mul3A_119 : i32
      %add3A_121 = arith.constant 0 : i32
      %add3A_122 = arith.addi %mul3A_120, %add3A_121 : i32
      %dma_wait3A = arith.constant 0 : i32
      %dma_wait3A_123 = arith.constant 0 : i32
      %dma_wait3A_124 = arith.constant 0 : i32
      %dma_wait3A_125 = arith.constant 0 : i32
      %dma_wait3A_126 = tpu.memref_slice %arg7[%dma_wait3A_123, %dma_wait3A_124, %dma_wait3A_125] : memref<5x125x64xf32, #tpu.memory_space<vmem>> -> memref<1x125x64xf32, #tpu.memory_space<vmem>>
      %dma_wait3A_127 = tpu.memref_squeeze %dma_wait3A_126 : memref<1x125x64xf32, #tpu.memory_space<vmem>> -> memref<125x64xf32, #tpu.memory_space<vmem>>
      %dma_wait3A_128 = arith.constant 0 : i32
      %dma_wait3A_129 = tpu.memref_slice %arg5[%dma_wait3A, %dma_wait3A_128] : memref<160x125xi32, #tpu.memory_space<vmem>> -> memref<1x125xi32, #tpu.memory_space<vmem>>
      %dma_wait3A_130 = tpu.memref_squeeze %dma_wait3A_129 : memref<1x125xi32, #tpu.memory_space<vmem>> -> memref<125xi32, #tpu.memory_space<vmem>>
      %dma_wait3A_131 = arith.constant 0 : i32
      %dma_wait3A_132 = arith.constant 0 : i32
      %dma_wait3A_133 = tpu.memref_slice %arg2[%arg0, %dma_wait3A_131, %dma_wait3A_132] : memref<2x10000x64xf32, #tpu.memory_space<hbm>> -> memref<1x10000x64xf32, #tpu.memory_space<hbm>>
      %dma_wait3A_134 = tpu.memref_squeeze %dma_wait3A_133 : memref<1x10000x64xf32, #tpu.memory_space<hbm>> -> memref<10000x64xf32, #tpu.memory_space<hbm>>
      %dma_wait3A_135 = arith.constant 0 : i32
      %dma_wait3A_136 = arith.constant 0 : i32
      %dma_wait3A_137 = tpu.memref_slice %dma_wait3A_134[%dma_wait3A_135, %dma_wait3A_136] : memref<10000x64xf32, #tpu.memory_space<hbm>> -> memref<10000x64xf32, #tpu.memory_space<hbm>>
      tpu.wait_indirect_dma semaphore(%arg10 : memref<!tpu.dma_semaphore, #tpu.memory_space<semaphore_mem>>) src(%dma_wait3A_137 : memref<10000x64xf32, #tpu.memory_space<hbm>>) dst(%dma_wait3A_127 : memref<125x64xf32, #tpu.memory_space<vmem>>)
      %dma_start3A_138 = arith.constant 0 : i32
      %dma_start3A_139 = arith.constant 0 : i32
      %dma_start3A_140 = arith.constant 0 : i32
      %dma_start3A_141 = tpu.memref_slice %arg7[%dma_start3A_138, %dma_start3A_139, %dma_start3A_140] : memref<5x125x64xf32, #tpu.memory_space<vmem>> -> memref<1x125x64xf32, #tpu.memory_space<vmem>>
      %dma_start3A_142 = tpu.memref_squeeze %dma_start3A_141 : memref<1x125x64xf32, #tpu.memory_space<vmem>> -> memref<125x64xf32, #tpu.memory_space<vmem>>
      %dma_start3A_143 = arith.constant 0 : i32
      %dma_start3A_144 = tpu.memref_slice %arg6[%add3A_122, %dma_start3A_143] : memref<160x125xi32, #tpu.memory_space<vmem>> -> memref<1x125xi32, #tpu.memory_space<vmem>>
      %dma_start3A_145 = tpu.memref_squeeze %dma_start3A_144 : memref<1x125xi32, #tpu.memory_space<vmem>> -> memref<125xi32, #tpu.memory_space<vmem>>
      %dma_start3A_146 = arith.constant 0 : i32
      %dma_start3A_147 = arith.constant 0 : i32
      %dma_start3A_148 = tpu.memref_slice %arg9[%dma_start3A_146, %dma_start3A_147] : memref<10240x64xf32, #tpu.memory_space<vmem_shared>> -> memref<10240x64xf32, #tpu.memory_space<vmem_shared>>
      tpu.enqueue_indirect_dma source(%dma_start3A_142 : memref<125x64xf32, #tpu.memory_space<vmem>>) target(%dma_start3A_148 : memref<10240x64xf32, #tpu.memory_space<vmem_shared>>) offsets(%dma_start3A_145 : memref<125xi32, #tpu.memory_space<vmem>>) semaphore(%arg15 : memref<!tpu.dma_semaphore, #tpu.memory_space<semaphore_mem>>) {add = true}
      %add3A_149 = arith.constant 1 : i32
      %add3A_150 = arith.addi %mul3A_120, %add3A_149 : i32
      %dma_wait3A_151 = arith.constant 0 : i32
      %dma_wait3A_152 = arith.constant 1 : i32
      %dma_wait3A_153 = arith.constant 0 : i32
      %dma_wait3A_154 = arith.constant 0 : i32
      %dma_wait3A_155 = tpu.memref_slice %arg7[%dma_wait3A_152, %dma_wait3A_153, %dma_wait3A_154] : memref<5x125x64xf32, #tpu.memory_space<vmem>> -> memref<1x125x64xf32, #tpu.memory_space<vmem>>
      %dma_wait3A_156 = tpu.memref_squeeze %dma_wait3A_155 : memref<1x125x64xf32, #tpu.memory_space<vmem>> -> memref<125x64xf32, #tpu.memory_space<vmem>>
      %dma_wait3A_157 = arith.constant 0 : i32
      %dma_wait3A_158 = tpu.memref_slice %arg5[%dma_wait3A_151, %dma_wait3A_157] : memref<160x125xi32, #tpu.memory_space<vmem>> -> memref<1x125xi32, #tpu.memory_space<vmem>>
      %dma_wait3A_159 = tpu.memref_squeeze %dma_wait3A_158 : memref<1x125xi32, #tpu.memory_space<vmem>> -> memref<125xi32, #tpu.memory_space<vmem>>
      %dma_wait3A_160 = arith.constant 0 : i32
      %dma_wait3A_161 = arith.constant 0 : i32
      %dma_wait3A_162 = tpu.memref_slice %arg2[%arg0, %dma_wait3A_160, %dma_wait3A_161] : memref<2x10000x64xf32, #tpu.memory_space<hbm>> -> memref<1x10000x64xf32, #tpu.memory_space<hbm>>
      %dma_wait3A_163 = tpu.memref_squeeze %dma_wait3A_162 : memref<1x10000x64xf32, #tpu.memory_space<hbm>> -> memref<10000x64xf32, #tpu.memory_space<hbm>>
      %dma_wait3A_164 = arith.constant 0 : i32
      %dma_wait3A_165 = arith.constant 0 : i32
      %dma_wait3A_166 = tpu.memref_slice %dma_wait3A_163[%dma_wait3A_164, %dma_wait3A_165] : memref<10000x64xf32, #tpu.memory_space<hbm>> -> memref<10000x64xf32, #tpu.memory_space<hbm>>
      tpu.wait_indirect_dma semaphore(%arg11 : memref<!tpu.dma_semaphore, #tpu.memory_space<semaphore_mem>>) src(%dma_wait3A_166 : memref<10000x64xf32, #tpu.memory_space<hbm>>) dst(%dma_wait3A_156 : memref<125x64xf32, #tpu.memory_space<vmem>>)
      %dma_start3A_167 = arith.constant 1 : i32
      %dma_start3A_168 = arith.constant 0 : i32
      %dma_start3A_169 = arith.constant 0 : i32
      %dma_start3A_170 = tpu.memref_slice %arg7[%dma_start3A_167, %dma_start3A_168, %dma_start3A_169] : memref<5x125x64xf32, #tpu.memory_space<vmem>> -> memref<1x125x64xf32, #tpu.memory_space<vmem>>
      %dma_start3A_171 = tpu.memref_squeeze %dma_start3A_170 : memref<1x125x64xf32, #tpu.memory_space<vmem>> -> memref<125x64xf32, #tpu.memory_space<vmem>>
      %dma_start3A_172 = arith.constant 0 : i32
      %dma_start3A_173 = tpu.memref_slice %arg6[%add3A_150, %dma_start3A_172] : memref<160x125xi32, #tpu.memory_space<vmem>> -> memref<1x125xi32, #tpu.memory_space<vmem>>
      %dma_start3A_174 = tpu.memref_squeeze %dma_start3A_173 : memref<1x125xi32, #tpu.memory_space<vmem>> -> memref<125xi32, #tpu.memory_space<vmem>>
      %dma_start3A_175 = arith.constant 0 : i32
      %dma_start3A_176 = arith.constant 0 : i32
      %dma_start3A_177 = tpu.memref_slice %arg9[%dma_start3A_175, %dma_start3A_176] : memref<10240x64xf32, #tpu.memory_space<vmem_shared>> -> memref<10240x64xf32, #tpu.memory_space<vmem_shared>>
      tpu.enqueue_indirect_dma source(%dma_start3A_171 : memref<125x64xf32, #tpu.memory_space<vmem>>) target(%dma_start3A_177 : memref<10240x64xf32, #tpu.memory_space<vmem_shared>>) offsets(%dma_start3A_174 : memref<125xi32, #tpu.memory_space<vmem>>) semaphore(%arg16 : memref<!tpu.dma_semaphore, #tpu.memory_space<semaphore_mem>>) {add = true}
      %add3A_178 = arith.constant 2 : i32
      %add3A_179 = arith.addi %mul3A_120, %add3A_178 : i32
      %dma_wait3A_180 = arith.constant 0 : i32
      %dma_wait3A_181 = arith.constant 2 : i32
      %dma_wait3A_182 = arith.constant 0 : i32
      %dma_wait3A_183 = arith.constant 0 : i32
      %dma_wait3A_184 = tpu.memref_slice %arg7[%dma_wait3A_181, %dma_wait3A_182, %dma_wait3A_183] : memref<5x125x64xf32, #tpu.memory_space<vmem>> -> memref<1x125x64xf32, #tpu.memory_space<vmem>>
      %dma_wait3A_185 = tpu.memref_squeeze %dma_wait3A_184 : memref<1x125x64xf32, #tpu.memory_space<vmem>> -> memref<125x64xf32, #tpu.memory_space<vmem>>
      %dma_wait3A_186 = arith.constant 0 : i32
      %dma_wait3A_187 = tpu.memref_slice %arg5[%dma_wait3A_180, %dma_wait3A_186] : memref<160x125xi32, #tpu.memory_space<vmem>> -> memref<1x125xi32, #tpu.memory_space<vmem>>
      %dma_wait3A_188 = tpu.memref_squeeze %dma_wait3A_187 : memref<1x125xi32, #tpu.memory_space<vmem>> -> memref<125xi32, #tpu.memory_space<vmem>>
      %dma_wait3A_189 = arith.constant 0 : i32
      %dma_wait3A_190 = arith.constant 0 : i32
      %dma_wait3A_191 = tpu.memref_slice %arg2[%arg0, %dma_wait3A_189, %dma_wait3A_190] : memref<2x10000x64xf32, #tpu.memory_space<hbm>> -> memref<1x10000x64xf32, #tpu.memory_space<hbm>>
      %dma_wait3A_192 = tpu.memref_squeeze %dma_wait3A_191 : memref<1x10000x64xf32, #tpu.memory_space<hbm>> -> memref<10000x64xf32, #tpu.memory_space<hbm>>
      %dma_wait3A_193 = arith.constant 0 : i32
      %dma_wait3A_194 = arith.constant 0 : i32
      %dma_wait3A_195 = tpu.memref_slice %dma_wait3A_192[%dma_wait3A_193, %dma_wait3A_194] : memref<10000x64xf32, #tpu.memory_space<hbm>> -> memref<10000x64xf32, #tpu.memory_space<hbm>>
      tpu.wait_indirect_dma semaphore(%arg12 : memref<!tpu.dma_semaphore, #tpu.memory_space<semaphore_mem>>) src(%dma_wait3A_195 : memref<10000x64xf32, #tpu.memory_space<hbm>>) dst(%dma_wait3A_185 : memref<125x64xf32, #tpu.memory_space<vmem>>)
      %dma_start3A_196 = arith.constant 2 : i32
      %dma_start3A_197 = arith.constant 0 : i32
      %dma_start3A_198 = arith.constant 0 : i32
      %dma_start3A_199 = tpu.memref_slice %arg7[%dma_start3A_196, %dma_start3A_197, %dma_start3A_198] : memref<5x125x64xf32, #tpu.memory_space<vmem>> -> memref<1x125x64xf32, #tpu.memory_space<vmem>>
      %dma_start3A_200 = tpu.memref_squeeze %dma_start3A_199 : memref<1x125x64xf32, #tpu.memory_space<vmem>> -> memref<125x64xf32, #tpu.memory_space<vmem>>
      %dma_start3A_201 = arith.constant 0 : i32
      %dma_start3A_202 = tpu.memref_slice %arg6[%add3A_179, %dma_start3A_201] : memref<160x125xi32, #tpu.memory_space<vmem>> -> memref<1x125xi32, #tpu.memory_space<vmem>>
      %dma_start3A_203 = tpu.memref_squeeze %dma_start3A_202 : memref<1x125xi32, #tpu.memory_space<vmem>> -> memref<125xi32, #tpu.memory_space<vmem>>
      %dma_start3A_204 = arith.constant 0 : i32
      %dma_start3A_205 = arith.constant 0 : i32
      %dma_start3A_206 = tpu.memref_slice %arg9[%dma_start3A_204, %dma_start3A_205] : memref<10240x64xf32, #tpu.memory_space<vmem_shared>> -> memref<10240x64xf32, #tpu.memory_space<vmem_shared>>
      tpu.enqueue_indirect_dma source(%dma_start3A_200 : memref<125x64xf32, #tpu.memory_space<vmem>>) target(%dma_start3A_206 : memref<10240x64xf32, #tpu.memory_space<vmem_shared>>) offsets(%dma_start3A_203 : memref<125xi32, #tpu.memory_space<vmem>>) semaphore(%arg17 : memref<!tpu.dma_semaphore, #tpu.memory_space<semaphore_mem>>) {add = true}
      %add3A_207 = arith.constant 3 : i32
      %add3A_208 = arith.addi %mul3A_120, %add3A_207 : i32
      %dma_wait3A_209 = arith.constant 0 : i32
      %dma_wait3A_210 = arith.constant 3 : i32
      %dma_wait3A_211 = arith.constant 0 : i32
      %dma_wait3A_212 = arith.constant 0 : i32
      %dma_wait3A_213 = tpu.memref_slice %arg7[%dma_wait3A_210, %dma_wait3A_211, %dma_wait3A_212] : memref<5x125x64xf32, #tpu.memory_space<vmem>> -> memref<1x125x64xf32, #tpu.memory_space<vmem>>
      %dma_wait3A_214 = tpu.memref_squeeze %dma_wait3A_213 : memref<1x125x64xf32, #tpu.memory_space<vmem>> -> memref<125x64xf32, #tpu.memory_space<vmem>>
      %dma_wait3A_215 = arith.constant 0 : i32
      %dma_wait3A_216 = tpu.memref_slice %arg5[%dma_wait3A_209, %dma_wait3A_215] : memref<160x125xi32, #tpu.memory_space<vmem>> -> memref<1x125xi32, #tpu.memory_space<vmem>>
      %dma_wait3A_217 = tpu.memref_squeeze %dma_wait3A_216 : memref<1x125xi32, #tpu.memory_space<vmem>> -> memref<125xi32, #tpu.memory_space<vmem>>
      %dma_wait3A_218 = arith.constant 0 : i32
      %dma_wait3A_219 = arith.constant 0 : i32
      %dma_wait3A_220 = tpu.memref_slice %arg2[%arg0, %dma_wait3A_218, %dma_wait3A_219] : memref<2x10000x64xf32, #tpu.memory_space<hbm>> -> memref<1x10000x64xf32, #tpu.memory_space<hbm>>
      %dma_wait3A_221 = tpu.memref_squeeze %dma_wait3A_220 : memref<1x10000x64xf32, #tpu.memory_space<hbm>> -> memref<10000x64xf32, #tpu.memory_space<hbm>>
      %dma_wait3A_222 = arith.constant 0 : i32
      %dma_wait3A_223 = arith.constant 0 : i32
      %dma_wait3A_224 = tpu.memref_slice %dma_wait3A_221[%dma_wait3A_222, %dma_wait3A_223] : memref<10000x64xf32, #tpu.memory_space<hbm>> -> memref<10000x64xf32, #tpu.memory_space<hbm>>
      tpu.wait_indirect_dma semaphore(%arg13 : memref<!tpu.dma_semaphore, #tpu.memory_space<semaphore_mem>>) src(%dma_wait3A_224 : memref<10000x64xf32, #tpu.memory_space<hbm>>) dst(%dma_wait3A_214 : memref<125x64xf32, #tpu.memory_space<vmem>>)
      %dma_start3A_225 = arith.constant 3 : i32
      %dma_start3A_226 = arith.constant 0 : i32
      %dma_start3A_227 = arith.constant 0 : i32
      %dma_start3A_228 = tpu.memref_slice %arg7[%dma_start3A_225, %dma_start3A_226, %dma_start3A_227] : memref<5x125x64xf32, #tpu.memory_space<vmem>> -> memref<1x125x64xf32, #tpu.memory_space<vmem>>
      %dma_start3A_229 = tpu.memref_squeeze %dma_start3A_228 : memref<1x125x64xf32, #tpu.memory_space<vmem>> -> memref<125x64xf32, #tpu.memory_space<vmem>>
      %dma_start3A_230 = arith.constant 0 : i32
      %dma_start3A_231 = tpu.memref_slice %arg6[%add3A_208, %dma_start3A_230] : memref<160x125xi32, #tpu.memory_space<vmem>> -> memref<1x125xi32, #tpu.memory_space<vmem>>
      %dma_start3A_232 = tpu.memref_squeeze %dma_start3A_231 : memref<1x125xi32, #tpu.memory_space<vmem>> -> memref<125xi32, #tpu.memory_space<vmem>>
      %dma_start3A_233 = arith.constant 0 : i32
      %dma_start3A_234 = arith.constant 0 : i32
      %dma_start3A_235 = tpu.memref_slice %arg9[%dma_start3A_233, %dma_start3A_234] : memref<10240x64xf32, #tpu.memory_space<vmem_shared>> -> memref<10240x64xf32, #tpu.memory_space<vmem_shared>>
      tpu.enqueue_indirect_dma source(%dma_start3A_229 : memref<125x64xf32, #tpu.memory_space<vmem>>) target(%dma_start3A_235 : memref<10240x64xf32, #tpu.memory_space<vmem_shared>>) offsets(%dma_start3A_232 : memref<125xi32, #tpu.memory_space<vmem>>) semaphore(%arg18 : memref<!tpu.dma_semaphore, #tpu.memory_space<semaphore_mem>>) {add = true}
      %add3A_236 = arith.constant 4 : i32
      %add3A_237 = arith.addi %mul3A_120, %add3A_236 : i32
      %dma_wait3A_238 = arith.constant 0 : i32
      %dma_wait3A_239 = arith.constant 4 : i32
      %dma_wait3A_240 = arith.constant 0 : i32
      %dma_wait3A_241 = arith.constant 0 : i32
      %dma_wait3A_242 = tpu.memref_slice %arg7[%dma_wait3A_239, %dma_wait3A_240, %dma_wait3A_241] : memref<5x125x64xf32, #tpu.memory_space<vmem>> -> memref<1x125x64xf32, #tpu.memory_space<vmem>>
      %dma_wait3A_243 = tpu.memref_squeeze %dma_wait3A_242 : memref<1x125x64xf32, #tpu.memory_space<vmem>> -> memref<125x64xf32, #tpu.memory_space<vmem>>
      %dma_wait3A_244 = arith.constant 0 : i32
      %dma_wait3A_245 = tpu.memref_slice %arg5[%dma_wait3A_238, %dma_wait3A_244] : memref<160x125xi32, #tpu.memory_space<vmem>> -> memref<1x125xi32, #tpu.memory_space<vmem>>
      %dma_wait3A_246 = tpu.memref_squeeze %dma_wait3A_245 : memref<1x125xi32, #tpu.memory_space<vmem>> -> memref<125xi32, #tpu.memory_space<vmem>>
      %dma_wait3A_247 = arith.constant 0 : i32
      %dma_wait3A_248 = arith.constant 0 : i32
      %dma_wait3A_249 = tpu.memref_slice %arg2[%arg0, %dma_wait3A_247, %dma_wait3A_248] : memref<2x10000x64xf32, #tpu.memory_space<hbm>> -> memref<1x10000x64xf32, #tpu.memory_space<hbm>>
      %dma_wait3A_250 = tpu.memref_squeeze %dma_wait3A_249 : memref<1x10000x64xf32, #tpu.memory_space<hbm>> -> memref<10000x64xf32, #tpu.memory_space<hbm>>
      %dma_wait3A_251 = arith.constant 0 : i32
      %dma_wait3A_252 = arith.constant 0 : i32
      %dma_wait3A_253 = tpu.memref_slice %dma_wait3A_250[%dma_wait3A_251, %dma_wait3A_252] : memref<10000x64xf32, #tpu.memory_space<hbm>> -> memref<10000x64xf32, #tpu.memory_space<hbm>>
      tpu.wait_indirect_dma semaphore(%arg14 : memref<!tpu.dma_semaphore, #tpu.memory_space<semaphore_mem>>) src(%dma_wait3A_253 : memref<10000x64xf32, #tpu.memory_space<hbm>>) dst(%dma_wait3A_243 : memref<125x64xf32, #tpu.memory_space<vmem>>)
      %dma_start3A_254 = arith.constant 4 : i32
      %dma_start3A_255 = arith.constant 0 : i32
      %dma_start3A_256 = arith.constant 0 : i32
      %dma_start3A_257 = tpu.memref_slice %arg7[%dma_start3A_254, %dma_start3A_255, %dma_start3A_256] : memref<5x125x64xf32, #tpu.memory_space<vmem>> -> memref<1x125x64xf32, #tpu.memory_space<vmem>>
      %dma_start3A_258 = tpu.memref_squeeze %dma_start3A_257 : memref<1x125x64xf32, #tpu.memory_space<vmem>> -> memref<125x64xf32, #tpu.memory_space<vmem>>
      %dma_start3A_259 = arith.constant 0 : i32
      %dma_start3A_260 = tpu.memref_slice %arg6[%add3A_237, %dma_start3A_259] : memref<160x125xi32, #tpu.memory_space<vmem>> -> memref<1x125xi32, #tpu.memory_space<vmem>>
      %dma_start3A_261 = tpu.memref_squeeze %dma_start3A_260 : memref<1x125xi32, #tpu.memory_space<vmem>> -> memref<125xi32, #tpu.memory_space<vmem>>
      %dma_start3A_262 = arith.constant 0 : i32
      %dma_start3A_263 = arith.constant 0 : i32
      %dma_start3A_264 = tpu.memref_slice %arg9[%dma_start3A_262, %dma_start3A_263] : memref<10240x64xf32, #tpu.memory_space<vmem_shared>> -> memref<10240x64xf32, #tpu.memory_space<vmem_shared>>
      tpu.enqueue_indirect_dma source(%dma_start3A_258 : memref<125x64xf32, #tpu.memory_space<vmem>>) target(%dma_start3A_264 : memref<10240x64xf32, #tpu.memory_space<vmem_shared>>) offsets(%dma_start3A_261 : memref<125xi32, #tpu.memory_space<vmem>>) semaphore(%arg19 : memref<!tpu.dma_semaphore, #tpu.memory_space<semaphore_mem>>) {add = true}
      %add3A_265 = arith.constant 0 : i32
      %add3A_266 = arith.addi %mul3A_120, %add3A_265 : i32
      %dma_wait3A_267 = arith.constant 0 : i32
      %dma_wait3A_268 = arith.constant 0 : i32
      %dma_wait3A_269 = arith.constant 0 : i32
      %dma_wait3A_270 = arith.constant 0 : i32
      %dma_wait3A_271 = tpu.memref_slice %arg7[%dma_wait3A_267, %dma_wait3A_269, %dma_wait3A_270] : memref<5x125x64xf32, #tpu.memory_space<vmem>> -> memref<1x125x64xf32, #tpu.memory_space<vmem>>
      %dma_wait3A_272 = tpu.memref_squeeze %dma_wait3A_271 : memref<1x125x64xf32, #tpu.memory_space<vmem>> -> memref<125x64xf32, #tpu.memory_space<vmem>>
      %dma_wait3A_273 = arith.constant 0 : i32
      %dma_wait3A_274 = tpu.memref_slice %arg6[%dma_wait3A_268, %dma_wait3A_273] : memref<160x125xi32, #tpu.memory_space<vmem>> -> memref<1x125xi32, #tpu.memory_space<vmem>>
      %dma_wait3A_275 = tpu.memref_squeeze %dma_wait3A_274 : memref<1x125xi32, #tpu.memory_space<vmem>> -> memref<125xi32, #tpu.memory_space<vmem>>
      %dma_wait3A_276 = arith.constant 0 : i32
      %dma_wait3A_277 = arith.constant 0 : i32
      %dma_wait3A_278 = tpu.memref_slice %arg9[%dma_wait3A_276, %dma_wait3A_277] : memref<10240x64xf32, #tpu.memory_space<vmem_shared>> -> memref<10240x64xf32, #tpu.memory_space<vmem_shared>>
      tpu.wait_indirect_dma semaphore(%arg15 : memref<!tpu.dma_semaphore, #tpu.memory_space<semaphore_mem>>) src(%dma_wait3A_272 : memref<125x64xf32, #tpu.memory_space<vmem>>) dst(%dma_wait3A_278 : memref<10240x64xf32, #tpu.memory_space<vmem_shared>>)
      %add3A_279 = arith.constant 5 : i32
      %add3A_280 = arith.addi %add3A_266, %add3A_279 : i32
      %lt3A = arith.constant 160 : i32
      %lt3A_281 = arith.cmpi slt, %add3A_280, %lt3A : i32
      %convert_element_type3A = arith.extui %lt3A_281 : i1 to i32
      %cond3A = arith.constant 0 : i32
      %cond3A_282 = arith.cmpi ne, %convert_element_type3A, %cond3A : i32
      scf.if %cond3A_282 {
        %add3A_367 = arith.constant 5 : i32
        %add3A_368 = arith.addi %add3A_266, %add3A_367 : i32
        %dma_start3A_369 = arith.constant 0 : i32
        %dma_start3A_370 = arith.constant 0 : i32
        %dma_start3A_371 = arith.constant 0 : i32
        %dma_start3A_372 = tpu.memref_slice %arg7[%dma_start3A_369, %dma_start3A_370, %dma_start3A_371] : memref<5x125x64xf32, #tpu.memory_space<vmem>> -> memref<1x125x64xf32, #tpu.memory_space<vmem>>
        %dma_start3A_373 = tpu.memref_squeeze %dma_start3A_372 : memref<1x125x64xf32, #tpu.memory_space<vmem>> -> memref<125x64xf32, #tpu.memory_space<vmem>>
        %dma_start3A_374 = arith.constant 0 : i32
        %dma_start3A_375 = tpu.memref_slice %arg5[%add3A_368, %dma_start3A_374] : memref<160x125xi32, #tpu.memory_space<vmem>> -> memref<1x125xi32, #tpu.memory_space<vmem>>
        %dma_start3A_376 = tpu.memref_squeeze %dma_start3A_375 : memref<1x125xi32, #tpu.memory_space<vmem>> -> memref<125xi32, #tpu.memory_space<vmem>>
        %dma_start3A_377 = arith.constant 0 : i32
        %dma_start3A_378 = arith.constant 0 : i32
        %dma_start3A_379 = tpu.memref_slice %arg2[%arg0, %dma_start3A_377, %dma_start3A_378] : memref<2x10000x64xf32, #tpu.memory_space<hbm>> -> memref<1x10000x64xf32, #tpu.memory_space<hbm>>
        %dma_start3A_380 = tpu.memref_squeeze %dma_start3A_379 : memref<1x10000x64xf32, #tpu.memory_space<hbm>> -> memref<10000x64xf32, #tpu.memory_space<hbm>>
        %dma_start3A_381 = arith.constant 0 : i32
        %dma_start3A_382 = arith.constant 0 : i32
        %dma_start3A_383 = tpu.memref_slice %dma_start3A_380[%dma_start3A_381, %dma_start3A_382] : memref<10000x64xf32, #tpu.memory_space<hbm>> -> memref<10000x64xf32, #tpu.memory_space<hbm>>
        tpu.enqueue_indirect_dma source(%dma_start3A_383 : memref<10000x64xf32, #tpu.memory_space<hbm>>) target(%dma_start3A_373 : memref<125x64xf32, #tpu.memory_space<vmem>>) offsets(%dma_start3A_376 : memref<125xi32, #tpu.memory_space<vmem>>) semaphore(%arg10 : memref<!tpu.dma_semaphore, #tpu.memory_space<semaphore_mem>>)
      } else {
      }
      %add3A_283 = arith.constant 1 : i32
      %add3A_284 = arith.addi %mul3A_120, %add3A_283 : i32
      %dma_wait3A_285 = arith.constant 1 : i32
      %dma_wait3A_286 = arith.constant 0 : i32
      %dma_wait3A_287 = arith.constant 0 : i32
      %dma_wait3A_288 = arith.constant 0 : i32
      %dma_wait3A_289 = tpu.memref_slice %arg7[%dma_wait3A_285, %dma_wait3A_287, %dma_wait3A_288] : memref<5x125x64xf32, #tpu.memory_space<vmem>> -> memref<1x125x64xf32, #tpu.memory_space<vmem>>
      %dma_wait3A_290 = tpu.memref_squeeze %dma_wait3A_289 : memref<1x125x64xf32, #tpu.memory_space<vmem>> -> memref<125x64xf32, #tpu.memory_space<vmem>>
      %dma_wait3A_291 = arith.constant 0 : i32
      %dma_wait3A_292 = tpu.memref_slice %arg6[%dma_wait3A_286, %dma_wait3A_291] : memref<160x125xi32, #tpu.memory_space<vmem>> -> memref<1x125xi32, #tpu.memory_space<vmem>>
      %dma_wait3A_293 = tpu.memref_squeeze %dma_wait3A_292 : memref<1x125xi32, #tpu.memory_space<vmem>> -> memref<125xi32, #tpu.memory_space<vmem>>
      %dma_wait3A_294 = arith.constant 0 : i32
      %dma_wait3A_295 = arith.constant 0 : i32
      %dma_wait3A_296 = tpu.memref_slice %arg9[%dma_wait3A_294, %dma_wait3A_295] : memref<10240x64xf32, #tpu.memory_space<vmem_shared>> -> memref<10240x64xf32, #tpu.memory_space<vmem_shared>>
      tpu.wait_indirect_dma semaphore(%arg16 : memref<!tpu.dma_semaphore, #tpu.memory_space<semaphore_mem>>) src(%dma_wait3A_290 : memref<125x64xf32, #tpu.memory_space<vmem>>) dst(%dma_wait3A_296 : memref<10240x64xf32, #tpu.memory_space<vmem_shared>>)
      %add3A_297 = arith.constant 5 : i32
      %add3A_298 = arith.addi %add3A_284, %add3A_297 : i32
      %lt3A_299 = arith.constant 160 : i32
      %lt3A_300 = arith.cmpi slt, %add3A_298, %lt3A_299 : i32
      %convert_element_type3A_301 = arith.extui %lt3A_300 : i1 to i32
      %cond3A_302 = arith.constant 0 : i32
      %cond3A_303 = arith.cmpi ne, %convert_element_type3A_301, %cond3A_302 : i32
      scf.if %cond3A_303 {
        %add3A_367 = arith.constant 5 : i32
        %add3A_368 = arith.addi %add3A_284, %add3A_367 : i32
        %dma_start3A_369 = arith.constant 1 : i32
        %dma_start3A_370 = arith.constant 0 : i32
        %dma_start3A_371 = arith.constant 0 : i32
        %dma_start3A_372 = tpu.memref_slice %arg7[%dma_start3A_369, %dma_start3A_370, %dma_start3A_371] : memref<5x125x64xf32, #tpu.memory_space<vmem>> -> memref<1x125x64xf32, #tpu.memory_space<vmem>>
        %dma_start3A_373 = tpu.memref_squeeze %dma_start3A_372 : memref<1x125x64xf32, #tpu.memory_space<vmem>> -> memref<125x64xf32, #tpu.memory_space<vmem>>
        %dma_start3A_374 = arith.constant 0 : i32
        %dma_start3A_375 = tpu.memref_slice %arg5[%add3A_368, %dma_start3A_374] : memref<160x125xi32, #tpu.memory_space<vmem>> -> memref<1x125xi32, #tpu.memory_space<vmem>>
        %dma_start3A_376 = tpu.memref_squeeze %dma_start3A_375 : memref<1x125xi32, #tpu.memory_space<vmem>> -> memref<125xi32, #tpu.memory_space<vmem>>
        %dma_start3A_377 = arith.constant 0 : i32
        %dma_start3A_378 = arith.constant 0 : i32
        %dma_start3A_379 = tpu.memref_slice %arg2[%arg0, %dma_start3A_377, %dma_start3A_378] : memref<2x10000x64xf32, #tpu.memory_space<hbm>> -> memref<1x10000x64xf32, #tpu.memory_space<hbm>>
        %dma_start3A_380 = tpu.memref_squeeze %dma_start3A_379 : memref<1x10000x64xf32, #tpu.memory_space<hbm>> -> memref<10000x64xf32, #tpu.memory_space<hbm>>
        %dma_start3A_381 = arith.constant 0 : i32
        %dma_start3A_382 = arith.constant 0 : i32
        %dma_start3A_383 = tpu.memref_slice %dma_start3A_380[%dma_start3A_381, %dma_start3A_382] : memref<10000x64xf32, #tpu.memory_space<hbm>> -> memref<10000x64xf32, #tpu.memory_space<hbm>>
        tpu.enqueue_indirect_dma source(%dma_start3A_383 : memref<10000x64xf32, #tpu.memory_space<hbm>>) target(%dma_start3A_373 : memref<125x64xf32, #tpu.memory_space<vmem>>) offsets(%dma_start3A_376 : memref<125xi32, #tpu.memory_space<vmem>>) semaphore(%arg11 : memref<!tpu.dma_semaphore, #tpu.memory_space<semaphore_mem>>)
      } else {
      }
      %add3A_304 = arith.constant 2 : i32
      %add3A_305 = arith.addi %mul3A_120, %add3A_304 : i32
      %dma_wait3A_306 = arith.constant 2 : i32
      %dma_wait3A_307 = arith.constant 0 : i32
      %dma_wait3A_308 = arith.constant 0 : i32
      %dma_wait3A_309 = arith.constant 0 : i32
      %dma_wait3A_310 = tpu.memref_slice %arg7[%dma_wait3A_306, %dma_wait3A_308, %dma_wait3A_309] : memref<5x125x64xf32, #tpu.memory_space<vmem>> -> memref<1x125x64xf32, #tpu.memory_space<vmem>>
      %dma_wait3A_311 = tpu.memref_squeeze %dma_wait3A_310 : memref<1x125x64xf32, #tpu.memory_space<vmem>> -> memref<125x64xf32, #tpu.memory_space<vmem>>
      %dma_wait3A_312 = arith.constant 0 : i32
      %dma_wait3A_313 = tpu.memref_slice %arg6[%dma_wait3A_307, %dma_wait3A_312] : memref<160x125xi32, #tpu.memory_space<vmem>> -> memref<1x125xi32, #tpu.memory_space<vmem>>
      %dma_wait3A_314 = tpu.memref_squeeze %dma_wait3A_313 : memref<1x125xi32, #tpu.memory_space<vmem>> -> memref<125xi32, #tpu.memory_space<vmem>>
      %dma_wait3A_315 = arith.constant 0 : i32
      %dma_wait3A_316 = arith.constant 0 : i32
      %dma_wait3A_317 = tpu.memref_slice %arg9[%dma_wait3A_315, %dma_wait3A_316] : memref<10240x64xf32, #tpu.memory_space<vmem_shared>> -> memref<10240x64xf32, #tpu.memory_space<vmem_shared>>
      tpu.wait_indirect_dma semaphore(%arg17 : memref<!tpu.dma_semaphore, #tpu.memory_space<semaphore_mem>>) src(%dma_wait3A_311 : memref<125x64xf32, #tpu.memory_space<vmem>>) dst(%dma_wait3A_317 : memref<10240x64xf32, #tpu.memory_space<vmem_shared>>)
      %add3A_318 = arith.constant 5 : i32
      %add3A_319 = arith.addi %add3A_305, %add3A_318 : i32
      %lt3A_320 = arith.constant 160 : i32
      %lt3A_321 = arith.cmpi slt, %add3A_319, %lt3A_320 : i32
      %convert_element_type3A_322 = arith.extui %lt3A_321 : i1 to i32
      %cond3A_323 = arith.constant 0 : i32
      %cond3A_324 = arith.cmpi ne, %convert_element_type3A_322, %cond3A_323 : i32
      scf.if %cond3A_324 {
        %add3A_367 = arith.constant 5 : i32
        %add3A_368 = arith.addi %add3A_305, %add3A_367 : i32
        %dma_start3A_369 = arith.constant 2 : i32
        %dma_start3A_370 = arith.constant 0 : i32
        %dma_start3A_371 = arith.constant 0 : i32
        %dma_start3A_372 = tpu.memref_slice %arg7[%dma_start3A_369, %dma_start3A_370, %dma_start3A_371] : memref<5x125x64xf32, #tpu.memory_space<vmem>> -> memref<1x125x64xf32, #tpu.memory_space<vmem>>
        %dma_start3A_373 = tpu.memref_squeeze %dma_start3A_372 : memref<1x125x64xf32, #tpu.memory_space<vmem>> -> memref<125x64xf32, #tpu.memory_space<vmem>>
        %dma_start3A_374 = arith.constant 0 : i32
        %dma_start3A_375 = tpu.memref_slice %arg5[%add3A_368, %dma_start3A_374] : memref<160x125xi32, #tpu.memory_space<vmem>> -> memref<1x125xi32, #tpu.memory_space<vmem>>
        %dma_start3A_376 = tpu.memref_squeeze %dma_start3A_375 : memref<1x125xi32, #tpu.memory_space<vmem>> -> memref<125xi32, #tpu.memory_space<vmem>>
        %dma_start3A_377 = arith.constant 0 : i32
        %dma_start3A_378 = arith.constant 0 : i32
        %dma_start3A_379 = tpu.memref_slice %arg2[%arg0, %dma_start3A_377, %dma_start3A_378] : memref<2x10000x64xf32, #tpu.memory_space<hbm>> -> memref<1x10000x64xf32, #tpu.memory_space<hbm>>
        %dma_start3A_380 = tpu.memref_squeeze %dma_start3A_379 : memref<1x10000x64xf32, #tpu.memory_space<hbm>> -> memref<10000x64xf32, #tpu.memory_space<hbm>>
        %dma_start3A_381 = arith.constant 0 : i32
        %dma_start3A_382 = arith.constant 0 : i32
        %dma_start3A_383 = tpu.memref_slice %dma_start3A_380[%dma_start3A_381, %dma_start3A_382] : memref<10000x64xf32, #tpu.memory_space<hbm>> -> memref<10000x64xf32, #tpu.memory_space<hbm>>
        tpu.enqueue_indirect_dma source(%dma_start3A_383 : memref<10000x64xf32, #tpu.memory_space<hbm>>) target(%dma_start3A_373 : memref<125x64xf32, #tpu.memory_space<vmem>>) offsets(%dma_start3A_376 : memref<125xi32, #tpu.memory_space<vmem>>) semaphore(%arg12 : memref<!tpu.dma_semaphore, #tpu.memory_space<semaphore_mem>>)
      } else {
      }
      %add3A_325 = arith.constant 3 : i32
      %add3A_326 = arith.addi %mul3A_120, %add3A_325 : i32
      %dma_wait3A_327 = arith.constant 3 : i32
      %dma_wait3A_328 = arith.constant 0 : i32
      %dma_wait3A_329 = arith.constant 0 : i32
      %dma_wait3A_330 = arith.constant 0 : i32
      %dma_wait3A_331 = tpu.memref_slice %arg7[%dma_wait3A_327, %dma_wait3A_329, %dma_wait3A_330] : memref<5x125x64xf32, #tpu.memory_space<vmem>> -> memref<1x125x64xf32, #tpu.memory_space<vmem>>
      %dma_wait3A_332 = tpu.memref_squeeze %dma_wait3A_331 : memref<1x125x64xf32, #tpu.memory_space<vmem>> -> memref<125x64xf32, #tpu.memory_space<vmem>>
      %dma_wait3A_333 = arith.constant 0 : i32
      %dma_wait3A_334 = tpu.memref_slice %arg6[%dma_wait3A_328, %dma_wait3A_333] : memref<160x125xi32, #tpu.memory_space<vmem>> -> memref<1x125xi32, #tpu.memory_space<vmem>>
      %dma_wait3A_335 = tpu.memref_squeeze %dma_wait3A_334 : memref<1x125xi32, #tpu.memory_space<vmem>> -> memref<125xi32, #tpu.memory_space<vmem>>
      %dma_wait3A_336 = arith.constant 0 : i32
      %dma_wait3A_337 = arith.constant 0 : i32
      %dma_wait3A_338 = tpu.memref_slice %arg9[%dma_wait3A_336, %dma_wait3A_337] : memref<10240x64xf32, #tpu.memory_space<vmem_shared>> -> memref<10240x64xf32, #tpu.memory_space<vmem_shared>>
      tpu.wait_indirect_dma semaphore(%arg18 : memref<!tpu.dma_semaphore, #tpu.memory_space<semaphore_mem>>) src(%dma_wait3A_332 : memref<125x64xf32, #tpu.memory_space<vmem>>) dst(%dma_wait3A_338 : memref<10240x64xf32, #tpu.memory_space<vmem_shared>>)
      %add3A_339 = arith.constant 5 : i32
      %add3A_340 = arith.addi %add3A_326, %add3A_339 : i32
      %lt3A_341 = arith.constant 160 : i32
      %lt3A_342 = arith.cmpi slt, %add3A_340, %lt3A_341 : i32
      %convert_element_type3A_343 = arith.extui %lt3A_342 : i1 to i32
      %cond3A_344 = arith.constant 0 : i32
      %cond3A_345 = arith.cmpi ne, %convert_element_type3A_343, %cond3A_344 : i32
      scf.if %cond3A_345 {
        %add3A_367 = arith.constant 5 : i32
        %add3A_368 = arith.addi %add3A_326, %add3A_367 : i32
        %dma_start3A_369 = arith.constant 3 : i32
        %dma_start3A_370 = arith.constant 0 : i32
        %dma_start3A_371 = arith.constant 0 : i32
        %dma_start3A_372 = tpu.memref_slice %arg7[%dma_start3A_369, %dma_start3A_370, %dma_start3A_371] : memref<5x125x64xf32, #tpu.memory_space<vmem>> -> memref<1x125x64xf32, #tpu.memory_space<vmem>>
        %dma_start3A_373 = tpu.memref_squeeze %dma_start3A_372 : memref<1x125x64xf32, #tpu.memory_space<vmem>> -> memref<125x64xf32, #tpu.memory_space<vmem>>
        %dma_start3A_374 = arith.constant 0 : i32
        %dma_start3A_375 = tpu.memref_slice %arg5[%add3A_368, %dma_start3A_374] : memref<160x125xi32, #tpu.memory_space<vmem>> -> memref<1x125xi32, #tpu.memory_space<vmem>>
        %dma_start3A_376 = tpu.memref_squeeze %dma_start3A_375 : memref<1x125xi32, #tpu.memory_space<vmem>> -> memref<125xi32, #tpu.memory_space<vmem>>
        %dma_start3A_377 = arith.constant 0 : i32
        %dma_start3A_378 = arith.constant 0 : i32
        %dma_start3A_379 = tpu.memref_slice %arg2[%arg0, %dma_start3A_377, %dma_start3A_378] : memref<2x10000x64xf32, #tpu.memory_space<hbm>> -> memref<1x10000x64xf32, #tpu.memory_space<hbm>>
        %dma_start3A_380 = tpu.memref_squeeze %dma_start3A_379 : memref<1x10000x64xf32, #tpu.memory_space<hbm>> -> memref<10000x64xf32, #tpu.memory_space<hbm>>
        %dma_start3A_381 = arith.constant 0 : i32
        %dma_start3A_382 = arith.constant 0 : i32
        %dma_start3A_383 = tpu.memref_slice %dma_start3A_380[%dma_start3A_381, %dma_start3A_382] : memref<10000x64xf32, #tpu.memory_space<hbm>> -> memref<10000x64xf32, #tpu.memory_space<hbm>>
        tpu.enqueue_indirect_dma source(%dma_start3A_383 : memref<10000x64xf32, #tpu.memory_space<hbm>>) target(%dma_start3A_373 : memref<125x64xf32, #tpu.memory_space<vmem>>) offsets(%dma_start3A_376 : memref<125xi32, #tpu.memory_space<vmem>>) semaphore(%arg13 : memref<!tpu.dma_semaphore, #tpu.memory_space<semaphore_mem>>)
      } else {
      }
      %add3A_346 = arith.constant 4 : i32
      %add3A_347 = arith.addi %mul3A_120, %add3A_346 : i32
      %dma_wait3A_348 = arith.constant 4 : i32
      %dma_wait3A_349 = arith.constant 0 : i32
      %dma_wait3A_350 = arith.constant 0 : i32
      %dma_wait3A_351 = arith.constant 0 : i32
      %dma_wait3A_352 = tpu.memref_slice %arg7[%dma_wait3A_348, %dma_wait3A_350, %dma_wait3A_351] : memref<5x125x64xf32, #tpu.memory_space<vmem>> -> memref<1x125x64xf32, #tpu.memory_space<vmem>>
      %dma_wait3A_353 = tpu.memref_squeeze %dma_wait3A_352 : memref<1x125x64xf32, #tpu.memory_space<vmem>> -> memref<125x64xf32, #tpu.memory_space<vmem>>
      %dma_wait3A_354 = arith.constant 0 : i32
      %dma_wait3A_355 = tpu.memref_slice %arg6[%dma_wait3A_349, %dma_wait3A_354] : memref<160x125xi32, #tpu.memory_space<vmem>> -> memref<1x125xi32, #tpu.memory_space<vmem>>
      %dma_wait3A_356 = tpu.memref_squeeze %dma_wait3A_355 : memref<1x125xi32, #tpu.memory_space<vmem>> -> memref<125xi32, #tpu.memory_space<vmem>>
      %dma_wait3A_357 = arith.constant 0 : i32
      %dma_wait3A_358 = arith.constant 0 : i32
      %dma_wait3A_359 = tpu.memref_slice %arg9[%dma_wait3A_357, %dma_wait3A_358] : memref<10240x64xf32, #tpu.memory_space<vmem_shared>> -> memref<10240x64xf32, #tpu.memory_space<vmem_shared>>
      tpu.wait_indirect_dma semaphore(%arg19 : memref<!tpu.dma_semaphore, #tpu.memory_space<semaphore_mem>>) src(%dma_wait3A_353 : memref<125x64xf32, #tpu.memory_space<vmem>>) dst(%dma_wait3A_359 : memref<10240x64xf32, #tpu.memory_space<vmem_shared>>)
      %add3A_360 = arith.constant 5 : i32
      %add3A_361 = arith.addi %add3A_347, %add3A_360 : i32
      %lt3A_362 = arith.constant 160 : i32
      %lt3A_363 = arith.cmpi slt, %add3A_361, %lt3A_362 : i32
      %convert_element_type3A_364 = arith.extui %lt3A_363 : i1 to i32
      %cond3A_365 = arith.constant 0 : i32
      %cond3A_366 = arith.cmpi ne, %convert_element_type3A_364, %cond3A_365 : i32
      scf.if %cond3A_366 {
        %add3A_367 = arith.constant 5 : i32
        %add3A_368 = arith.addi %add3A_347, %add3A_367 : i32
        %dma_start3A_369 = arith.constant 4 : i32
        %dma_start3A_370 = arith.constant 0 : i32
        %dma_start3A_371 = arith.constant 0 : i32
        %dma_start3A_372 = tpu.memref_slice %arg7[%dma_start3A_369, %dma_start3A_370, %dma_start3A_371] : memref<5x125x64xf32, #tpu.memory_space<vmem>> -> memref<1x125x64xf32, #tpu.memory_space<vmem>>
        %dma_start3A_373 = tpu.memref_squeeze %dma_start3A_372 : memref<1x125x64xf32, #tpu.memory_space<vmem>> -> memref<125x64xf32, #tpu.memory_space<vmem>>
        %dma_start3A_374 = arith.constant 0 : i32
        %dma_start3A_375 = tpu.memref_slice %arg5[%add3A_368, %dma_start3A_374] : memref<160x125xi32, #tpu.memory_space<vmem>> -> memref<1x125xi32, #tpu.memory_space<vmem>>
        %dma_start3A_376 = tpu.memref_squeeze %dma_start3A_375 : memref<1x125xi32, #tpu.memory_space<vmem>> -> memref<125xi32, #tpu.memory_space<vmem>>
        %dma_start3A_377 = arith.constant 0 : i32
        %dma_start3A_378 = arith.constant 0 : i32
        %dma_start3A_379 = tpu.memref_slice %arg2[%arg0, %dma_start3A_377, %dma_start3A_378] : memref<2x10000x64xf32, #tpu.memory_space<hbm>> -> memref<1x10000x64xf32, #tpu.memory_space<hbm>>
        %dma_start3A_380 = tpu.memref_squeeze %dma_start3A_379 : memref<1x10000x64xf32, #tpu.memory_space<hbm>> -> memref<10000x64xf32, #tpu.memory_space<hbm>>
        %dma_start3A_381 = arith.constant 0 : i32
        %dma_start3A_382 = arith.constant 0 : i32
        %dma_start3A_383 = tpu.memref_slice %dma_start3A_380[%dma_start3A_381, %dma_start3A_382] : memref<10000x64xf32, #tpu.memory_space<hbm>> -> memref<10000x64xf32, #tpu.memory_space<hbm>>
        tpu.enqueue_indirect_dma source(%dma_start3A_383 : memref<10000x64xf32, #tpu.memory_space<hbm>>) target(%dma_start3A_373 : memref<125x64xf32, #tpu.memory_space<vmem>>) offsets(%dma_start3A_376 : memref<125xi32, #tpu.memory_space<vmem>>) semaphore(%arg14 : memref<!tpu.dma_semaphore, #tpu.memory_space<semaphore_mem>>)
      } else {
      }
    }
    %scan3A_112 = arith.constant 32 : i32
    %barrier3A_113 = arith.constant 0 : index
    tpu.barrier barrier_id(%barrier3A_113)
    %mul3A_114 = arith.constant 640 : i32
    %mul3A_115 = arith.muli %arg1, %mul3A_114 : i32
    %mul3A_116 = arith.constant 640 : i32
    %mul3A_117 = arith.muli %arg1, %mul3A_116 : i32
    "tpu.region"() ({
      %run_scoped3A_118 = tpu.sem_alloc : memref<!tpu.dma_semaphore, #tpu.memory_space<semaphore_mem>>
      %dma_start3A_119 = arith.constant 0 : i32
      %dma_start3A_120 = tpu.memref_slice %arg4[%arg0, %mul3A_117, %dma_start3A_119] : memref<2x10240x64xf32, #tpu.memory_space<hbm>> -> memref<1x640x64xf32, #tpu.memory_space<hbm>>
      %dma_start3A_121 = tpu.memref_squeeze %dma_start3A_120 : memref<1x640x64xf32, #tpu.memory_space<hbm>> -> memref<640x64xf32, #tpu.memory_space<hbm>>
      %dma_start3A_122 = arith.constant 0 : i32
      %dma_start3A_123 = tpu.memref_slice %arg9[%mul3A_115, %dma_start3A_122] : memref<10240x64xf32, #tpu.memory_space<vmem_shared>> -> memref<640x64xf32, #tpu.memory_space<vmem_shared>>
      tpu.enqueue_dma source(%dma_start3A_123 : memref<640x64xf32, #tpu.memory_space<vmem_shared>>) target(%dma_start3A_121 : memref<640x64xf32, #tpu.memory_space<hbm>>) target_semaphore(%run_scoped3A_118 : memref<!tpu.dma_semaphore, #tpu.memory_space<semaphore_mem>>)
      %dma_wait3A = arith.constant 0 : i32
      %dma_wait3A_124 = tpu.memref_slice %arg4[%arg0, %mul3A_117, %dma_wait3A] : memref<2x10240x64xf32, #tpu.memory_space<hbm>> -> memref<1x640x64xf32, #tpu.memory_space<hbm>>
      %dma_wait3A_125 = tpu.memref_squeeze %dma_wait3A_124 : memref<1x640x64xf32, #tpu.memory_space<hbm>> -> memref<640x64xf32, #tpu.memory_space<hbm>>
      %dma_wait3A_126 = arith.constant 0 : i32
      %dma_wait3A_127 = tpu.memref_slice %arg9[%mul3A_115, %dma_wait3A_126] : memref<10240x64xf32, #tpu.memory_space<vmem_shared>> -> memref<640x64xf32, #tpu.memory_space<vmem_shared>>
      tpu.wait_dma2 semaphore(%run_scoped3A_118 : memref<!tpu.dma_semaphore, #tpu.memory_space<semaphore_mem>>) src(%dma_wait3A_127 : memref<640x64xf32, #tpu.memory_space<vmem_shared>>) dst(%dma_wait3A_125 : memref<640x64xf32, #tpu.memory_space<hbm>>)
      tpu.yield
    }) : () -> ()
    return
  }
}

module attributes {stable_mosaic.version = 14 : i64} {
  func.func @_tc1_body(%arg0: i32, %arg1: memref<2000x128xf32, #tpu.memory_space<vmem>>, %arg2: memref<128x64xf32, #tpu.memory_space<vmem>>, %arg3: memref<128x64xf32, #tpu.memory_space<vmem>>, %arg4: memref<2000x1xf32, #tpu.memory_space<vmem>>, %arg5: memref<2000x1xf32, #tpu.memory_space<vmem>>, %arg6: memref<2x2000x64xf32, #tpu.memory_space<vmem>>) attributes {dimension_semantics = [#tpu.dimension_semantics<arbitrary>], iteration_bounds = array<i64: 5>, scalar_prefetch = 0 : i64, scratch_operands = 0 : i64, tpu.core_type = #tpu.core_type<tc>, window_params = [{transform_indices = @transform_0, window_bounds = array<i64: 2000, 128>}, {pipeline_mode = #tpu.pipeline_mode<synchronous>, transform_indices = @transform_1, window_bounds = array<i64: 128, 64>}, {pipeline_mode = #tpu.pipeline_mode<synchronous>, transform_indices = @transform_2, window_bounds = array<i64: 128, 64>}, {transform_indices = @transform_3, window_bounds = array<i64: 2000, 1>}, {transform_indices = @transform_4, window_bounds = array<i64: 2000, 1>}, {transform_indices = @transform_5, window_bounds = array<i64: 2, 2000, 64>}]} {
    %get3A = arith.constant 0 : index
    %get3A_0 = arith.constant 0 : index
    %get3A_1 = vector.load %arg4[%get3A, %get3A_0] : memref<2000x1xf32, #tpu.memory_space<vmem>>, vector<2000x1xf32>
    %get3A_2 = arith.constant 0 : index
    %get3A_3 = arith.constant 0 : index
    %get3A_4 = vector.load %arg5[%get3A_2, %get3A_3] : memref<2000x1xf32, #tpu.memory_space<vmem>>, vector<2000x1xf32>
    %add3A = arith.addf %get3A_1, %get3A_4 : vector<2000x1xf32>
    %add3A_5 = arith.constant 1.000000e+00 : f32
    %add3A_6 = vector.broadcast %add3A_5 : f32 to vector<2000x1xf32>
    %add3A_7 = arith.addf %add3A, %add3A_6 : vector<2000x1xf32>
    %rsqrt3A = math.rsqrt %add3A_7 : vector<2000x1xf32>
    %get3A_8 = arith.constant 0 : index
    %get3A_9 = arith.constant 0 : index
    %get3A_10 = vector.load %arg1[%get3A_8, %get3A_9] : memref<2000x128xf32, #tpu.memory_space<vmem>>, vector<2000x128xf32>
    %get3A_11 = arith.constant 0 : index
    %get3A_12 = arith.constant 0 : index
    %get3A_13 = vector.load %arg2[%get3A_11, %get3A_12] : memref<128x64xf32, #tpu.memory_space<vmem>>, vector<128x64xf32>
    %dot_general3A = arith.constant dense<0.000000e+00> : vector<2000x64xf32>
    %dot_general3A_14 = tpu.matmul %get3A_10, %get3A_13, %dot_general3A {dimension_numbers = #tpu.dot_dimension_numbers<[1], [0], [0], [1], [0, 0, 1, 1], [], []>, transpose_lhs_hint = false} : vector<2000x128xf32>, vector<128x64xf32>, vector<2000x64xf32> -> vector<2000x64xf32>
    %mul3A = vector.broadcast %rsqrt3A : vector<2000x1xf32> to vector<2000x64xf32>
    %mul3A_15 = arith.mulf %dot_general3A_14, %mul3A : vector<2000x64xf32>
    %swap3A = arith.constant 0 : index
    %swap3A_16 = arith.constant 0 : index
    %swap3A_17 = arith.constant 0 : index
    %swap3A_18 = vector.load %arg6[%swap3A, %swap3A_16, %swap3A_17] : memref<2x2000x64xf32, #tpu.memory_space<vmem>>, vector<1x2000x64xf32>
    %swap3A_19 = vector.shape_cast %swap3A_18 : vector<1x2000x64xf32> to vector<2000x64xf32>
    %swap3A_20 = vector.shape_cast %mul3A_15 : vector<2000x64xf32> to vector<1x2000x64xf32>
    tpu.vector_store %arg6[%swap3A, %swap3A_16, %swap3A_17], %swap3A_20 {strides = array<i32>} : memref<2x2000x64xf32, #tpu.memory_space<vmem>>, vector<1x2000x64xf32>,
    %get3A_21 = arith.constant 0 : index
    %get3A_22 = arith.constant 0 : index
    %get3A_23 = vector.load %arg3[%get3A_21, %get3A_22] : memref<128x64xf32, #tpu.memory_space<vmem>>, vector<128x64xf32>
    %dot_general3A_24 = arith.constant dense<0.000000e+00> : vector<2000x64xf32>
    %dot_general3A_25 = tpu.matmul %get3A_10, %get3A_23, %dot_general3A_24 {dimension_numbers = #tpu.dot_dimension_numbers<[1], [0], [0], [1], [0, 0, 1, 1], [], []>, transpose_lhs_hint = false} : vector<2000x128xf32>, vector<128x64xf32>, vector<2000x64xf32> -> vector<2000x64xf32>
    %mul3A_26 = vector.broadcast %rsqrt3A : vector<2000x1xf32> to vector<2000x64xf32>
    %mul3A_27 = arith.mulf %dot_general3A_25, %mul3A_26 : vector<2000x64xf32>
    %swap3A_28 = arith.constant 1 : index
    %swap3A_29 = arith.constant 0 : index
    %swap3A_30 = arith.constant 0 : index
    %swap3A_31 = vector.load %arg6[%swap3A_28, %swap3A_29, %swap3A_30] : memref<2x2000x64xf32, #tpu.memory_space<vmem>>, vector<1x2000x64xf32>
    %swap3A_32 = vector.shape_cast %swap3A_31 : vector<1x2000x64xf32> to vector<2000x64xf32>
    %swap3A_33 = vector.shape_cast %mul3A_27 : vector<2000x64xf32> to vector<1x2000x64xf32>
    tpu.vector_store %arg6[%swap3A_28, %swap3A_29, %swap3A_30], %swap3A_33 {strides = array<i32>} : memref<2x2000x64xf32, #tpu.memory_space<vmem>>, vector<1x2000x64xf32>,
    return
  }
  func.func @transform_0(%arg0: i32) -> (i32, i32) {
    %c0_i32 = arith.constant 0 : i32
    %c0_i32_0 = arith.constant 0 : i32
    return %arg0, %c0_i32 : i32, i32
  }
  func.func @transform_1(%arg0: i32) -> (i32, i32) {
    %c0_i32 = arith.constant 0 : i32
    %c0_i32_0 = arith.constant 0 : i32
    %c0_i32_1 = arith.constant 0 : i32
    return %c0_i32, %c0_i32_0 : i32, i32
  }
  func.func @transform_2(%arg0: i32) -> (i32, i32) {
    %c0_i32 = arith.constant 0 : i32
    %c0_i32_0 = arith.constant 0 : i32
    %c0_i32_1 = arith.constant 0 : i32
    return %c0_i32, %c0_i32_0 : i32, i32
  }
  func.func @transform_3(%arg0: i32) -> (i32, i32) {
    %c0_i32 = arith.constant 0 : i32
    %c0_i32_0 = arith.constant 0 : i32
    return %arg0, %c0_i32 : i32, i32
  }
  func.func @transform_4(%arg0: i32) -> (i32, i32) {
    %c0_i32 = arith.constant 0 : i32
    %c0_i32_0 = arith.constant 0 : i32
    return %arg0, %c0_i32 : i32, i32
  }
  func.func @transform_5(%arg0: i32) -> (i32, i32, i32) {
    %c0_i32 = arith.constant 0 : i32
    %c0_i32_0 = arith.constant 0 : i32
    %c0_i32_1 = arith.constant 0 : i32
    return %c0_i32, %arg0, %c0_i32_0 : i32, i32, i32
  }
}

module attributes {stable_mosaic.version = 14 : i64} {
  func.func @_tc2_body(%arg0: i32, %arg1: memref<2x2000x64xf32, #tpu.memory_space<vmem>>, %arg2: memref<2x2000x64xf32, #tpu.memory_space<vmem>>, %arg3: memref<2000x1xf32, #tpu.memory_space<vmem>>, %arg4: memref<2000x1xf32, #tpu.memory_space<vmem>>, %arg5: memref<64x32xf32, #tpu.memory_space<vmem>>, %arg6: memref<64x32xf32, #tpu.memory_space<vmem>>, %arg7: memref<64x32xf32, #tpu.memory_space<vmem>>, %arg8: memref<64x32xf32, #tpu.memory_space<vmem>>, %arg9: memref<1x64xf32, #tpu.memory_space<vmem>>, %arg10: memref<1x64xf32, #tpu.memory_space<vmem>>, %arg11: memref<2x2000x32xf32, #tpu.memory_space<vmem>>) attributes {dimension_semantics = [#tpu.dimension_semantics<arbitrary>], iteration_bounds = array<i64: 5>, scalar_prefetch = 0 : i64, scratch_operands = 0 : i64, tpu.core_type = #tpu.core_type<tc>, window_params = [{transform_indices = @transform_0, window_bounds = array<i64: 2, 2000, 64>}, {transform_indices = @transform_1, window_bounds = array<i64: 2, 2000, 64>}, {transform_indices = @transform_2, window_bounds = array<i64: 2000, 1>}, {transform_indices = @transform_3, window_bounds = array<i64: 2000, 1>}, {pipeline_mode = #tpu.pipeline_mode<synchronous>, transform_indices = @transform_4, window_bounds = array<i64: 64, 32>}, {pipeline_mode = #tpu.pipeline_mode<synchronous>, transform_indices = @transform_5, window_bounds = array<i64: 64, 32>}, {pipeline_mode = #tpu.pipeline_mode<synchronous>, transform_indices = @transform_6, window_bounds = array<i64: 64, 32>}, {pipeline_mode = #tpu.pipeline_mode<synchronous>, transform_indices = @transform_7, window_bounds = array<i64: 64, 32>}, {pipeline_mode = #tpu.pipeline_mode<synchronous>, transform_indices = @transform_8, window_bounds = array<i64: 1, 64>}, {pipeline_mode = #tpu.pipeline_mode<synchronous>, transform_indices = @transform_9, window_bounds = array<i64: 1, 64>}, {transform_indices = @transform_10, window_bounds = array<i64: 2, 2000, 32>}]} {
    %get3A = arith.constant 0 : index
    %get3A_0 = arith.constant 0 : index
    %get3A_1 = vector.load %arg3[%get3A, %get3A_0] : memref<2000x1xf32, #tpu.memory_space<vmem>>, vector<2000x1xf32>
    %get3A_2 = arith.constant 0 : index
    %get3A_3 = arith.constant 0 : index
    %get3A_4 = vector.load %arg4[%get3A_2, %get3A_3] : memref<2000x1xf32, #tpu.memory_space<vmem>>, vector<2000x1xf32>
    %add3A = arith.addf %get3A_1, %get3A_4 : vector<2000x1xf32>
    %add3A_5 = arith.constant 1.000000e+00 : f32
    %add3A_6 = vector.broadcast %add3A_5 : f32 to vector<2000x1xf32>
    %add3A_7 = arith.addf %add3A, %add3A_6 : vector<2000x1xf32>
    %rsqrt3A = math.rsqrt %add3A_7 : vector<2000x1xf32>
    %get3A_8 = arith.constant 0 : index
    %get3A_9 = arith.constant 0 : index
    %get3A_10 = arith.constant 0 : index
    %get3A_11 = vector.load %arg1[%get3A_8, %get3A_9, %get3A_10] : memref<2x2000x64xf32, #tpu.memory_space<vmem>>, vector<1x2000x64xf32>
    %get3A_12 = vector.shape_cast %get3A_11 : vector<1x2000x64xf32> to vector<2000x64xf32>
    %get3A_13 = arith.constant 0 : index
    %get3A_14 = arith.constant 0 : index
    %get3A_15 = arith.constant 0 : index
    %get3A_16 = vector.load %arg2[%get3A_13, %get3A_14, %get3A_15] : memref<2x2000x64xf32, #tpu.memory_space<vmem>>, vector<1x2000x64xf32>
    %get3A_17 = vector.shape_cast %get3A_16 : vector<1x2000x64xf32> to vector<2000x64xf32>
    %add3A_18 = arith.addf %get3A_12, %get3A_17 : vector<2000x64xf32>
    %mul3A = vector.broadcast %rsqrt3A : vector<2000x1xf32> to vector<2000x64xf32>
    %mul3A_19 = arith.mulf %add3A_18, %mul3A : vector<2000x64xf32>
    %get3A_20 = arith.constant 0 : index
    %get3A_21 = arith.constant 0 : index
    %get3A_22 = vector.load %arg9[%get3A_20, %get3A_21] : memref<1x64xf32, #tpu.memory_space<vmem>>, vector<1x64xf32>
    %add3A_23 = vector.broadcast %get3A_22 : vector<1x64xf32> to vector<2000x64xf32>
    %add3A_24 = arith.addf %mul3A_19, %add3A_23 : vector<2000x64xf32>
    %max3A = arith.constant 0.000000e+00 : f32
    %max3A_25 = vector.broadcast %max3A : f32 to vector<2000x64xf32>
    %max3A_26 = arith.maximumf %add3A_24, %max3A_25 : vector<2000x64xf32>
    %get3A_27 = arith.constant 1 : index
    %get3A_28 = arith.constant 0 : index
    %get3A_29 = arith.constant 0 : index
    %get3A_30 = vector.load %arg1[%get3A_27, %get3A_28, %get3A_29] : memref<2x2000x64xf32, #tpu.memory_space<vmem>>, vector<1x2000x64xf32>
    %get3A_31 = vector.shape_cast %get3A_30 : vector<1x2000x64xf32> to vector<2000x64xf32>
    %get3A_32 = arith.constant 1 : index
    %get3A_33 = arith.constant 0 : index
    %get3A_34 = arith.constant 0 : index
    %get3A_35 = vector.load %arg2[%get3A_32, %get3A_33, %get3A_34] : memref<2x2000x64xf32, #tpu.memory_space<vmem>>, vector<1x2000x64xf32>
    %get3A_36 = vector.shape_cast %get3A_35 : vector<1x2000x64xf32> to vector<2000x64xf32>
    %add3A_37 = arith.addf %get3A_31, %get3A_36 : vector<2000x64xf32>
    %mul3A_38 = vector.broadcast %rsqrt3A : vector<2000x1xf32> to vector<2000x64xf32>
    %mul3A_39 = arith.mulf %add3A_37, %mul3A_38 : vector<2000x64xf32>
    %get3A_40 = arith.constant 0 : index
    %get3A_41 = arith.constant 0 : index
    %get3A_42 = vector.load %arg10[%get3A_40, %get3A_41] : memref<1x64xf32, #tpu.memory_space<vmem>>, vector<1x64xf32>
    %add3A_43 = vector.broadcast %get3A_42 : vector<1x64xf32> to vector<2000x64xf32>
    %add3A_44 = arith.addf %mul3A_39, %add3A_43 : vector<2000x64xf32>
    %max3A_45 = arith.constant 0.000000e+00 : f32
    %max3A_46 = vector.broadcast %max3A_45 : f32 to vector<2000x64xf32>
    %max3A_47 = arith.maximumf %add3A_44, %max3A_46 : vector<2000x64xf32>
    %get3A_48 = arith.constant 0 : index
    %get3A_49 = arith.constant 0 : index
    %get3A_50 = vector.load %arg5[%get3A_48, %get3A_49] : memref<64x32xf32, #tpu.memory_space<vmem>>, vector<64x32xf32>
    %dot_general3A = arith.constant dense<0.000000e+00> : vector<2000x32xf32>
    %dot_general3A_51 = tpu.matmul %max3A_26, %get3A_50, %dot_general3A {dimension_numbers = #tpu.dot_dimension_numbers<[1], [0], [0], [1], [0, 0, 1, 1], [], []>, transpose_lhs_hint = false} : vector<2000x64xf32>, vector<64x32xf32>, vector<2000x32xf32> -> vector<2000x32xf32>
    %get3A_52 = arith.constant 0 : index
    %get3A_53 = arith.constant 0 : index
    %get3A_54 = vector.load %arg6[%get3A_52, %get3A_53] : memref<64x32xf32, #tpu.memory_space<vmem>>, vector<64x32xf32>
    %dot_general3A_55 = arith.constant dense<0.000000e+00> : vector<2000x32xf32>
    %dot_general3A_56 = tpu.matmul %max3A_47, %get3A_54, %dot_general3A_55 {dimension_numbers = #tpu.dot_dimension_numbers<[1], [0], [0], [1], [0, 0, 1, 1], [], []>, transpose_lhs_hint = false} : vector<2000x64xf32>, vector<64x32xf32>, vector<2000x32xf32> -> vector<2000x32xf32>
    %add3A_57 = arith.addf %dot_general3A_51, %dot_general3A_56 : vector<2000x32xf32>
    %get3A_58 = arith.constant 0 : index
    %get3A_59 = arith.constant 0 : index
    %get3A_60 = vector.load %arg7[%get3A_58, %get3A_59] : memref<64x32xf32, #tpu.memory_space<vmem>>, vector<64x32xf32>
    %dot_general3A_61 = arith.constant dense<0.000000e+00> : vector<2000x32xf32>
    %dot_general3A_62 = tpu.matmul %max3A_26, %get3A_60, %dot_general3A_61 {dimension_numbers = #tpu.dot_dimension_numbers<[1], [0], [0], [1], [0, 0, 1, 1], [], []>, transpose_lhs_hint = false} : vector<2000x64xf32>, vector<64x32xf32>, vector<2000x32xf32> -> vector<2000x32xf32>
    %get3A_63 = arith.constant 0 : index
    %get3A_64 = arith.constant 0 : index
    %get3A_65 = vector.load %arg8[%get3A_63, %get3A_64] : memref<64x32xf32, #tpu.memory_space<vmem>>, vector<64x32xf32>
    %dot_general3A_66 = arith.constant dense<0.000000e+00> : vector<2000x32xf32>
    %dot_general3A_67 = tpu.matmul %max3A_47, %get3A_65, %dot_general3A_66 {dimension_numbers = #tpu.dot_dimension_numbers<[1], [0], [0], [1], [0, 0, 1, 1], [], []>, transpose_lhs_hint = false} : vector<2000x64xf32>, vector<64x32xf32>, vector<2000x32xf32> -> vector<2000x32xf32>
    %add3A_68 = arith.addf %dot_general3A_62, %dot_general3A_67 : vector<2000x32xf32>
    %mul3A_69 = vector.broadcast %rsqrt3A : vector<2000x1xf32> to vector<2000x32xf32>
    %mul3A_70 = arith.mulf %add3A_57, %mul3A_69 : vector<2000x32xf32>
    %swap3A = arith.constant 0 : index
    %swap3A_71 = arith.constant 0 : index
    %swap3A_72 = arith.constant 0 : index
    %swap3A_73 = vector.load %arg11[%swap3A, %swap3A_71, %swap3A_72] : memref<2x2000x32xf32, #tpu.memory_space<vmem>>, vector<1x2000x32xf32>
    %swap3A_74 = vector.shape_cast %swap3A_73 : vector<1x2000x32xf32> to vector<2000x32xf32>
    %swap3A_75 = vector.shape_cast %mul3A_70 : vector<2000x32xf32> to vector<1x2000x32xf32>
    tpu.vector_store %arg11[%swap3A, %swap3A_71, %swap3A_72], %swap3A_75 {strides = array<i32>} : memref<2x2000x32xf32, #tpu.memory_space<vmem>>, vector<1x2000x32xf32>,
    %mul3A_76 = vector.broadcast %rsqrt3A : vector<2000x1xf32> to vector<2000x32xf32>
    %mul3A_77 = arith.mulf %add3A_68, %mul3A_76 : vector<2000x32xf32>
    %swap3A_78 = arith.constant 1 : index
    %swap3A_79 = arith.constant 0 : index
    %swap3A_80 = arith.constant 0 : index
    %swap3A_81 = vector.load %arg11[%swap3A_78, %swap3A_79, %swap3A_80] : memref<2x2000x32xf32, #tpu.memory_space<vmem>>, vector<1x2000x32xf32>
    %swap3A_82 = vector.shape_cast %swap3A_81 : vector<1x2000x32xf32> to vector<2000x32xf32>
    %swap3A_83 = vector.shape_cast %mul3A_77 : vector<2000x32xf32> to vector<1x2000x32xf32>
    tpu.vector_store %arg11[%swap3A_78, %swap3A_79, %swap3A_80], %swap3A_83 {strides = array<i32>} : memref<2x2000x32xf32, #tpu.memory_space<vmem>>, vector<1x2000x32xf32>,
    return
  }
  func.func @transform_0(%arg0: i32) -> (i32, i32, i32) {
    %c0_i32 = arith.constant 0 : i32
    %c0_i32_0 = arith.constant 0 : i32
    %c0_i32_1 = arith.constant 0 : i32
    return %c0_i32, %arg0, %c0_i32_0 : i32, i32, i32
  }
  func.func @transform_1(%arg0: i32) -> (i32, i32, i32) {
    %c0_i32 = arith.constant 0 : i32
    %c0_i32_0 = arith.constant 0 : i32
    %c0_i32_1 = arith.constant 0 : i32
    return %c0_i32, %arg0, %c0_i32_0 : i32, i32, i32
  }
  func.func @transform_2(%arg0: i32) -> (i32, i32) {
    %c0_i32 = arith.constant 0 : i32
    %c0_i32_0 = arith.constant 0 : i32
    return %arg0, %c0_i32 : i32, i32
  }
  func.func @transform_3(%arg0: i32) -> (i32, i32) {
    %c0_i32 = arith.constant 0 : i32
    %c0_i32_0 = arith.constant 0 : i32
    return %arg0, %c0_i32 : i32, i32
  }
  func.func @transform_4(%arg0: i32) -> (i32, i32) {
    %c0_i32 = arith.constant 0 : i32
    %c0_i32_0 = arith.constant 0 : i32
    %c0_i32_1 = arith.constant 0 : i32
    return %c0_i32, %c0_i32_0 : i32, i32
  }
  func.func @transform_5(%arg0: i32) -> (i32, i32) {
    %c0_i32 = arith.constant 0 : i32
    %c0_i32_0 = arith.constant 0 : i32
    %c0_i32_1 = arith.constant 0 : i32
    return %c0_i32, %c0_i32_0 : i32, i32
  }
  func.func @transform_6(%arg0: i32) -> (i32, i32) {
    %c0_i32 = arith.constant 0 : i32
    %c0_i32_0 = arith.constant 0 : i32
    %c0_i32_1 = arith.constant 0 : i32
    return %c0_i32, %c0_i32_0 : i32, i32
  }
  func.func @transform_7(%arg0: i32) -> (i32, i32) {
    %c0_i32 = arith.constant 0 : i32
    %c0_i32_0 = arith.constant 0 : i32
    %c0_i32_1 = arith.constant 0 : i32
    return %c0_i32, %c0_i32_0 : i32, i32
  }
  func.func @transform_8(%arg0: i32) -> (i32, i32) {
    %c0_i32 = arith.constant 0 : i32
    %c0_i32_0 = arith.constant 0 : i32
    %c0_i32_1 = arith.constant 0 : i32
    return %c0_i32, %c0_i32_0 : i32, i32
  }
  func.func @transform_9(%arg0: i32) -> (i32, i32) {
    %c0_i32 = arith.constant 0 : i32
    %c0_i32_0 = arith.constant 0 : i32
    %c0_i32_1 = arith.constant 0 : i32
    return %c0_i32, %c0_i32_0 : i32, i32
  }
  func.func @transform_10(%arg0: i32) -> (i32, i32, i32) {
    %c0_i32 = arith.constant 0 : i32
    %c0_i32_0 = arith.constant 0 : i32
    %c0_i32_1 = arith.constant 0 : i32
    return %c0_i32, %arg0, %c0_i32_0 : i32, i32, i32
  }
}

module attributes {stable_mosaic.version = 14 : i64} {
  func.func @_tc3_body(%arg0: i32, %arg1: memref<2x2000x32xf32, #tpu.memory_space<vmem>>, %arg2: memref<2x2000x32xf32, #tpu.memory_space<vmem>>, %arg3: memref<2000x1xf32, #tpu.memory_space<vmem>>, %arg4: memref<2000x1xf32, #tpu.memory_space<vmem>>, %arg5: memref<1x32xf32, #tpu.memory_space<vmem>>, %arg6: memref<1x32xf32, #tpu.memory_space<vmem>>, %arg7: memref<2000x32xf32, #tpu.memory_space<vmem>>, %arg8: memref<2000x32xf32, #tpu.memory_space<vmem>>, %arg9: memref<2000x32xf32, #tpu.memory_space<vmem>>, %arg10: memref<2000x32xf32, #tpu.memory_space<vmem>>) attributes {dimension_semantics = [#tpu.dimension_semantics<arbitrary>], iteration_bounds = array<i64: 5>, scalar_prefetch = 0 : i64, scratch_operands = 0 : i64, tpu.core_type = #tpu.core_type<tc>, window_params = [{transform_indices = @transform_0, window_bounds = array<i64: 2, 2000, 32>}, {transform_indices = @transform_1, window_bounds = array<i64: 2, 2000, 32>}, {transform_indices = @transform_2, window_bounds = array<i64: 2000, 1>}, {transform_indices = @transform_3, window_bounds = array<i64: 2000, 1>}, {pipeline_mode = #tpu.pipeline_mode<synchronous>, transform_indices = @transform_4, window_bounds = array<i64: 1, 32>}, {pipeline_mode = #tpu.pipeline_mode<synchronous>, transform_indices = @transform_5, window_bounds = array<i64: 1, 32>}, {transform_indices = @transform_6, window_bounds = array<i64: 2000, 32>}, {transform_indices = @transform_7, window_bounds = array<i64: 2000, 32>}, {transform_indices = @transform_8, window_bounds = array<i64: 2000, 32>}, {transform_indices = @transform_9, window_bounds = array<i64: 2000, 32>}]} {
    %get3A = arith.constant 0 : index
    %get3A_0 = arith.constant 0 : index
    %get3A_1 = vector.load %arg3[%get3A, %get3A_0] : memref<2000x1xf32, #tpu.memory_space<vmem>>, vector<2000x1xf32>
    %get3A_2 = arith.constant 0 : index
    %get3A_3 = arith.constant 0 : index
    %get3A_4 = vector.load %arg4[%get3A_2, %get3A_3] : memref<2000x1xf32, #tpu.memory_space<vmem>>, vector<2000x1xf32>
    %add3A = arith.addf %get3A_1, %get3A_4 : vector<2000x1xf32>
    %add3A_5 = arith.constant 1.000000e+00 : f32
    %add3A_6 = vector.broadcast %add3A_5 : f32 to vector<2000x1xf32>
    %add3A_7 = arith.addf %add3A, %add3A_6 : vector<2000x1xf32>
    %rsqrt3A = math.rsqrt %add3A_7 : vector<2000x1xf32>
    %get3A_8 = arith.constant 0 : index
    %get3A_9 = arith.constant 0 : index
    %get3A_10 = arith.constant 0 : index
    %get3A_11 = vector.load %arg1[%get3A_8, %get3A_9, %get3A_10] : memref<2x2000x32xf32, #tpu.memory_space<vmem>>, vector<1x2000x32xf32>
    %get3A_12 = vector.shape_cast %get3A_11 : vector<1x2000x32xf32> to vector<2000x32xf32>
    %get3A_13 = arith.constant 0 : index
    %get3A_14 = arith.constant 0 : index
    %get3A_15 = arith.constant 0 : index
    %get3A_16 = vector.load %arg2[%get3A_13, %get3A_14, %get3A_15] : memref<2x2000x32xf32, #tpu.memory_space<vmem>>, vector<1x2000x32xf32>
    %get3A_17 = vector.shape_cast %get3A_16 : vector<1x2000x32xf32> to vector<2000x32xf32>
    %add3A_18 = arith.addf %get3A_12, %get3A_17 : vector<2000x32xf32>
    %mul3A = vector.broadcast %rsqrt3A : vector<2000x1xf32> to vector<2000x32xf32>
    %mul3A_19 = arith.mulf %add3A_18, %mul3A : vector<2000x32xf32>
    %get3A_20 = arith.constant 0 : index
    %get3A_21 = arith.constant 0 : index
    %get3A_22 = vector.load %arg5[%get3A_20, %get3A_21] : memref<1x32xf32, #tpu.memory_space<vmem>>, vector<1x32xf32>
    %add3A_23 = vector.broadcast %get3A_22 : vector<1x32xf32> to vector<2000x32xf32>
    %add3A_24 = arith.addf %mul3A_19, %add3A_23 : vector<2000x32xf32>
    %get3A_25 = arith.constant 1 : index
    %get3A_26 = arith.constant 0 : index
    %get3A_27 = arith.constant 0 : index
    %get3A_28 = vector.load %arg1[%get3A_25, %get3A_26, %get3A_27] : memref<2x2000x32xf32, #tpu.memory_space<vmem>>, vector<1x2000x32xf32>
    %get3A_29 = vector.shape_cast %get3A_28 : vector<1x2000x32xf32> to vector<2000x32xf32>
    %get3A_30 = arith.constant 1 : index
    %get3A_31 = arith.constant 0 : index
    %get3A_32 = arith.constant 0 : index
    %get3A_33 = vector.load %arg2[%get3A_30, %get3A_31, %get3A_32] : memref<2x2000x32xf32, #tpu.memory_space<vmem>>, vector<1x2000x32xf32>
    %get3A_34 = vector.shape_cast %get3A_33 : vector<1x2000x32xf32> to vector<2000x32xf32>
    %add3A_35 = arith.addf %get3A_29, %get3A_34 : vector<2000x32xf32>
    %mul3A_36 = vector.broadcast %rsqrt3A : vector<2000x1xf32> to vector<2000x32xf32>
    %mul3A_37 = arith.mulf %add3A_35, %mul3A_36 : vector<2000x32xf32>
    %get3A_38 = arith.constant 0 : index
    %get3A_39 = arith.constant 0 : index
    %get3A_40 = vector.load %arg6[%get3A_38, %get3A_39] : memref<1x32xf32, #tpu.memory_space<vmem>>, vector<1x32xf32>
    %add3A_41 = vector.broadcast %get3A_40 : vector<1x32xf32> to vector<2000x32xf32>
    %add3A_42 = arith.addf %mul3A_37, %add3A_41 : vector<2000x32xf32>
    %swap3A = arith.constant 0 : index
    %swap3A_43 = arith.constant 0 : index
    %swap3A_44 = vector.load %arg9[%swap3A, %swap3A_43] : memref<2000x32xf32, #tpu.memory_space<vmem>>, vector<2000x32xf32>
    tpu.vector_store %arg9[%swap3A, %swap3A_43], %add3A_24 {strides = array<i32>} : memref<2000x32xf32, #tpu.memory_space<vmem>>, vector<2000x32xf32>,
    %swap3A_45 = arith.constant 0 : index
    %swap3A_46 = arith.constant 0 : index
    %swap3A_47 = vector.load %arg10[%swap3A_45, %swap3A_46] : memref<2000x32xf32, #tpu.memory_space<vmem>>, vector<2000x32xf32>
    tpu.vector_store %arg10[%swap3A_45, %swap3A_46], %add3A_42 {strides = array<i32>} : memref<2000x32xf32, #tpu.memory_space<vmem>>, vector<2000x32xf32>,
    %get3A_48 = arith.constant 0 : index
    %get3A_49 = arith.constant 0 : index
    %get3A_50 = vector.load %arg7[%get3A_48, %get3A_49] : memref<2000x32xf32, #tpu.memory_space<vmem>>, vector<2000x32xf32>
    %mul3A_51 = arith.constant 5.000000e-01 : f32
    %mul3A_52 = vector.broadcast %mul3A_51 : f32 to vector<2000x32xf32>
    %mul3A_53 = arith.mulf %mul3A_52, %add3A_42 : vector<2000x32xf32>
    %exp3A = math.exp %mul3A_53 : vector<2000x32xf32>
    %mul3A_54 = arith.mulf %get3A_50, %exp3A : vector<2000x32xf32>
    %add3A_55 = arith.addf %add3A_24, %mul3A_54 : vector<2000x32xf32>
    %swap3A_56 = arith.constant 0 : index
    %swap3A_57 = arith.constant 0 : index
    %swap3A_58 = vector.load %arg8[%swap3A_56, %swap3A_57] : memref<2000x32xf32, #tpu.memory_space<vmem>>, vector<2000x32xf32>
    tpu.vector_store %arg8[%swap3A_56, %swap3A_57], %add3A_55 {strides = array<i32>} : memref<2000x32xf32, #tpu.memory_space<vmem>>, vector<2000x32xf32>,
    return
  }
  func.func @transform_0(%arg0: i32) -> (i32, i32, i32) {
    %c0_i32 = arith.constant 0 : i32
    %c0_i32_0 = arith.constant 0 : i32
    %c0_i32_1 = arith.constant 0 : i32
    return %c0_i32, %arg0, %c0_i32_0 : i32, i32, i32
  }
  func.func @transform_1(%arg0: i32) -> (i32, i32, i32) {
    %c0_i32 = arith.constant 0 : i32
    %c0_i32_0 = arith.constant 0 : i32
    %c0_i32_1 = arith.constant 0 : i32
    return %c0_i32, %arg0, %c0_i32_0 : i32, i32, i32
  }
  func.func @transform_2(%arg0: i32) -> (i32, i32) {
    %c0_i32 = arith.constant 0 : i32
    %c0_i32_0 = arith.constant 0 : i32
    return %arg0, %c0_i32 : i32, i32
  }
  func.func @transform_3(%arg0: i32) -> (i32, i32) {
    %c0_i32 = arith.constant 0 : i32
    %c0_i32_0 = arith.constant 0 : i32
    return %arg0, %c0_i32 : i32, i32
  }
  func.func @transform_4(%arg0: i32) -> (i32, i32) {
    %c0_i32 = arith.constant 0 : i32
    %c0_i32_0 = arith.constant 0 : i32
    %c0_i32_1 = arith.constant 0 : i32
    return %c0_i32, %c0_i32_0 : i32, i32
  }
  func.func @transform_5(%arg0: i32) -> (i32, i32) {
    %c0_i32 = arith.constant 0 : i32
    %c0_i32_0 = arith.constant 0 : i32
    %c0_i32_1 = arith.constant 0 : i32
    return %c0_i32, %c0_i32_0 : i32, i32
  }
  func.func @transform_6(%arg0: i32) -> (i32, i32) {
    %c0_i32 = arith.constant 0 : i32
    %c0_i32_0 = arith.constant 0 : i32
    return %arg0, %c0_i32 : i32, i32
  }
  func.func @transform_7(%arg0: i32) -> (i32, i32) {
    %c0_i32 = arith.constant 0 : i32
    %c0_i32_0 = arith.constant 0 : i32
    return %arg0, %c0_i32 : i32, i32
  }
  func.func @transform_8(%arg0: i32) -> (i32, i32) {
    %c0_i32 = arith.constant 0 : i32
    %c0_i32_0 = arith.constant 0 : i32
    return %arg0, %c0_i32 : i32, i32
  }
  func.func @transform_9(%arg0: i32) -> (i32, i32) {
    %c0_i32 = arith.constant 0 : i32
    %c0_i32_0 = arith.constant 0 : i32
    return %arg0, %c0_i32 : i32, i32
  }
}

</mosaic_0001>

<sc_bundles>
// kernel: kernel.11.cloned.1.call-start
scs
__scs_entry_jumppad:
0x0: {  	(pc) =	sbr.rel $0x88, $3  }
0x1: {  	(tag) =	ssettag $0x0;
	lr =	simm.s32 $0x1  }
0x2: {  	[smem:$0x3F97] =	sst lr;
	_ =	strace $0xD0000000  }
0x3: {  	_ = 	snop  }
0x4: {  	_ = 	snop  }
0x5: {  	_ = 	snop  }
0x6: {  	_ = 	snop  }
0x7: {  	_ = 	snop  }
__scs_overlays_trampoline_lowered:
0x8: {  	[smem:$0x3FA6] =	sst s0  }
0x9: {  	[smem:$0x3FA7] =	sst s1  }
0xa: {  	[smem:$0x3FA8] =	sst s2  }
0xb: {  	[smem:$0x3FA9] =	sst s3  }
0xc: {  	[smem:$0x3FAA] =	sst s4  }
0xd: {  	[smem:$0x3FAB] =	sst s5  }
0xe: {  	[smem:$0x3FAC] =	sst s6  }
0xf: {  	[smem:$0x3FAD] =	sst s7  }
0x10: {  	[smem:$0x3FAE] =	sst s8  }
0x11: {  	[smem:$0x3FAF] =	sst s9;
	s0 =	simm.s32 @!p0 $0x0  }
0x12: {  	s1 =	sld [smem:$0x3F95];
	s0 =	simm.s32 @p0 $0x1  }
0x13: {  	[smem:$0x3FB0] =	sst s0;
	s0 =	simm.s32 @!p1 $0x0  }
0x14: {  	s2 =	sld [smem:$0x3F94];
	s0 =	simm.s32 @p1 $0x1  }
0x15: {  	[smem:$0x3FB1] =	sst s0;
	s0 =	simm.s32 @!p2 $0x0  }
0x16: {  	s3 =	sld [smem:$0x3FDB];
	s0 =	simm.s32 @p2 $0x1  }
0x17: {  	s4 =	simm.s32 $0x1BF5;
	[smem:$0x3FB3] =	sst s0  }
0x18: {  	s0 =	sld [smem:$0x3F96];
	_ =	swait.ge [sflag:s4], $0x0  }
0x19: {  	s7 =	sld [smem:$0x3F97]  }
0x1a: {  	s8 =	sadd.s32 $0xFFFFE003, lr  }
0x1b: {  	s9 =	sadd.s32 $0xFFFFFEF7, lr;
	s5 =	simm.s32 $0xFFFFFFFF;
	p2 =	slt.u32 s8, $0xFFFFF086  }
0x1c: {  	p1 =	slt.u32 s9, $0xF7A;
	s5 =	simm.s32 @!p2 $0x0  }
0x1d: {  	s5 =	simm.s32 @p1 $0x1;
	p0 =	seq.s32 s7, s2  }
0x1e: {  	s7 =	smul.u32 @!p0 $0xF7A, s2;
	p2 =	seq.s32 @!p0 s5, $0x0  }
0x1f: {  	s9 =	smul.u32 $0xF7A, s1;
	s8 =	simm.s32 @!p0 $0x1BF5;
	p2 =	por !p2, p0  }
0x20: {  	[sflag:s8] =	ssyncset.s32 @!p0 $0xFFFFF086;
	s6 =	sadd.s32 @!p0 s3, s7;
	s7 =	simm.s32 @!p0 $0x108  }
0x21: {  	s3 =	sadd.s32 s3, s9;
	s6 =	sadd.s32 @!p0 $0x88, s6;
	s7 =	simm.s32 @p2 $0x1082  }
0x22: {  	[simem:s7], [sflag:s8] =	dma.local @!p0 [hbm:s6], $0xF7A  }
0x23: {  	s9 =	sor.u32 $0xD0000000, s2;
	s6 =	simm.s32 $0x108;
	_ =	swait.ge @!p0 [sflag:s8], $0x0  }
0x24: {  	s3 =	sadd.s32 $0x88, s3;
	s6 =	simm.s32 @!p1 $0x1082;
	[sflag:s4] =	ssyncset.s32 $0xFFFFF086  }
0x25: {  	[simem:s6], [sflag:s4] =	dma.local [hbm:s3], $0xF7A  }
0x26: {  	[smem:$0x3F97] =	sst s1;
	(tag) =	ssettag s2;
	_ =	strace s9  }
0x27: {  	s1 =	sld [smem:$0x3FA7]  }
0x28: {  	s2 =	sld [smem:$0x3FA8]  }
0x29: {  	s4 =	sld [smem:$0x3FAA]  }
0x2a: {  	p0 =	seq.s32 s5, $0x0;
	s5 =	sld [smem:$0x3FAB]  }
0x2b: {  	s6 =	sld [smem:$0x3FAC]  }
0x2c: {  	s7 =	sld [smem:$0x3FAD]  }
0x2d: {  	s3 =	simm.s32 $0x108;
	s8 =	sld [smem:$0x3FAE]  }
0x2e: {  	s3 =	simm.s32 @!p0 $0x1082;
	s9 =	sld [smem:$0x3FAF]  }
0x2f: {  	lr =	sadd.s32 s0, s3;
	s0 =	sld [smem:$0x3FA6]  }
0x30: {  	s3 =	sld [smem:$0x3FA9]  }
0x31: {  	[smem:$0x3FB2] =	sst s10  }
0x32: {  	s10 =	sld [smem:$0x3FB0];
	_ =	sdelay $0x3  }
0x33: {  	p0 =	seq.s32 s10, $0x1;
	s10 =	sld [smem:$0x3FB2];
	_ =	sdelay $0x3  }
0x34: {  	[smem:$0x3FB2] =	sst s10  }
0x35: {  	s10 =	sld [smem:$0x3FB1];
	_ =	sdelay $0x3  }
0x36: {  	p1 =	seq.s32 s10, $0x1;
	s10 =	sld [smem:$0x3FB2];
	_ =	sdelay $0x3  }
0x37: {  	[smem:$0x3FB2] =	sst s10  }
0x38: {  	s10 =	sld [smem:$0x3FB3]  }
0x39: {  	_ = 	snop;
	(pc) =	sbr.ind lr, $3  }
0x3a: {  	_ = 	snop  }
0x3b: {  	_ = 	snop  }
0x3c: {  	p2 =	seq.s32 s10, $0x1;
	s10 =	sld [smem:$0x3FB2]  }
0x3d: {  	_ =	shalt  }
0x3e: {  	_ =	shalt  }
0x3f: {  	_ =	shalt  }
0x40: {  	_ =	shalt  }
0x41: {  	_ =	shalt  }
0x42: {  	_ =	shalt  }
0x43: {  	_ =	shalt  }
0x44: {  	_ =	shalt  }
0x45: {  	_ =	shalt  }
0x46: {  	_ =	shalt  }
0x47: {  	_ =	shalt  }
0x48: {  	_ =	shalt  }
0x49: {  	_ =	shalt  }
0x4a: {  	_ =	shalt  }
0x4b: {  	_ =	shalt  }
0x4c: {  	_ =	shalt  }
0x4d: {  	_ =	shalt  }
0x4e: {  	_ =	shalt  }
0x4f: {  	_ =	shalt  }
0x50: {  	_ =	shalt  }
0x51: {  	_ =	shalt  }
0x52: {  	_ =	shalt  }
0x53: {  	_ =	shalt  }
0x54: {  	_ =	shalt  }
0x55: {  	_ =	shalt  }
0x56: {  	_ =	shalt  }
0x57: {  	_ =	shalt  }
0x58: {  	_ =	shalt  }
0x59: {  	_ =	shalt  }
0x5a: {  	_ =	shalt  }
0x5b: {  	_ =	shalt  }
0x5c: {  	_ =	shalt  }
0x5d: {  	_ =	shalt  }
0x5e: {  	_ =	shalt  }
0x5f: {  	_ =	shalt  }
0x60: {  	_ =	shalt  }
0x61: {  	_ =	shalt  }
0x62: {  	_ =	shalt  }
0x63: {  	_ =	shalt  }
0x64: {  	_ =	shalt  }
0x65: {  	_ =	shalt  }
0x66: {  	_ =	shalt  }
0x67: {  	_ =	shalt  }
0x68: {  	_ =	shalt  }
0x69: {  	_ =	shalt  }
0x6a: {  	_ =	shalt  }
0x6b: {  	_ =	shalt  }
0x6c: {  	_ =	shalt  }
0x6d: {  	_ =	shalt  }
0x6e: {  	_ =	shalt  }
0x6f: {  	_ =	shalt  }
0x70: {  	_ =	shalt  }
0x71: {  	_ =	shalt  }
0x72: {  	_ =	shalt  }
0x73: {  	_ =	shalt  }
0x74: {  	_ =	shalt  }
0x75: {  	_ =	shalt  }
0x76: {  	_ =	shalt  }
0x77: {  	_ =	shalt  }
0x78: {  	_ =	shalt  }
0x79: {  	_ =	shalt  }
0x7a: {  	_ =	shalt  }
0x7b: {  	_ =	shalt  }
0x7c: {  	_ =	shalt  }
0x7d: {  	_ =	shalt  }
0x7e: {  	_ =	shalt  }
0x7f: {  	_ =	shalt  }
0x80: {  	_ =	shalt  }
0x81: {  	_ =	shalt  }
0x82: {  	_ =	shalt  }
0x83: {  	_ =	shalt  }
0x84: {  	_ =	shalt  }
0x85: {  	_ =	shalt  }
0x86: {  	_ =	shalt  }
0x87: {  	_ =	shalt  }
.Lfunc_end0:
.L_simem_size_0:
called_computation.1_lowered:
.L_overlay_start_0:
0x88: {  	s2 =	sld [smem:$0x3FD9]  }
0x89: {  	s3 =	sld [smem:$0x3FFE];
	_ =	sdelay $0x1  }
0x8a: {  	s1 =	srdreg.scid  }
0x8b: {  	s0 =	sand.u32 $0x1, s1  }
0x8c: {  	s16 =	sshll.u32 s0, $0xA;
	s2 =	sadd.s32 s3, s2  }
0x8d: {  	s2 =	sadd.s32 s2, s16  }
0x8e: {  	[smem:$0x3FBE] =	sst s2  }
0x8f: {  	_ = 	snop  }
0x90: {  	(tm) =	ssettm $0x1  }
0x91: {  	s17 =	sld [smem:$0x3FFB];
	_ =	sdelay $0x3  }
0x92: {  	_ =	strace s17  }
0x93: {  	s2 =	sld [smem:$0x3FFC];
	_ =	sdelay $0x3  }
0x94: {  	_ =	strace s2  }
0x95: {  	s2 =	sld [smem:$0x3FFD];
	_ =	sdelay $0x3  }
0x96: {  	_ =	strace s2  }
0x97: {  	_ =	strace $0x8FFFFFFF  }
0x98: {  	s18 =	sld [smem:$0x3FDB];
	_ =	sdelay $0x1  }
0x99: {  	s19 =	simm.s32 $_scs_section_size  }
0x9a: {  	s4 =	simm.s32 $_size__tile_overlayer_lowered;
	s5 =	simm.s32 $_tile_overlayer_lowered  }
0x9b: {  	s22 =	simm.s32 $0x1BFF;
	s21 =	sshll.u32 s5, $0x1;
	s2 =	sadd.s32 s19, s18  }
0x9c: {  	s6 =	simm.s32 $0x0;
	s20 =	sshll.u32 s4, $0x1;
	s4 =	sadd.s32 s21, s2  }
0x9d: {  	[timem:s6], [sflag:s22] =	dma.local [hbm:s4], s20  }
0x9e: {  	_ =	swait.ge [sflag:s22], s20  }
0x9f: {  	s3 =	ssub.s32 $0x0, s20;
	[sflag:s22] =	ssyncset.done $0x0  }
0xa0: {  	[sflag:s22] =	ssyncadd.s32 s3;
	_ =	sdelay $0x1  }
0xa1: {  	s23 =	simm.s32 $0x1B8B  }
0xa2: {  	_ =	swait.ge [sflag:s23], $0x1  }
0xa3: {  	[sflag:s23] =	ssyncset.done $0x0  }
0xa4: {  	s25 =	simm.s32 $0x1B8E;
	s24 =	sld [smem:$0x3FFE];
	[sflag:s23] =	ssyncadd.s32 $0xFFFFFFFF  }
0xa5: {  	s26 =	simm.s32 $execute0_lowered;
	[smem:$0x3FD2] =	sst s25  }
0xa6: {  	s4 =	sshll.u32 s26, $0x1;
	_ =	strace $0x80000049;
	[dreg:$0x1] =	wrdreg $0xFFFFFFFF  }
0xa7: {  	s28 =	simm.s32 $_size_execute0_lowered;
	s2 =	sadd.s32 s2, s4;
	[dreg:$0x0] =	wrdreg $0x0  }
0xa8: {  	s4 =	sshll.u32 s28, $0x1;
	[dreg:$0x2] =	wrdreg s2  }
0xa9: {  	[dreg:$0x3] =	wrdreg s4  }
0xaa: {  	[dreg:$0x4] =	wrdreg $0xC0  }
0xab: {  	_ =	task [dreg:s6], $0x5FFFF  }
0xac: {  	[dreg:$0x1] =	wrdreg $0xFFFFFFFF  }
0xad: {  	[dreg:$0x0] =	wrdreg $0x60  }
0xae: {  	[dreg:$0x2] =	wrdreg s24  }
0xaf: {  	[dreg:$0x3] =	wrdreg $0x15C400  }
0xb0: {  	[dreg:$0x4] =	wrdreg $0x9  }
0xb1: {  	_ =	task.clear_ibuf [dreg:s6], $0x5FFFF;
	_ =	strace $0x90000049  }
0xb2: {  	s29 =	simm.s32 $0x9;
	_ =	strace $0x8000004B  }
0xb3: {  	_ =	swait.ge [sflag:s29], $0x1  }
0xb4: {  	[sflag:s29] =	ssyncadd.s32 $0xFFFFFFFF  }
0xb5: {  	_ =	strace $0x9000004B  }
0xb6: {  	_ =	sfence  }
0xb7: {  	s30 =	sld [smem:$0x0];
	_ =	sdelay $0x2  }
0xb8: {  	s31 =	sshll.u32 s1, $0xD;
	s1 =	sshrl.u32 s1, $0x2  }
0xb9: {  	s3 =	sand.u32 $0x4000, s31;
	s1 =	sadd.s32 s1, s30  }
0xba: {  	s0 =	sor.u32 s3, s0;
	s1 =	sshll.u32 s1, $0x11  }
0xbb: {  	s0 =	sor.u32 s1, s0  }
0xbc: {  	s0 =	sadd.s32 $0x8F2B, s0  }
0xbd: {  	[sflag:s0] =	ssyncadd.remote.s32 $0x1  }
0xbe: {  	_ =	sfence.sel $0xFFFF  }
0xbf: {  	[dreg:$0x0] =	wrdreg $0xFFFFFFFF;
	(pc) =	sbr.abs _section_cstart, $3  }
0xc0: {  	[dreg:$0x1] =	wrdreg $0xFFFFFFFF  }
0xc1: {  	_ =	task.clear_ibuf [dreg:s6], $0x2FFFF;
	_ =	strace $0x9FFFFFFF  }
0xc2: {  	(tm) =	ssettm $0x7FFFFFFF  }
0xc3: {  	_ =	shalt  }
tec
execute0_lowered:
.L_overlay_start_1:
0x0: {  	(tag) =	ssettag $0x1  }
0x1: {  	s0 =	srdreg.scid;
	s1 =	rddreg [dreg:$0x0]  }
0x2: {  	s8 =	stileid.u32;
	s2 =	rddreg [dreg:$0x1];
	s3 =	simm.s32 $0x0  }
0x3: {  	s14 =	simm.s32 $0xB;
	s16 =	simm.s32 $0x7D;
	s17 =	simm.s32 $0xA000  }
0x4: {  	s19 =	simm.s32 $0xBF40;
	s20 =	simm.s32 $0x13C40;
	s22 =	simm.s32 $0xDE80  }
0x5: {  	s28 =	simm.s32 $0x1;
	s29 =	simm.s32 $0x2;
	s5 =	smul.u32 $0x5000, s8  }
0x6: {  	s30 =	simm.s32 $0x3;
	s31 =	simm.s32 $0x4;
	s7 =	smul.u32 $0xA000, s8  }
0x7: {  	s15 =	simm.s32 $0x6;
	s0 =	sand.u32 $0x1, s0;
	s8 =	smul.u32 $0x28000, s8  }
0x8: {  	s18 =	simm.s32 $0x8;
	s21 =	simm.s32 $0x9;
	s4 =	smul.u32 $0x13880, s0  }
0x9: {  	[smem:$0x7FF] =	sst s3;
	s6 =	smul.u32 $0xA0000, s0;
	s0 =	ssub.s32 $0x2, s0  }
0xa: {  	_ =	strace $0x8000004A;
	s5 =	sshrl.u32 s5, $0x3;
	s23 =	sshrl.u32 s0, $0x1  }
0xb: {  	s8 =	sshrl.u32 s8, $0x2;
	s4 =	sadd.s32 s4, s1;
	s6 =	sadd.s32 s7, s6  }
0xc: {  	s5 =	sadd.s32 s5, s1;
	s0 =	ssub.s32 s0, s23;
	s25 =	sadd.s32 s8, s2  }
0xd: {  	s7 =	sadd.s32 s7, s2;
	s23 =	simm.s32 $0xA;
	s6 =	sshrl.u32 s6, $0x3  }
0xe: {  	s24 =	sadd.s32 $0x16E00, s5;
	s5 =	sadd.s32 $0x20E00, s5;
	s26 =	sadd.s32 $0x2000, s25  }
0xf: {  	s9 =	sadd.s32 $0x4000, s25;
	s10 =	sadd.s32 $0x6000, s25;
	s11 =	sadd.s32 $0x8000, s25  }
0x10: {  	s13 =	smax.u32 s0, $0x1;
	s0 =	simm.s32 $0x7;
	[dreg:$0x3] =	wrdreg s24  }
0x11: {  	s25 =	simm.s32 $0x0;
	s1 =	sadd.s32 s6, s1;
	[dreg:$0x4] =	wrdreg s5  }
0x12: {  	s6 =	sadd.s32 $0x79200, s4;
	[dreg:$0x5] =	wrdreg s26;
	s24 =	simm.s32 $0xFDC0  }
0x13: {  	v0 =	vimm.f32 $0.0e+00;
	s26 =	simm.s32 $0x11D00;
	s12 =	sadd.s32 $0xA0400, s1;
	s1 =	simm.s32 $0x5  }
.LBB2_1:
0x14: {  	s4 =	rddreg [dreg:$0x3]  }
0x15: {  	[tilespmem:s3], [sflag:$0xB] =	stream.linear.gather [hbm4b:s4+s3], $0x5000, $0x38;
	[tilespmem:$0x1FC40] =	vst v63  }
0x16: {  	_ =	swait.ge [sflag:s14], $0x5000  }
0x17: {  	[sflag:s14] =	ssyncset.done $0x0  }
0x18: {  	s5 =	simm.s32 $0x5000;
	s8 =	rddreg [dreg:$0x4];
	[sflag:s14] =	ssyncadd.s32 $0xFFFFB000  }
0x19: {  	[tilespmem:s5], [sflag:$0xB] =	stream.linear.gather [hbm4b:s8+s3], $0x5000, $0x38;
	[tilespmem:$0x1FC40] =	vst v63  }
0x1a: {  	_ =	swait.ge [sflag:s14], $0x5000  }
0x1b: {  	[sflag:s14] =	ssyncset.done $0x0  }
0x1c: {  	[sflag:s14] =	ssyncadd.s32 $0xFFFFB000  }
0x1d: {  	[tilespmem:s17], [sflag:$0x1] =	stream.indirect.gather [hbm4b:s6+s16], $0x40, s3, s16, $0xb8;
	[tilespmem:$0x1FC40] =	vst v63  }
0x1e: {  	s4 =	simm.s32 $0x0;
	s8 =	simm.s32 $0x80;
	s5 =	simm.s32 $0x100  }
0x1f: {  	[tilespmem:s19], [sflag:$0x2] =	stream.indirect.gather [hbm4b:s6+s16], $0x40, s8, s16, $0xb8;
	[tilespmem:$0x1FC40] =	vst v63  }
.LBB2_2:
0x20: {  	p0 =	sne.s32 s5, $0x7F00;
	[tilespmem:s4+$0x13C70] =	vst v0;
	s8 =	smov.u32 s5;
	s5 =	sadd.s32 $0x100, s5  }
.Ltmp0:
0x21: {  	[tilespmem:s4+$0x13C60] =	vst v0;
	(pc) =	sbr.rel @p0 .LBB2_2-.Ltmp0, $3  }
0x22: {  	[tilespmem:s4+$0x13C40] =	vst v0  }
0x23: {  	[tilespmem:s4+$0x13C50] =	vst v0;
	_ =	sdelay $0x1  }
0x24: {  	s4 =	sshra.s32 s8, $0x2  }
0x25: {  	[tilespmem:s4+$0x13C70] =	vst v0  }
0x26: {  	[tilespmem:s4+$0x13C60] =	vst v0  }
0x27: {  	[tilespmem:s4+$0x13C40] =	vst v0  }
0x28: {  	[tilespmem:s4+$0x13C50] =	vst v0  }
0x29: {  	[spmem:s7] =	stream.linear.scatter [tilespmem:s20], [sflag:$0xB], $0x2000, $0x38;
	[tilespmem:$0x1FC40] =	vst v63  }
0x2a: {  	_ =	swait.ge [sflag:s14], $0x2000  }
0x2b: {  	[sflag:s14] =	ssyncset.done $0x0  }
0x2c: {  	s8 =	rddreg [dreg:$0x5];
	[sflag:s14] =	ssyncadd.s32 $0xFFFFE000  }
0x2d: {  	[spmem:s8] =	stream.linear.scatter [tilespmem:s20], [sflag:$0xB], $0x2000, $0x38;
	[tilespmem:$0x1FC40] =	vst v63  }
0x2e: {  	_ =	swait.ge [sflag:s14], $0x2000  }
0x2f: {  	[sflag:s14] =	ssyncset.done $0x0  }
0x30: {  	[sflag:s14] =	ssyncadd.s32 $0xFFFFE000  }
0x31: {  	[spmem:s9] =	stream.linear.scatter [tilespmem:s20], [sflag:$0xB], $0x2000, $0x38;
	[tilespmem:$0x1FC40] =	vst v63  }
0x32: {  	_ =	swait.ge [sflag:s14], $0x2000  }
0x33: {  	[sflag:s14] =	ssyncset.done $0x0  }
0x34: {  	[sflag:s14] =	ssyncadd.s32 $0xFFFFE000  }
0x35: {  	[spmem:s10] =	stream.linear.scatter [tilespmem:s20], [sflag:$0xB], $0x2000, $0x38;
	[tilespmem:$0x1FC40] =	vst v63  }
0x36: {  	_ =	swait.ge [sflag:s14], $0x2000  }
0x37: {  	[sflag:s14] =	ssyncset.done $0x0  }
0x38: {  	[sflag:s14] =	ssyncadd.s32 $0xFFFFE000  }
0x39: {  	[spmem:s11] =	stream.linear.scatter [tilespmem:s20], [sflag:$0xB], $0x2000, $0x38;
	[tilespmem:$0x1FC40] =	vst v63  }
0x3a: {  	_ =	swait.ge [sflag:s14], $0x2000  }
0x3b: {  	[sflag:s14] =	ssyncset.done $0x0  }
0x3c: {  	[sflag:s14] =	ssyncadd.s32 $0xFFFFE000  }
0x3d: {  	s5 =	simm.s32 $0x100;
	[bflag:$0x0] =	sbarrier.arrive $0xFFFF  }
0x3e: {  	[tilespmem:s22], [sflag:$0x3] =	stream.indirect.gather [hbm4b:s6+s16], $0x40, s5, s16, $0xb8;
	[tilespmem:$0x1FC40] =	vst v63  }
0x3f: {  	s8 =	simm.s32 $0x180  }
0x40: {  	[tilespmem:s24], [sflag:$0x4] =	stream.indirect.gather [hbm4b:s6+s16], $0x40, s8, s16, $0xb8;
	[tilespmem:$0x1FC40] =	vst v63  }
0x41: {  	s5 =	simm.s32 $0x200  }
0x42: {  	[tilespmem:s26], [sflag:$0x5] =	stream.indirect.gather [hbm4b:s6+s16], $0x40, s5, s16, $0xb8;
	[tilespmem:$0x1FC40] =	vst v63  }
0x43: {  	_ =	swait.ge [sflag:s28], $0x1F40  }
0x44: {  	[sflag:s28] =	ssyncset.done $0x0  }
0x45: {  	s8 =	simm.s32 $0x5000;
	[sflag:s28] =	ssyncadd.s32 $0xFFFFE0C0  }
0x46: {  	[spmem:s2] =	stream.indirect.scatter.add.f32 [tilespmem:s17], [sflag:$0x6], $0x40, s8, s16, $0xb8;
	[tilespmem:$0x1FC40] =	vst v63  }
0x47: {  	_ =	swait.ge [sflag:s29], $0x1F40  }
0x48: {  	[sflag:s29] =	ssyncset.done $0x0  }
0x49: {  	s5 =	simm.s32 $0x5080;
	[sflag:s29] =	ssyncadd.s32 $0xFFFFE0C0  }
0x4a: {  	[spmem:s2] =	stream.indirect.scatter.add.f32 [tilespmem:s19], [sflag:$0x7], $0x40, s5, s16, $0xb8;
	[tilespmem:$0x1FC40] =	vst v63  }
0x4b: {  	_ =	swait.ge [sflag:s30], $0x1F40  }
0x4c: {  	[sflag:s30] =	ssyncset.done $0x0  }
0x4d: {  	s8 =	simm.s32 $0x5100;
	[sflag:s30] =	ssyncadd.s32 $0xFFFFE0C0  }
0x4e: {  	[spmem:s2] =	stream.indirect.scatter.add.f32 [tilespmem:s22], [sflag:$0x8], $0x40, s8, s16, $0xb8;
	[tilespmem:$0x1FC40] =	vst v63  }
0x4f: {  	_ =	swait.ge [sflag:s31], $0x1F40  }
0x50: {  	[sflag:s31] =	ssyncset.done $0x0  }
0x51: {  	s5 =	simm.s32 $0x5180;
	[sflag:s31] =	ssyncadd.s32 $0xFFFFE0C0  }
0x52: {  	[spmem:s2] =	stream.indirect.scatter.add.f32 [tilespmem:s24], [sflag:$0x9], $0x40, s5, s16, $0xb8;
	[tilespmem:$0x1FC40] =	vst v63  }
0x53: {  	_ =	swait.ge [sflag:s1], $0x1F40  }
0x54: {  	[sflag:s1] =	ssyncset.done $0x0  }
0x55: {  	s8 =	simm.s32 $0x5200;
	[sflag:s1] =	ssyncadd.s32 $0xFFFFE0C0  }
0x56: {  	[spmem:s2] =	stream.indirect.scatter.add.f32 [tilespmem:s26], [sflag:$0xA], $0x40, s8, s16, $0xb8;
	[tilespmem:$0x1FC40] =	vst v63  }
0x57: {  	_ =	swait.ge [sflag:s15], $0x1F40  }
0x58: {  	[sflag:s15] =	ssyncset.done $0x0  }
0x59: {  	s5 =	simm.s32 $0x280;
	[sflag:s15] =	ssyncadd.s32 $0xFFFFE0C0  }
0x5a: {  	[tilespmem:s17], [sflag:$0x1] =	stream.indirect.gather [hbm4b:s6+s16], $0x40, s5, s16, $0xb8;
	[tilespmem:$0x1FC40] =	vst v63  }
0x5b: {  	_ =	swait.ge [sflag:s0], $0x1F40  }
0x5c: {  	[sflag:s0] =	ssyncset.done $0x0  }
0x5d: {  	s8 =	simm.s32 $0x300;
	[sflag:s0] =	ssyncadd.s32 $0xFFFFE0C0  }
0x5e: {  	[tilespmem:s19], [sflag:$0x2] =	stream.indirect.gather [hbm4b:s6+s16], $0x40, s8, s16, $0xb8;
	[tilespmem:$0x1FC40] =	vst v63  }
0x5f: {  	_ =	swait.ge [sflag:s18], $0x1F40  }
0x60: {  	[sflag:s18] =	ssyncset.done $0x0  }
0x61: {  	s5 =	simm.s32 $0x380;
	[sflag:s18] =	ssyncadd.s32 $0xFFFFE0C0  }
0x62: {  	[tilespmem:s22], [sflag:$0x3] =	stream.indirect.gather [hbm4b:s6+s16], $0x40, s5, s16, $0xb8;
	[tilespmem:$0x1FC40] =	vst v63  }
0x63: {  	_ =	swait.ge [sflag:s21], $0x1F40  }
0x64: {  	[sflag:s21] =	ssyncset.done $0x0  }
0x65: {  	s8 =	simm.s32 $0x400;
	[sflag:s21] =	ssyncadd.s32 $0xFFFFE0C0  }
0x66: {  	[tilespmem:s24], [sflag:$0x4] =	stream.indirect.gather [hbm4b:s6+s16], $0x40, s8, s16, $0xb8;
	[tilespmem:$0x1FC40] =	vst v63  }
0x67: {  	_ =	swait.ge [sflag:s23], $0x1F40  }
0x68: {  	[sflag:s23] =	ssyncset.done $0x0  }
0x69: {  	s4 =	simm.s32 $0xA00;
	s5 =	simm.s32 $0x480;
	[sflag:s23] =	ssyncadd.s32 $0xFFFFE0C0  }
.LBB2_4:
0x6a: {  	[tilespmem:s26], [sflag:$0x5] =	stream.indirect.gather [hbm4b:s6+s16], $0x40, s5, s16, $0xb8;
	[tilespmem:$0x1FC40] =	vst v63  }
0x6b: {  	s5 =	smov.u32 s4  }
0x6c: {  	p0 =	sne.s32 s4, $0x12C00;
	s4 =	sadd.s32 $0xA00, s4;
	_ =	swait.ge [sflag:s28], $0x1F40  }
0x6d: {  	s5 =	sshra.s32 s5, $0x2;
	[sflag:s28] =	ssyncset.done $0x0  }
0x6e: {  	s8 =	sadd.s32 $0x5000, s5;
	[sflag:s28] =	ssyncadd.s32 $0xFFFFE0C0  }
0x6f: {  	[spmem:s2] =	stream.indirect.scatter.add.f32 [tilespmem:s17], [sflag:$0x6], $0x40, s8, s16, $0xb8;
	[tilespmem:$0x1FC40] =	vst v63  }
0x70: {  	_ =	swait.ge [sflag:s29], $0x1F40  }
0x71: {  	[sflag:s29] =	ssyncset.done $0x0  }
0x72: {  	s8 =	sadd.s32 $0x5080, s5;
	[sflag:s29] =	ssyncadd.s32 $0xFFFFE0C0  }
0x73: {  	[spmem:s2] =	stream.indirect.scatter.add.f32 [tilespmem:s19], [sflag:$0x7], $0x40, s8, s16, $0xb8;
	[tilespmem:$0x1FC40] =	vst v63  }
0x74: {  	_ =	swait.ge [sflag:s30], $0x1F40  }
0x75: {  	[sflag:s30] =	ssyncset.done $0x0  }
0x76: {  	s8 =	sadd.s32 $0x5100, s5;
	[sflag:s30] =	ssyncadd.s32 $0xFFFFE0C0  }
0x77: {  	[spmem:s2] =	stream.indirect.scatter.add.f32 [tilespmem:s22], [sflag:$0x8], $0x40, s8, s16, $0xb8;
	[tilespmem:$0x1FC40] =	vst v63  }
0x78: {  	_ =	swait.ge [sflag:s31], $0x1F40  }
0x79: {  	[sflag:s31] =	ssyncset.done $0x0  }
0x7a: {  	s8 =	sadd.s32 $0x5180, s5;
	[sflag:s31] =	ssyncadd.s32 $0xFFFFE0C0  }
0x7b: {  	[spmem:s2] =	stream.indirect.scatter.add.f32 [tilespmem:s24], [sflag:$0x9], $0x40, s8, s16, $0xb8;
	[tilespmem:$0x1FC40] =	vst v63  }
0x7c: {  	_ =	swait.ge [sflag:s1], $0x1F40  }
0x7d: {  	[sflag:s1] =	ssyncset.done $0x0  }
0x7e: {  	s8 =	sadd.s32 $0x5200, s5;
	[sflag:s1] =	ssyncadd.s32 $0xFFFFE0C0  }
0x7f: {  	[spmem:s2] =	stream.indirect.scatter.add.f32 [tilespmem:s26], [sflag:$0xA], $0x40, s8, s16, $0xb8;
	[tilespmem:$0x1FC40] =	vst v63  }
0x80: {  	_ =	swait.ge [sflag:s15], $0x1F40  }
0x81: {  	[sflag:s15] =	ssyncset.done $0x0  }
0x82: {  	s8 =	sadd.s32 $0x280, s5;
	[sflag:s15] =	ssyncadd.s32 $0xFFFFE0C0  }
0x83: {  	[tilespmem:s17], [sflag:$0x1] =	stream.indirect.gather [hbm4b:s6+s16], $0x40, s8, s16, $0xb8;
	[tilespmem:$0x1FC40] =	vst v63  }
0x84: {  	_ =	swait.ge [sflag:s0], $0x1F40  }
0x85: {  	[sflag:s0] =	ssyncset.done $0x0  }
0x86: {  	s8 =	sadd.s32 $0x300, s5;
	[sflag:s0] =	ssyncadd.s32 $0xFFFFE0C0  }
0x87: {  	[tilespmem:s19], [sflag:$0x2] =	stream.indirect.gather [hbm4b:s6+s16], $0x40, s8, s16, $0xb8;
	[tilespmem:$0x1FC40] =	vst v63  }
0x88: {  	_ =	swait.ge [sflag:s18], $0x1F40  }
0x89: {  	[sflag:s18] =	ssyncset.done $0x0  }
0x8a: {  	s8 =	sadd.s32 $0x380, s5;
	[sflag:s18] =	ssyncadd.s32 $0xFFFFE0C0  }
0x8b: {  	[tilespmem:s22], [sflag:$0x3] =	stream.indirect.gather [hbm4b:s6+s16], $0x40, s8, s16, $0xb8;
	[tilespmem:$0x1FC40] =	vst v63  }
0x8c: {  	_ =	swait.ge [sflag:s21], $0x1F40  }
0x8d: {  	[sflag:s21] =	ssyncset.done $0x0  }
.Ltmp1:
0x8e: {  	s8 =	sadd.s32 $0x400, s5;
	[sflag:s21] =	ssyncadd.s32 $0xFFFFE0C0;
	(pc) =	sbr.rel @p0 .LBB2_4-.Ltmp1, $4  }
0x8f: {  	[tilespmem:s24], [sflag:$0x4] =	stream.indirect.gather [hbm4b:s6+s16], $0x40, s8, s16, $0xb8;
	[tilespmem:$0x1FC40] =	vst v63  }
0x90: {  	_ =	swait.ge [sflag:s23], $0x1F40  }
0x91: {  	[sflag:s23] =	ssyncset.done $0x0  }
0x92: {  	s5 =	sadd.s32 $0x480, s5;
	[sflag:s23] =	ssyncadd.s32 $0xFFFFE0C0  }
0x93: {  	[tilespmem:s26], [sflag:$0x5] =	stream.indirect.gather [hbm4b:s6+s16], $0x40, s5, s16, $0xb8;
	[tilespmem:$0x1FC40] =	vst v63  }
0x94: {  	_ =	swait.ge [sflag:s28], $0x1F40  }
0x95: {  	[sflag:s28] =	ssyncset.done $0x0  }
0x96: {  	s4 =	simm.s32 $0x9D80;
	[sflag:s28] =	ssyncadd.s32 $0xFFFFE0C0  }
0x97: {  	[spmem:s2] =	stream.indirect.scatter.add.f32 [tilespmem:s17], [sflag:$0x6], $0x40, s4, s16, $0xb8;
	[tilespmem:$0x1FC40] =	vst v63  }
0x98: {  	_ =	swait.ge [sflag:s29], $0x1F40  }
0x99: {  	[sflag:s29] =	ssyncset.done $0x0  }
0x9a: {  	s5 =	simm.s32 $0x9E00;
	[sflag:s29] =	ssyncadd.s32 $0xFFFFE0C0  }
0x9b: {  	[spmem:s2] =	stream.indirect.scatter.add.f32 [tilespmem:s19], [sflag:$0x7], $0x40, s5, s16, $0xb8;
	[tilespmem:$0x1FC40] =	vst v63  }
0x9c: {  	_ =	swait.ge [sflag:s30], $0x1F40  }
0x9d: {  	[sflag:s30] =	ssyncset.done $0x0  }
0x9e: {  	s8 =	simm.s32 $0x9E80;
	[sflag:s30] =	ssyncadd.s32 $0xFFFFE0C0  }
0x9f: {  	[spmem:s2] =	stream.indirect.scatter.add.f32 [tilespmem:s22], [sflag:$0x8], $0x40, s8, s16, $0xb8;
	[tilespmem:$0x1FC40] =	vst v63  }
0xa0: {  	_ =	swait.ge [sflag:s31], $0x1F40  }
0xa1: {  	[sflag:s31] =	ssyncset.done $0x0  }
0xa2: {  	s5 =	simm.s32 $0x9F00;
	[sflag:s31] =	ssyncadd.s32 $0xFFFFE0C0  }
0xa3: {  	[spmem:s2] =	stream.indirect.scatter.add.f32 [tilespmem:s24], [sflag:$0x9], $0x40, s5, s16, $0xb8;
	[tilespmem:$0x1FC40] =	vst v63  }
0xa4: {  	_ =	swait.ge [sflag:s1], $0x1F40  }
0xa5: {  	[sflag:s1] =	ssyncset.done $0x0  }
0xa6: {  	s8 =	simm.s32 $0x9F80;
	[sflag:s1] =	ssyncadd.s32 $0xFFFFE0C0  }
0xa7: {  	[spmem:s2] =	stream.indirect.scatter.add.f32 [tilespmem:s26], [sflag:$0xA], $0x40, s8, s16, $0xb8;
	[tilespmem:$0x1FC40] =	vst v63  }
0xa8: {  	_ =	swait.ge [sflag:s15], $0x1F40  }
0xa9: {  	[sflag:s15] =	ssyncset.done $0x0  }
0xaa: {  	[sflag:s15] =	ssyncadd.s32 $0xFFFFE0C0  }
0xab: {  	_ =	swait.ge [sflag:s0], $0x1F40  }
0xac: {  	[sflag:s0] =	ssyncset.done $0x0  }
0xad: {  	[sflag:s0] =	ssyncadd.s32 $0xFFFFE0C0  }
0xae: {  	_ =	swait.ge [sflag:s18], $0x1F40  }
0xaf: {  	[sflag:s18] =	ssyncset.done $0x0  }
0xb0: {  	[sflag:s18] =	ssyncadd.s32 $0xFFFFE0C0  }
0xb1: {  	_ =	swait.ge [sflag:s21], $0x1F40  }
0xb2: {  	[sflag:s21] =	ssyncset.done $0x0  }
0xb3: {  	[sflag:s21] =	ssyncadd.s32 $0xFFFFE0C0  }
0xb4: {  	s5 =	stileid.u32;
	_ =	swait.ge [sflag:s23], $0x1F40  }
0xb5: {  	s25 =	sadd.s32 $0x1, s25;
	s4 =	sshll.u32 s5, $0x6;
	[sflag:s23] =	ssyncset.done $0x0  }
0xb6: {  	p0 =	sne.s32 s25, s13;
	s4 =	sor.u32 $0x1C0B, s4;
	[sflag:s23] =	ssyncadd.s32 $0xFFFFE0C0  }
.Ltmp2:
0xb7: {  	s8 =	sshrl.u32 s7, $0x3;
	[bflag:$0x0] =	sbarrier.arrive $0xFFFF;
	(pc) =	sbr.rel @p0 .LBB2_1-.Ltmp2, $4  }
0xb8: {  	[hbm:s12], [sflag:s4] =	dma.local [spmem:s8], $0x1400  }
0xb9: {  	_ =	swait.ge [sflag:s14], $0x1400  }
0xba: {  	[sflag:s14] =	ssyncset.done $0x0  }
0xbb: {  	[sflag:s14] =	ssyncadd.s32 $0xFFFFEC00  }
0xbc: {  	_ =	sfence.sel $0x180000  }
0xbd: {  	[bflag:$0x0] =	sbarrier.arrive $0xFFFF  }
0xbe: {  	_ =	strace $0x9000004A  }
0xbf: {  	s0 =	stileid.u32;
	[bflag:$0x2] =	sbarrier.arrive $0xFFFF  }
0xc0: {  	p0 =	sne.s32 s0, $0x0;
	s0 =	rddreg [dreg:$0x2]  }
0xc1: {  	s0 =	sadd.s32 @!p0 $0x100000, s0  }
0xc2: {  	[sflag:s0] =	ssyncadd.tile.s32 @!p0 $0x1;
	_ =	shalt  }
.Lfunc_end2:
_tile_overlayer_lowered:
.L_overlay_start_2:
0xc3: {  	(tag) =	ssettag $0x2  }
0xc4: {  	s0 =	rddreg [dreg:$0x0];
	s2 =	stileid.u32  }
0xc5: {  	s1 =	rddreg [dreg:$0x1];
	p0 =	sne.s32 s2, $0x0  }
0xc6: {  	s3 =	rddreg [dreg:$0x2];
	[bflag:$0x3] =	sbarrier.arrive $0xFFFF;
	s2 =	simm.s32 @!p0 $0x1C0B  }
0xc7: {  	[timem:s3], [sflag:s2] =	dma.local @!p0 [hbm:s0], s1  }
0xc8: {  	s0 =	simm.s32 @!p0 $0xB  }
0xc9: {  	_ =	swait.ge @!p0 [sflag:s0], s1  }
0xca: {  	s1 =	ssub.s32 @!p0 $0x0, s1;
	[sflag:s0] =	ssyncset.done @!p0 $0x0  }
0xcb: {  	[sflag:s0] =	ssyncadd.s32 @!p0 s1  }
0xcc: {  	[bflag:$0x3] =	sbarrier.arrive $0xFFFF  }
0xcd: {  	_ =	shalt  }

// kernel: kernel.14.cloned.1.call-start
scs
__scs_entry_jumppad:
0x0: {  	(pc) =	sbr.rel $0x88, $3  }
0x1: {  	(tag) =	ssettag $0x0;
	lr =	simm.s32 $0x1  }
0x2: {  	[smem:$0x3F97] =	sst lr;
	_ =	strace $0xD0000000  }
0x3: {  	_ = 	snop  }
0x4: {  	_ = 	snop  }
0x5: {  	_ = 	snop  }
0x6: {  	_ = 	snop  }
0x7: {  	_ = 	snop  }
__scs_overlays_trampoline_lowered:
0x8: {  	[smem:$0x3FA6] =	sst s0  }
0x9: {  	[smem:$0x3FA7] =	sst s1  }
0xa: {  	[smem:$0x3FA8] =	sst s2  }
0xb: {  	[smem:$0x3FA9] =	sst s3  }
0xc: {  	[smem:$0x3FAA] =	sst s4  }
0xd: {  	[smem:$0x3FAB] =	sst s5  }
0xe: {  	[smem:$0x3FAC] =	sst s6  }
0xf: {  	[smem:$0x3FAD] =	sst s7  }
0x10: {  	[smem:$0x3FAE] =	sst s8  }
0x11: {  	[smem:$0x3FAF] =	sst s9;
	s0 =	simm.s32 @!p0 $0x0  }
0x12: {  	s1 =	sld [smem:$0x3F95];
	s0 =	simm.s32 @p0 $0x1  }
0x13: {  	[smem:$0x3FB0] =	sst s0;
	s0 =	simm.s32 @!p1 $0x0  }
0x14: {  	s2 =	sld [smem:$0x3F94];
	s0 =	simm.s32 @p1 $0x1  }
0x15: {  	[smem:$0x3FB1] =	sst s0;
	s0 =	simm.s32 @!p2 $0x0  }
0x16: {  	s3 =	sld [smem:$0x3FDB];
	s0 =	simm.s32 @p2 $0x1  }
0x17: {  	s4 =	simm.s32 $0x1BF5;
	[smem:$0x3FB3] =	sst s0  }
0x18: {  	s0 =	sld [smem:$0x3F96];
	_ =	swait.ge [sflag:s4], $0x0  }
0x19: {  	s7 =	sld [smem:$0x3F97]  }
0x1a: {  	s8 =	sadd.s32 $0xFFFFE003, lr  }
0x1b: {  	s9 =	sadd.s32 $0xFFFFFEF7, lr;
	s5 =	simm.s32 $0xFFFFFFFF;
	p2 =	slt.u32 s8, $0xFFFFF086  }
0x1c: {  	p1 =	slt.u32 s9, $0xF7A;
	s5 =	simm.s32 @!p2 $0x0  }
0x1d: {  	s5 =	simm.s32 @p1 $0x1;
	p0 =	seq.s32 s7, s2  }
0x1e: {  	s7 =	smul.u32 @!p0 $0xF7A, s2;
	p2 =	seq.s32 @!p0 s5, $0x0  }
0x1f: {  	s9 =	smul.u32 $0xF7A, s1;
	s8 =	simm.s32 @!p0 $0x1BF5;
	p2 =	por !p2, p0  }
0x20: {  	[sflag:s8] =	ssyncset.s32 @!p0 $0xFFFFF086;
	s6 =	sadd.s32 @!p0 s3, s7;
	s7 =	simm.s32 @!p0 $0x108  }
0x21: {  	s3 =	sadd.s32 s3, s9;
	s6 =	sadd.s32 @!p0 $0x88, s6;
	s7 =	simm.s32 @p2 $0x1082  }
0x22: {  	[simem:s7], [sflag:s8] =	dma.local @!p0 [hbm:s6], $0xF7A  }
0x23: {  	s9 =	sor.u32 $0xD0000000, s2;
	s6 =	simm.s32 $0x108;
	_ =	swait.ge @!p0 [sflag:s8], $0x0  }
0x24: {  	s3 =	sadd.s32 $0x88, s3;
	s6 =	simm.s32 @!p1 $0x1082;
	[sflag:s4] =	ssyncset.s32 $0xFFFFF086  }
0x25: {  	[simem:s6], [sflag:s4] =	dma.local [hbm:s3], $0xF7A  }
0x26: {  	[smem:$0x3F97] =	sst s1;
	(tag) =	ssettag s2;
	_ =	strace s9  }
0x27: {  	s1 =	sld [smem:$0x3FA7]  }
0x28: {  	s2 =	sld [smem:$0x3FA8]  }
0x29: {  	s4 =	sld [smem:$0x3FAA]  }
0x2a: {  	p0 =	seq.s32 s5, $0x0;
	s5 =	sld [smem:$0x3FAB]  }
0x2b: {  	s6 =	sld [smem:$0x3FAC]  }
0x2c: {  	s7 =	sld [smem:$0x3FAD]  }
0x2d: {  	s3 =	simm.s32 $0x108;
	s8 =	sld [smem:$0x3FAE]  }
0x2e: {  	s3 =	simm.s32 @!p0 $0x1082;
	s9 =	sld [smem:$0x3FAF]  }
0x2f: {  	lr =	sadd.s32 s0, s3;
	s0 =	sld [smem:$0x3FA6]  }
0x30: {  	s3 =	sld [smem:$0x3FA9]  }
0x31: {  	[smem:$0x3FB2] =	sst s10  }
0x32: {  	s10 =	sld [smem:$0x3FB0];
	_ =	sdelay $0x3  }
0x33: {  	p0 =	seq.s32 s10, $0x1;
	s10 =	sld [smem:$0x3FB2];
	_ =	sdelay $0x3  }
0x34: {  	[smem:$0x3FB2] =	sst s10  }
0x35: {  	s10 =	sld [smem:$0x3FB1];
	_ =	sdelay $0x3  }
0x36: {  	p1 =	seq.s32 s10, $0x1;
	s10 =	sld [smem:$0x3FB2];
	_ =	sdelay $0x3  }
0x37: {  	[smem:$0x3FB2] =	sst s10  }
0x38: {  	s10 =	sld [smem:$0x3FB3]  }
0x39: {  	_ = 	snop;
	(pc) =	sbr.ind lr, $3  }
0x3a: {  	_ = 	snop  }
0x3b: {  	_ = 	snop  }
0x3c: {  	p2 =	seq.s32 s10, $0x1;
	s10 =	sld [smem:$0x3FB2]  }
0x3d: {  	_ =	shalt  }
0x3e: {  	_ =	shalt  }
0x3f: {  	_ =	shalt  }
0x40: {  	_ =	shalt  }
0x41: {  	_ =	shalt  }
0x42: {  	_ =	shalt  }
0x43: {  	_ =	shalt  }
0x44: {  	_ =	shalt  }
0x45: {  	_ =	shalt  }
0x46: {  	_ =	shalt  }
0x47: {  	_ =	shalt  }
0x48: {  	_ =	shalt  }
0x49: {  	_ =	shalt  }
0x4a: {  	_ =	shalt  }
0x4b: {  	_ =	shalt  }
0x4c: {  	_ =	shalt  }
0x4d: {  	_ =	shalt  }
0x4e: {  	_ =	shalt  }
0x4f: {  	_ =	shalt  }
0x50: {  	_ =	shalt  }
0x51: {  	_ =	shalt  }
0x52: {  	_ =	shalt  }
0x53: {  	_ =	shalt  }
0x54: {  	_ =	shalt  }
0x55: {  	_ =	shalt  }
0x56: {  	_ =	shalt  }
0x57: {  	_ =	shalt  }
0x58: {  	_ =	shalt  }
0x59: {  	_ =	shalt  }
0x5a: {  	_ =	shalt  }
0x5b: {  	_ =	shalt  }
0x5c: {  	_ =	shalt  }
0x5d: {  	_ =	shalt  }
0x5e: {  	_ =	shalt  }
0x5f: {  	_ =	shalt  }
0x60: {  	_ =	shalt  }
0x61: {  	_ =	shalt  }
0x62: {  	_ =	shalt  }
0x63: {  	_ =	shalt  }
0x64: {  	_ =	shalt  }
0x65: {  	_ =	shalt  }
0x66: {  	_ =	shalt  }
0x67: {  	_ =	shalt  }
0x68: {  	_ =	shalt  }
0x69: {  	_ =	shalt  }
0x6a: {  	_ =	shalt  }
0x6b: {  	_ =	shalt  }
0x6c: {  	_ =	shalt  }
0x6d: {  	_ =	shalt  }
0x6e: {  	_ =	shalt  }
0x6f: {  	_ =	shalt  }
0x70: {  	_ =	shalt  }
0x71: {  	_ =	shalt  }
0x72: {  	_ =	shalt  }
0x73: {  	_ =	shalt  }
0x74: {  	_ =	shalt  }
0x75: {  	_ =	shalt  }
0x76: {  	_ =	shalt  }
0x77: {  	_ =	shalt  }
0x78: {  	_ =	shalt  }
0x79: {  	_ =	shalt  }
0x7a: {  	_ =	shalt  }
0x7b: {  	_ =	shalt  }
0x7c: {  	_ =	shalt  }
0x7d: {  	_ =	shalt  }
0x7e: {  	_ =	shalt  }
0x7f: {  	_ =	shalt  }
0x80: {  	_ =	shalt  }
0x81: {  	_ =	shalt  }
0x82: {  	_ =	shalt  }
0x83: {  	_ =	shalt  }
0x84: {  	_ =	shalt  }
0x85: {  	_ =	shalt  }
0x86: {  	_ =	shalt  }
0x87: {  	_ =	shalt  }
.Lfunc_end0:
.L_simem_size_0:
called_computation.2_lowered:
.L_overlay_start_0:
0x88: {  	s2 =	sld [smem:$0x3FD9]  }
0x89: {  	s3 =	sld [smem:$0x3FFE];
	_ =	sdelay $0x1  }
0x8a: {  	s1 =	srdreg.scid  }
0x8b: {  	s0 =	sand.u32 $0x1, s1  }
0x8c: {  	s16 =	sshll.u32 s0, $0xA;
	s2 =	sadd.s32 s3, s2  }
0x8d: {  	s2 =	sadd.s32 s2, s16  }
0x8e: {  	[smem:$0x3FBE] =	sst s2  }
0x8f: {  	_ = 	snop  }
0x90: {  	(tm) =	ssettm $0x1  }
0x91: {  	s17 =	sld [smem:$0x3FFB];
	_ =	sdelay $0x3  }
0x92: {  	_ =	strace s17  }
0x93: {  	s2 =	sld [smem:$0x3FFC];
	_ =	sdelay $0x3  }
0x94: {  	_ =	strace s2  }
0x95: {  	s2 =	sld [smem:$0x3FFD];
	_ =	sdelay $0x3  }
0x96: {  	_ =	strace s2  }
0x97: {  	_ =	strace $0x8FFFFFFF  }
0x98: {  	s18 =	sld [smem:$0x3FDB];
	_ =	sdelay $0x1  }
0x99: {  	s19 =	simm.s32 $_scs_section_size  }
0x9a: {  	s4 =	simm.s32 $_size__tile_overlayer_lowered;
	s5 =	simm.s32 $_tile_overlayer_lowered  }
0x9b: {  	s22 =	simm.s32 $0x1BFF;
	s21 =	sshll.u32 s5, $0x1;
	s2 =	sadd.s32 s19, s18  }
0x9c: {  	s6 =	simm.s32 $0x0;
	s20 =	sshll.u32 s4, $0x1;
	s4 =	sadd.s32 s21, s2  }
0x9d: {  	[timem:s6], [sflag:s22] =	dma.local [hbm:s4], s20  }
0x9e: {  	_ =	swait.ge [sflag:s22], s20  }
0x9f: {  	s3 =	ssub.s32 $0x0, s20;
	[sflag:s22] =	ssyncset.done $0x0  }
0xa0: {  	[sflag:s22] =	ssyncadd.s32 s3;
	_ =	sdelay $0x1  }
0xa1: {  	s23 =	simm.s32 $0x1B8B  }
0xa2: {  	_ =	swait.ge [sflag:s23], $0x1  }
0xa3: {  	[sflag:s23] =	ssyncset.done $0x0  }
0xa4: {  	s25 =	simm.s32 $0x1B8E;
	s24 =	sld [smem:$0x3FFE];
	[sflag:s23] =	ssyncadd.s32 $0xFFFFFFFF  }
0xa5: {  	s26 =	simm.s32 $execute0_lowered;
	[smem:$0x3FD2] =	sst s25  }
0xa6: {  	s4 =	sshll.u32 s26, $0x1;
	_ =	strace $0x8000004C;
	[dreg:$0x1] =	wrdreg $0xFFFFFFFF  }
0xa7: {  	s28 =	simm.s32 $_size_execute0_lowered;
	s2 =	sadd.s32 s2, s4;
	[dreg:$0x0] =	wrdreg $0x0  }
0xa8: {  	s4 =	sshll.u32 s28, $0x1;
	[dreg:$0x2] =	wrdreg s2  }
0xa9: {  	[dreg:$0x3] =	wrdreg s4  }
0xaa: {  	[dreg:$0x4] =	wrdreg $0xC0  }
0xab: {  	_ =	task [dreg:s6], $0x5FFFF  }
0xac: {  	[dreg:$0x1] =	wrdreg $0xFFFFFFFF  }
0xad: {  	[dreg:$0x0] =	wrdreg $0x60  }
0xae: {  	[dreg:$0x2] =	wrdreg s24  }
0xaf: {  	[dreg:$0x3] =	wrdreg $0xFE200  }
0xb0: {  	[dreg:$0x4] =	wrdreg $0x9  }
0xb1: {  	_ =	task.clear_ibuf [dreg:s6], $0x5FFFF;
	_ =	strace $0x9000004C  }
0xb2: {  	s29 =	simm.s32 $0x9;
	_ =	strace $0x8000004E  }
0xb3: {  	_ =	swait.ge [sflag:s29], $0x1  }
0xb4: {  	[sflag:s29] =	ssyncadd.s32 $0xFFFFFFFF  }
0xb5: {  	_ =	strace $0x9000004E  }
0xb6: {  	_ =	sfence  }
0xb7: {  	s30 =	sld [smem:$0x0];
	_ =	sdelay $0x2  }
0xb8: {  	s31 =	sshll.u32 s1, $0xD;
	s1 =	sshrl.u32 s1, $0x2  }
0xb9: {  	s3 =	sand.u32 $0x4000, s31;
	s1 =	sadd.s32 s1, s30  }
0xba: {  	s0 =	sor.u32 s3, s0;
	s1 =	sshll.u32 s1, $0x11  }
0xbb: {  	s0 =	sor.u32 s1, s0  }
0xbc: {  	s0 =	sadd.s32 $0x8F2B, s0  }
0xbd: {  	[sflag:s0] =	ssyncadd.remote.s32 $0x1  }
0xbe: {  	_ =	sfence.sel $0xFFFF  }
0xbf: {  	[dreg:$0x0] =	wrdreg $0xFFFFFFFF;
	(pc) =	sbr.abs _section_cstart, $3  }
0xc0: {  	[dreg:$0x1] =	wrdreg $0xFFFFFFFF  }
0xc1: {  	_ =	task.clear_ibuf [dreg:s6], $0x2FFFF;
	_ =	strace $0x9FFFFFFF  }
0xc2: {  	(tm) =	ssettm $0x7FFFFFFF  }
0xc3: {  	_ =	shalt  }
tec
execute0_lowered:
.L_overlay_start_1:
0x0: {  	(tag) =	ssettag $0x1  }
0x1: {  	s0 =	rddreg [dreg:$0x0];
	s1 =	srdreg.scid  }
0x2: {  	s2 =	rddreg [dreg:$0x1];
	s8 =	stileid.u32  }
0x3: {  	s3 =	simm.s32 $0x0;
	s14 =	simm.s32 $0xB;
	s16 =	simm.s32 $0x7D  }
0x4: {  	s17 =	simm.s32 $0xA000;
	s19 =	simm.s32 $0xAFA0;
	s20 =	simm.s32 $0xEE20  }
0x5: {  	s28 =	simm.s32 $0x1;
	s29 =	simm.s32 $0x2;
	s30 =	simm.s32 $0x3  }
0x6: {  	s31 =	simm.s32 $0x4;
	s15 =	simm.s32 $0x7;
	s5 =	smul.u32 $0x5000, s8  }
0x7: {  	s18 =	simm.s32 $0x8;
	s1 =	sand.u32 $0x1, s1;
	s8 =	smul.u32 $0x14000, s8  }
0x8: {  	s21 =	simm.s32 $0x9;
	[smem:$0x7FF] =	sst s3;
	s4 =	smul.u32 $0x9C40, s1  }
0x9: {  	s6 =	smul.u32 $0x50000, s1;
	_ =	strace $0x8000004D;
	s1 =	ssub.s32 $0x2, s1  }
0xa: {  	s7 =	sshrl.u32 s5, $0x3;
	s22 =	sshrl.u32 s1, $0x1;
	s8 =	sshrl.u32 s8, $0x2  }
0xb: {  	s4 =	sadd.s32 s4, s0;
	s6 =	sadd.s32 s5, s6;
	s7 =	sadd.s32 s7, s0  }
0xc: {  	s1 =	ssub.s32 s1, s22;
	s25 =	sadd.s32 s8, s2;
	s22 =	simm.s32 $0xBF40  }
0xd: {  	s6 =	sshrl.u32 s6, $0x3;
	s23 =	sadd.s32 $0x16E00, s7;
	s24 =	sadd.s32 $0x20E00, s7  }
0xe: {  	s7 =	sadd.s32 s5, s2;
	s26 =	sadd.s32 $0x1000, s25;
	s9 =	sadd.s32 $0x2000, s25  }
0xf: {  	s10 =	sadd.s32 $0x3000, s25;
	s11 =	sadd.s32 $0x4000, s25;
	s13 =	smax.u32 s1, $0x1  }
0x10: {  	s1 =	simm.s32 $0x6;
	s25 =	simm.s32 $0x0;
	[dreg:$0x3] =	wrdreg s23  }
0x11: {  	s0 =	sadd.s32 s6, s0;
	[dreg:$0x4] =	wrdreg s24;
	s6 =	sadd.s32 $0x2E00, s4  }
0x12: {  	[dreg:$0x5] =	wrdreg s26;
	s24 =	simm.s32 $0xCEE0;
	s26 =	simm.s32 $0xDE80  }
0x13: {  	v0 =	vimm.f32 $0.0e+00;
	s23 =	simm.s32 $0xA;
	s12 =	sadd.s32 $0xC7400, s0;
	s0 =	simm.s32 $0x5  }
.LBB2_1:
0x14: {  	s4 =	rddreg [dreg:$0x3]  }
0x15: {  	[tilespmem:s3], [sflag:$0xB] =	stream.linear.gather [hbm4b:s4+s3], $0x5000, $0x38;
	[tilespmem:$0x14E20] =	vst v63  }
0x16: {  	_ =	swait.ge [sflag:s14], $0x5000  }
0x17: {  	[sflag:s14] =	ssyncset.done $0x0  }
0x18: {  	s5 =	simm.s32 $0x5000;
	s8 =	rddreg [dreg:$0x4];
	[sflag:s14] =	ssyncadd.s32 $0xFFFFB000  }
0x19: {  	[tilespmem:s5], [sflag:$0xB] =	stream.linear.gather [hbm4b:s8+s3], $0x5000, $0x38;
	[tilespmem:$0x14E20] =	vst v63  }
0x1a: {  	_ =	swait.ge [sflag:s14], $0x5000  }
0x1b: {  	[sflag:s14] =	ssyncset.done $0x0  }
0x1c: {  	[sflag:s14] =	ssyncadd.s32 $0xFFFFB000  }
0x1d: {  	[tilespmem:s17], [sflag:$0x1] =	stream.indirect.gather [hbm4b:s6+s16], $0x20, s3, s16, $0xb8;
	[tilespmem:$0x14E20] =	vst v63  }
0x1e: {  	s4 =	simm.s32 $0x80;
	s8 =	simm.s32 $0x80;
	s5 =	simm.s32 $0x0  }
0x1f: {  	[tilespmem:s19], [sflag:$0x2] =	stream.indirect.gather [hbm4b:s6+s16], $0x20, s8, s16, $0xb8;
	[tilespmem:$0x14E20] =	vst v63  }
.LBB2_2:
0x20: {  	p0 =	sne.s32 s4, $0x3F80;
	[tilespmem:s5+$0xEE20] =	vst v0;
	s8 =	smov.u32 s4;
	s4 =	sadd.s32 $0x80, s4  }
.Ltmp0:
0x21: {  	[tilespmem:s5+$0xEE30] =	vst v0;
	(pc) =	sbr.rel @p0 .LBB2_2-.Ltmp0, $2  }
0x22: {  	_ =	sdelay $0x2  }
0x23: {  	s5 =	sshra.s32 s8, $0x2  }
0x24: {  	[tilespmem:s5+$0xEE20] =	vst v0  }
0x25: {  	[tilespmem:s5+$0xEE30] =	vst v0  }
0x26: {  	[spmem:s7] =	stream.linear.scatter [tilespmem:s20], [sflag:$0xB], $0x1000, $0x38;
	[tilespmem:$0x14E20] =	vst v63  }
0x27: {  	_ =	swait.ge [sflag:s14], $0x1000  }
0x28: {  	[sflag:s14] =	ssyncset.done $0x0  }
0x29: {  	s4 =	rddreg [dreg:$0x5];
	[sflag:s14] =	ssyncadd.s32 $0xFFFFF000  }
0x2a: {  	[spmem:s4] =	stream.linear.scatter [tilespmem:s20], [sflag:$0xB], $0x1000, $0x38;
	[tilespmem:$0x14E20] =	vst v63  }
0x2b: {  	_ =	swait.ge [sflag:s14], $0x1000  }
0x2c: {  	[sflag:s14] =	ssyncset.done $0x0  }
0x2d: {  	[sflag:s14] =	ssyncadd.s32 $0xFFFFF000  }
0x2e: {  	[spmem:s9] =	stream.linear.scatter [tilespmem:s20], [sflag:$0xB], $0x1000, $0x38;
	[tilespmem:$0x14E20] =	vst v63  }
0x2f: {  	_ =	swait.ge [sflag:s14], $0x1000  }
0x30: {  	[sflag:s14] =	ssyncset.done $0x0  }
0x31: {  	[sflag:s14] =	ssyncadd.s32 $0xFFFFF000  }
0x32: {  	[spmem:s10] =	stream.linear.scatter [tilespmem:s20], [sflag:$0xB], $0x1000, $0x38;
	[tilespmem:$0x14E20] =	vst v63  }
0x33: {  	_ =	swait.ge [sflag:s14], $0x1000  }
0x34: {  	[sflag:s14] =	ssyncset.done $0x0  }
0x35: {  	[sflag:s14] =	ssyncadd.s32 $0xFFFFF000  }
0x36: {  	[spmem:s11] =	stream.linear.scatter [tilespmem:s20], [sflag:$0xB], $0x1000, $0x38;
	[tilespmem:$0x14E20] =	vst v63  }
0x37: {  	_ =	swait.ge [sflag:s14], $0x1000  }
0x38: {  	[sflag:s14] =	ssyncset.done $0x0  }
0x39: {  	[sflag:s14] =	ssyncadd.s32 $0xFFFFF000  }
0x3a: {  	s5 =	simm.s32 $0x100;
	[bflag:$0x0] =	sbarrier.arrive $0xFFFF  }
0x3b: {  	[tilespmem:s22], [sflag:$0x3] =	stream.indirect.gather [hbm4b:s6+s16], $0x20, s5, s16, $0xb8;
	[tilespmem:$0x14E20] =	vst v63  }
0x3c: {  	s8 =	simm.s32 $0x180  }
0x3d: {  	[tilespmem:s24], [sflag:$0x4] =	stream.indirect.gather [hbm4b:s6+s16], $0x20, s8, s16, $0xb8;
	[tilespmem:$0x14E20] =	vst v63  }
0x3e: {  	s5 =	simm.s32 $0x200  }
0x3f: {  	[tilespmem:s26], [sflag:$0x5] =	stream.indirect.gather [hbm4b:s6+s16], $0x20, s5, s16, $0xb8;
	[tilespmem:$0x14E20] =	vst v63  }
0x40: {  	_ =	swait.ge [sflag:s28], $0xFA0  }
0x41: {  	[sflag:s28] =	ssyncset.done $0x0  }
0x42: {  	s8 =	simm.s32 $0x5000;
	[sflag:s28] =	ssyncadd.s32 $0xFFFFF060  }
0x43: {  	[spmem:s2] =	stream.indirect.scatter.add.f32 [tilespmem:s17], [sflag:$0x6], $0x20, s8, s16, $0xb8;
	[tilespmem:$0x14E20] =	vst v63  }
0x44: {  	_ =	swait.ge [sflag:s29], $0xFA0  }
0x45: {  	[sflag:s29] =	ssyncset.done $0x0  }
0x46: {  	s5 =	simm.s32 $0x5080;
	[sflag:s29] =	ssyncadd.s32 $0xFFFFF060  }
0x47: {  	[spmem:s2] =	stream.indirect.scatter.add.f32 [tilespmem:s19], [sflag:$0x7], $0x20, s5, s16, $0xb8;
	[tilespmem:$0x14E20] =	vst v63  }
0x48: {  	_ =	swait.ge [sflag:s30], $0xFA0  }
0x49: {  	[sflag:s30] =	ssyncset.done $0x0  }
0x4a: {  	s8 =	simm.s32 $0x5100;
	[sflag:s30] =	ssyncadd.s32 $0xFFFFF060  }
0x4b: {  	[spmem:s2] =	stream.indirect.scatter.add.f32 [tilespmem:s22], [sflag:$0x8], $0x20, s8, s16, $0xb8;
	[tilespmem:$0x14E20] =	vst v63  }
0x4c: {  	_ =	swait.ge [sflag:s31], $0xFA0  }
0x4d: {  	[sflag:s31] =	ssyncset.done $0x0  }
0x4e: {  	s5 =	simm.s32 $0x5180;
	[sflag:s31] =	ssyncadd.s32 $0xFFFFF060  }
0x4f: {  	[spmem:s2] =	stream.indirect.scatter.add.f32 [tilespmem:s24], [sflag:$0x9], $0x20, s5, s16, $0xb8;
	[tilespmem:$0x14E20] =	vst v63  }
0x50: {  	_ =	swait.ge [sflag:s0], $0xFA0  }
0x51: {  	[sflag:s0] =	ssyncset.done $0x0  }
0x52: {  	s8 =	simm.s32 $0x5200;
	[sflag:s0] =	ssyncadd.s32 $0xFFFFF060  }
0x53: {  	[spmem:s2] =	stream.indirect.scatter.add.f32 [tilespmem:s26], [sflag:$0xA], $0x20, s8, s16, $0xb8;
	[tilespmem:$0x14E20] =	vst v63  }
0x54: {  	_ =	swait.ge [sflag:s1], $0xFA0  }
0x55: {  	[sflag:s1] =	ssyncset.done $0x0  }
0x56: {  	s5 =	simm.s32 $0x280;
	[sflag:s1] =	ssyncadd.s32 $0xFFFFF060  }
0x57: {  	[tilespmem:s17], [sflag:$0x1] =	stream.indirect.gather [hbm4b:s6+s16], $0x20, s5, s16, $0xb8;
	[tilespmem:$0x14E20] =	vst v63  }
0x58: {  	_ =	swait.ge [sflag:s15], $0xFA0  }
0x59: {  	[sflag:s15] =	ssyncset.done $0x0  }
0x5a: {  	s8 =	simm.s32 $0x300;
	[sflag:s15] =	ssyncadd.s32 $0xFFFFF060  }
0x5b: {  	[tilespmem:s19], [sflag:$0x2] =	stream.indirect.gather [hbm4b:s6+s16], $0x20, s8, s16, $0xb8;
	[tilespmem:$0x14E20] =	vst v63  }
0x5c: {  	_ =	swait.ge [sflag:s18], $0xFA0  }
0x5d: {  	[sflag:s18] =	ssyncset.done $0x0  }
0x5e: {  	s5 =	simm.s32 $0x380;
	[sflag:s18] =	ssyncadd.s32 $0xFFFFF060  }
0x5f: {  	[tilespmem:s22], [sflag:$0x3] =	stream.indirect.gather [hbm4b:s6+s16], $0x20, s5, s16, $0xb8;
	[tilespmem:$0x14E20] =	vst v63  }
0x60: {  	_ =	swait.ge [sflag:s21], $0xFA0  }
0x61: {  	[sflag:s21] =	ssyncset.done $0x0  }
0x62: {  	s8 =	simm.s32 $0x400;
	[sflag:s21] =	ssyncadd.s32 $0xFFFFF060  }
0x63: {  	[tilespmem:s24], [sflag:$0x4] =	stream.indirect.gather [hbm4b:s6+s16], $0x20, s8, s16, $0xb8;
	[tilespmem:$0x14E20] =	vst v63  }
0x64: {  	_ =	swait.ge [sflag:s23], $0xFA0  }
0x65: {  	[sflag:s23] =	ssyncset.done $0x0  }
0x66: {  	s4 =	simm.s32 $0xA00;
	s5 =	simm.s32 $0x480;
	[sflag:s23] =	ssyncadd.s32 $0xFFFFF060  }
.LBB2_4:
0x67: {  	[tilespmem:s26], [sflag:$0x5] =	stream.indirect.gather [hbm4b:s6+s16], $0x20, s5, s16, $0xb8;
	[tilespmem:$0x14E20] =	vst v63  }
0x68: {  	s5 =	smov.u32 s4  }
0x69: {  	p0 =	sne.s32 s4, $0x12C00;
	s4 =	sadd.s32 $0xA00, s4;
	_ =	swait.ge [sflag:s28], $0xFA0  }
0x6a: {  	s5 =	sshra.s32 s5, $0x2;
	[sflag:s28] =	ssyncset.done $0x0  }
0x6b: {  	s8 =	sadd.s32 $0x5000, s5;
	[sflag:s28] =	ssyncadd.s32 $0xFFFFF060  }
0x6c: {  	[spmem:s2] =	stream.indirect.scatter.add.f32 [tilespmem:s17], [sflag:$0x6], $0x20, s8, s16, $0xb8;
	[tilespmem:$0x14E20] =	vst v63  }
0x6d: {  	_ =	swait.ge [sflag:s29], $0xFA0  }
0x6e: {  	[sflag:s29] =	ssyncset.done $0x0  }
0x6f: {  	s8 =	sadd.s32 $0x5080, s5;
	[sflag:s29] =	ssyncadd.s32 $0xFFFFF060  }
0x70: {  	[spmem:s2] =	stream.indirect.scatter.add.f32 [tilespmem:s19], [sflag:$0x7], $0x20, s8, s16, $0xb8;
	[tilespmem:$0x14E20] =	vst v63  }
0x71: {  	_ =	swait.ge [sflag:s30], $0xFA0  }
0x72: {  	[sflag:s30] =	ssyncset.done $0x0  }
0x73: {  	s8 =	sadd.s32 $0x5100, s5;
	[sflag:s30] =	ssyncadd.s32 $0xFFFFF060  }
0x74: {  	[spmem:s2] =	stream.indirect.scatter.add.f32 [tilespmem:s22], [sflag:$0x8], $0x20, s8, s16, $0xb8;
	[tilespmem:$0x14E20] =	vst v63  }
0x75: {  	_ =	swait.ge [sflag:s31], $0xFA0  }
0x76: {  	[sflag:s31] =	ssyncset.done $0x0  }
0x77: {  	s8 =	sadd.s32 $0x5180, s5;
	[sflag:s31] =	ssyncadd.s32 $0xFFFFF060  }
0x78: {  	[spmem:s2] =	stream.indirect.scatter.add.f32 [tilespmem:s24], [sflag:$0x9], $0x20, s8, s16, $0xb8;
	[tilespmem:$0x14E20] =	vst v63  }
0x79: {  	_ =	swait.ge [sflag:s0], $0xFA0  }
0x7a: {  	[sflag:s0] =	ssyncset.done $0x0  }
0x7b: {  	s8 =	sadd.s32 $0x5200, s5;
	[sflag:s0] =	ssyncadd.s32 $0xFFFFF060  }
0x7c: {  	[spmem:s2] =	stream.indirect.scatter.add.f32 [tilespmem:s26], [sflag:$0xA], $0x20, s8, s16, $0xb8;
	[tilespmem:$0x14E20] =	vst v63  }
0x7d: {  	_ =	swait.ge [sflag:s1], $0xFA0  }
0x7e: {  	[sflag:s1] =	ssyncset.done $0x0  }
0x7f: {  	s8 =	sadd.s32 $0x280, s5;
	[sflag:s1] =	ssyncadd.s32 $0xFFFFF060  }
0x80: {  	[tilespmem:s17], [sflag:$0x1] =	stream.indirect.gather [hbm4b:s6+s16], $0x20, s8, s16, $0xb8;
	[tilespmem:$0x14E20] =	vst v63  }
0x81: {  	_ =	swait.ge [sflag:s15], $0xFA0  }
0x82: {  	[sflag:s15] =	ssyncset.done $0x0  }
0x83: {  	s8 =	sadd.s32 $0x300, s5;
	[sflag:s15] =	ssyncadd.s32 $0xFFFFF060  }
0x84: {  	[tilespmem:s19], [sflag:$0x2] =	stream.indirect.gather [hbm4b:s6+s16], $0x20, s8, s16, $0xb8;
	[tilespmem:$0x14E20] =	vst v63  }
0x85: {  	_ =	swait.ge [sflag:s18], $0xFA0  }
0x86: {  	[sflag:s18] =	ssyncset.done $0x0  }
0x87: {  	s8 =	sadd.s32 $0x380, s5;
	[sflag:s18] =	ssyncadd.s32 $0xFFFFF060  }
0x88: {  	[tilespmem:s22], [sflag:$0x3] =	stream.indirect.gather [hbm4b:s6+s16], $0x20, s8, s16, $0xb8;
	[tilespmem:$0x14E20] =	vst v63  }
0x89: {  	_ =	swait.ge [sflag:s21], $0xFA0  }
0x8a: {  	[sflag:s21] =	ssyncset.done $0x0  }
.Ltmp1:
0x8b: {  	s8 =	sadd.s32 $0x400, s5;
	[sflag:s21] =	ssyncadd.s32 $0xFFFFF060;
	(pc) =	sbr.rel @p0 .LBB2_4-.Ltmp1, $4  }
0x8c: {  	[tilespmem:s24], [sflag:$0x4] =	stream.indirect.gather [hbm4b:s6+s16], $0x20, s8, s16, $0xb8;
	[tilespmem:$0x14E20] =	vst v63  }
0x8d: {  	_ =	swait.ge [sflag:s23], $0xFA0  }
0x8e: {  	[sflag:s23] =	ssyncset.done $0x0  }
0x8f: {  	s5 =	sadd.s32 $0x480, s5;
	[sflag:s23] =	ssyncadd.s32 $0xFFFFF060  }
0x90: {  	[tilespmem:s26], [sflag:$0x5] =	stream.indirect.gather [hbm4b:s6+s16], $0x20, s5, s16, $0xb8;
	[tilespmem:$0x14E20] =	vst v63  }
0x91: {  	_ =	swait.ge [sflag:s28], $0xFA0  }
0x92: {  	[sflag:s28] =	ssyncset.done $0x0  }
0x93: {  	s4 =	simm.s32 $0x9D80;
	[sflag:s28] =	ssyncadd.s32 $0xFFFFF060  }
0x94: {  	[spmem:s2] =	stream.indirect.scatter.add.f32 [tilespmem:s17], [sflag:$0x6], $0x20, s4, s16, $0xb8;
	[tilespmem:$0x14E20] =	vst v63  }
0x95: {  	_ =	swait.ge [sflag:s29], $0xFA0  }
0x96: {  	[sflag:s29] =	ssyncset.done $0x0  }
0x97: {  	s5 =	simm.s32 $0x9E00;
	[sflag:s29] =	ssyncadd.s32 $0xFFFFF060  }
0x98: {  	[spmem:s2] =	stream.indirect.scatter.add.f32 [tilespmem:s19], [sflag:$0x7], $0x20, s5, s16, $0xb8;
	[tilespmem:$0x14E20] =	vst v63  }
0x99: {  	_ =	swait.ge [sflag:s30], $0xFA0  }
0x9a: {  	[sflag:s30] =	ssyncset.done $0x0  }
0x9b: {  	s8 =	simm.s32 $0x9E80;
	[sflag:s30] =	ssyncadd.s32 $0xFFFFF060  }
0x9c: {  	[spmem:s2] =	stream.indirect.scatter.add.f32 [tilespmem:s22], [sflag:$0x8], $0x20, s8, s16, $0xb8;
	[tilespmem:$0x14E20] =	vst v63  }
0x9d: {  	_ =	swait.ge [sflag:s31], $0xFA0  }
0x9e: {  	[sflag:s31] =	ssyncset.done $0x0  }
0x9f: {  	s5 =	simm.s32 $0x9F00;
	[sflag:s31] =	ssyncadd.s32 $0xFFFFF060  }
0xa0: {  	[spmem:s2] =	stream.indirect.scatter.add.f32 [tilespmem:s24], [sflag:$0x9], $0x20, s5, s16, $0xb8;
	[tilespmem:$0x14E20] =	vst v63  }
0xa1: {  	_ =	swait.ge [sflag:s0], $0xFA0  }
0xa2: {  	[sflag:s0] =	ssyncset.done $0x0  }
0xa3: {  	s8 =	simm.s32 $0x9F80;
	[sflag:s0] =	ssyncadd.s32 $0xFFFFF060  }
0xa4: {  	[spmem:s2] =	stream.indirect.scatter.add.f32 [tilespmem:s26], [sflag:$0xA], $0x20, s8, s16, $0xb8;
	[tilespmem:$0x14E20] =	vst v63  }
0xa5: {  	_ =	swait.ge [sflag:s1], $0xFA0  }
0xa6: {  	[sflag:s1] =	ssyncset.done $0x0  }
0xa7: {  	[sflag:s1] =	ssyncadd.s32 $0xFFFFF060  }
0xa8: {  	_ =	swait.ge [sflag:s15], $0xFA0  }
0xa9: {  	[sflag:s15] =	ssyncset.done $0x0  }
0xaa: {  	[sflag:s15] =	ssyncadd.s32 $0xFFFFF060  }
0xab: {  	_ =	swait.ge [sflag:s18], $0xFA0  }
0xac: {  	[sflag:s18] =	ssyncset.done $0x0  }
0xad: {  	[sflag:s18] =	ssyncadd.s32 $0xFFFFF060  }
0xae: {  	_ =	swait.ge [sflag:s21], $0xFA0  }
0xaf: {  	[sflag:s21] =	ssyncset.done $0x0  }
0xb0: {  	[sflag:s21] =	ssyncadd.s32 $0xFFFFF060  }
0xb1: {  	s5 =	stileid.u32;
	_ =	swait.ge [sflag:s23], $0xFA0  }
0xb2: {  	s25 =	sadd.s32 $0x1, s25;
	s4 =	sshll.u32 s5, $0x6;
	[sflag:s23] =	ssyncset.done $0x0  }
0xb3: {  	p0 =	sne.s32 s25, s13;
	s4 =	sor.u32 $0x1C0B, s4;
	[sflag:s23] =	ssyncadd.s32 $0xFFFFF060  }
.Ltmp2:
0xb4: {  	s8 =	sshrl.u32 s7, $0x3;
	[bflag:$0x0] =	sbarrier.arrive $0xFFFF;
	(pc) =	sbr.rel @p0 .LBB2_1-.Ltmp2, $4  }
0xb5: {  	[hbm:s12], [sflag:s4] =	dma.local [spmem:s8], $0xA00  }
0xb6: {  	_ =	swait.ge [sflag:s14], $0xA00  }
0xb7: {  	[sflag:s14] =	ssyncset.done $0x0  }
0xb8: {  	[sflag:s14] =	ssyncadd.s32 $0xFFFFF600  }
0xb9: {  	_ =	sfence.sel $0x180000  }
0xba: {  	[bflag:$0x0] =	sbarrier.arrive $0xFFFF  }
0xbb: {  	_ =	strace $0x9000004D  }
0xbc: {  	s0 =	stileid.u32;
	[bflag:$0x2] =	sbarrier.arrive $0xFFFF  }
0xbd: {  	p0 =	sne.s32 s0, $0x0;
	s0 =	rddreg [dreg:$0x2]  }
0xbe: {  	s0 =	sadd.s32 @!p0 $0x100000, s0  }
0xbf: {  	[sflag:s0] =	ssyncadd.tile.s32 @!p0 $0x1;
	_ =	shalt  }
.Lfunc_end2:
_tile_overlayer_lowered:
.L_overlay_start_2:
0xc0: {  	(tag) =	ssettag $0x2  }
0xc1: {  	s0 =	rddreg [dreg:$0x0];
	s2 =	stileid.u32  }
0xc2: {  	s1 =	rddreg [dreg:$0x1];
	p0 =	sne.s32 s2, $0x0  }
0xc3: {  	s3 =	rddreg [dreg:$0x2];
	[bflag:$0x3] =	sbarrier.arrive $0xFFFF;
	s2 =	simm.s32 @!p0 $0x1C0B  }
0xc4: {  	[timem:s3], [sflag:s2] =	dma.local @!p0 [hbm:s0], s1  }
0xc5: {  	s0 =	simm.s32 @!p0 $0xB  }
0xc6: {  	_ =	swait.ge @!p0 [sflag:s0], s1  }
0xc7: {  	s1 =	ssub.s32 @!p0 $0x0, s1;
	[sflag:s0] =	ssyncset.done @!p0 $0x0  }
0xc8: {  	[sflag:s0] =	ssyncadd.s32 @!p0 s1  }
0xc9: {  	[bflag:$0x3] =	sbarrier.arrive $0xFFFF  }
0xca: {  	_ =	shalt  }

// kernel: kernel.8.cloned.1.call-start
scs
__scs_entry_jumppad:
0x0: {  	(pc) =	sbr.rel $0x88, $3  }
0x1: {  	(tag) =	ssettag $0x0;
	lr =	simm.s32 $0x1  }
0x2: {  	[smem:$0x3F97] =	sst lr;
	_ =	strace $0xD0000000  }
0x3: {  	_ = 	snop  }
0x4: {  	_ = 	snop  }
0x5: {  	_ = 	snop  }
0x6: {  	_ = 	snop  }
0x7: {  	_ = 	snop  }
__scs_overlays_trampoline_lowered:
0x8: {  	[smem:$0x3FA6] =	sst s0  }
0x9: {  	[smem:$0x3FA7] =	sst s1  }
0xa: {  	[smem:$0x3FA8] =	sst s2  }
0xb: {  	[smem:$0x3FA9] =	sst s3  }
0xc: {  	[smem:$0x3FAA] =	sst s4  }
0xd: {  	[smem:$0x3FAB] =	sst s5  }
0xe: {  	[smem:$0x3FAC] =	sst s6  }
0xf: {  	[smem:$0x3FAD] =	sst s7  }
0x10: {  	[smem:$0x3FAE] =	sst s8  }
0x11: {  	[smem:$0x3FAF] =	sst s9;
	s0 =	simm.s32 @!p0 $0x0  }
0x12: {  	s1 =	sld [smem:$0x3F95];
	s0 =	simm.s32 @p0 $0x1  }
0x13: {  	[smem:$0x3FB0] =	sst s0;
	s0 =	simm.s32 @!p1 $0x0  }
0x14: {  	s2 =	sld [smem:$0x3F94];
	s0 =	simm.s32 @p1 $0x1  }
0x15: {  	[smem:$0x3FB1] =	sst s0;
	s0 =	simm.s32 @!p2 $0x0  }
0x16: {  	s3 =	sld [smem:$0x3FDB];
	s0 =	simm.s32 @p2 $0x1  }
0x17: {  	s4 =	simm.s32 $0x1BF5;
	[smem:$0x3FB3] =	sst s0  }
0x18: {  	s0 =	sld [smem:$0x3F96];
	_ =	swait.ge [sflag:s4], $0x0  }
0x19: {  	s7 =	sld [smem:$0x3F97]  }
0x1a: {  	s8 =	sadd.s32 $0xFFFFE003, lr  }
0x1b: {  	s9 =	sadd.s32 $0xFFFFFEF7, lr;
	s5 =	simm.s32 $0xFFFFFFFF;
	p2 =	slt.u32 s8, $0xFFFFF086  }
0x1c: {  	p1 =	slt.u32 s9, $0xF7A;
	s5 =	simm.s32 @!p2 $0x0  }
0x1d: {  	s5 =	simm.s32 @p1 $0x1;
	p0 =	seq.s32 s7, s2  }
0x1e: {  	s7 =	smul.u32 @!p0 $0xF7A, s2;
	p2 =	seq.s32 @!p0 s5, $0x0  }
0x1f: {  	s9 =	smul.u32 $0xF7A, s1;
	s8 =	simm.s32 @!p0 $0x1BF5;
	p2 =	por !p2, p0  }
0x20: {  	[sflag:s8] =	ssyncset.s32 @!p0 $0xFFFFF086;
	s6 =	sadd.s32 @!p0 s3, s7;
	s7 =	simm.s32 @!p0 $0x108  }
0x21: {  	s3 =	sadd.s32 s3, s9;
	s6 =	sadd.s32 @!p0 $0x88, s6;
	s7 =	simm.s32 @p2 $0x1082  }
0x22: {  	[simem:s7], [sflag:s8] =	dma.local @!p0 [hbm:s6], $0xF7A  }
0x23: {  	s9 =	sor.u32 $0xD0000000, s2;
	s6 =	simm.s32 $0x108;
	_ =	swait.ge @!p0 [sflag:s8], $0x0  }
0x24: {  	s3 =	sadd.s32 $0x88, s3;
	s6 =	simm.s32 @!p1 $0x1082;
	[sflag:s4] =	ssyncset.s32 $0xFFFFF086  }
0x25: {  	[simem:s6], [sflag:s4] =	dma.local [hbm:s3], $0xF7A  }
0x26: {  	[smem:$0x3F97] =	sst s1;
	(tag) =	ssettag s2;
	_ =	strace s9  }
0x27: {  	s1 =	sld [smem:$0x3FA7]  }
0x28: {  	s2 =	sld [smem:$0x3FA8]  }
0x29: {  	s4 =	sld [smem:$0x3FAA]  }
0x2a: {  	p0 =	seq.s32 s5, $0x0;
	s5 =	sld [smem:$0x3FAB]  }
0x2b: {  	s6 =	sld [smem:$0x3FAC]  }
0x2c: {  	s7 =	sld [smem:$0x3FAD]  }
0x2d: {  	s3 =	simm.s32 $0x108;
	s8 =	sld [smem:$0x3FAE]  }
0x2e: {  	s3 =	simm.s32 @!p0 $0x1082;
	s9 =	sld [smem:$0x3FAF]  }
0x2f: {  	lr =	sadd.s32 s0, s3;
	s0 =	sld [smem:$0x3FA6]  }
0x30: {  	s3 =	sld [smem:$0x3FA9]  }
0x31: {  	[smem:$0x3FB2] =	sst s10  }
0x32: {  	s10 =	sld [smem:$0x3FB0];
	_ =	sdelay $0x3  }
0x33: {  	p0 =	seq.s32 s10, $0x1;
	s10 =	sld [smem:$0x3FB2];
	_ =	sdelay $0x3  }
0x34: {  	[smem:$0x3FB2] =	sst s10  }
0x35: {  	s10 =	sld [smem:$0x3FB1];
	_ =	sdelay $0x3  }
0x36: {  	p1 =	seq.s32 s10, $0x1;
	s10 =	sld [smem:$0x3FB2];
	_ =	sdelay $0x3  }
0x37: {  	[smem:$0x3FB2] =	sst s10  }
0x38: {  	s10 =	sld [smem:$0x3FB3]  }
0x39: {  	_ = 	snop;
	(pc) =	sbr.ind lr, $3  }
0x3a: {  	_ = 	snop  }
0x3b: {  	_ = 	snop  }
0x3c: {  	p2 =	seq.s32 s10, $0x1;
	s10 =	sld [smem:$0x3FB2]  }
0x3d: {  	_ =	shalt  }
0x3e: {  	_ =	shalt  }
0x3f: {  	_ =	shalt  }
0x40: {  	_ =	shalt  }
0x41: {  	_ =	shalt  }
0x42: {  	_ =	shalt  }
0x43: {  	_ =	shalt  }
0x44: {  	_ =	shalt  }
0x45: {  	_ =	shalt  }
0x46: {  	_ =	shalt  }
0x47: {  	_ =	shalt  }
0x48: {  	_ =	shalt  }
0x49: {  	_ =	shalt  }
0x4a: {  	_ =	shalt  }
0x4b: {  	_ =	shalt  }
0x4c: {  	_ =	shalt  }
0x4d: {  	_ =	shalt  }
0x4e: {  	_ =	shalt  }
0x4f: {  	_ =	shalt  }
0x50: {  	_ =	shalt  }
0x51: {  	_ =	shalt  }
0x52: {  	_ =	shalt  }
0x53: {  	_ =	shalt  }
0x54: {  	_ =	shalt  }
0x55: {  	_ =	shalt  }
0x56: {  	_ =	shalt  }
0x57: {  	_ =	shalt  }
0x58: {  	_ =	shalt  }
0x59: {  	_ =	shalt  }
0x5a: {  	_ =	shalt  }
0x5b: {  	_ =	shalt  }
0x5c: {  	_ =	shalt  }
0x5d: {  	_ =	shalt  }
0x5e: {  	_ =	shalt  }
0x5f: {  	_ =	shalt  }
0x60: {  	_ =	shalt  }
0x61: {  	_ =	shalt  }
0x62: {  	_ =	shalt  }
0x63: {  	_ =	shalt  }
0x64: {  	_ =	shalt  }
0x65: {  	_ =	shalt  }
0x66: {  	_ =	shalt  }
0x67: {  	_ =	shalt  }
0x68: {  	_ =	shalt  }
0x69: {  	_ =	shalt  }
0x6a: {  	_ =	shalt  }
0x6b: {  	_ =	shalt  }
0x6c: {  	_ =	shalt  }
0x6d: {  	_ =	shalt  }
0x6e: {  	_ =	shalt  }
0x6f: {  	_ =	shalt  }
0x70: {  	_ =	shalt  }
0x71: {  	_ =	shalt  }
0x72: {  	_ =	shalt  }
0x73: {  	_ =	shalt  }
0x74: {  	_ =	shalt  }
0x75: {  	_ =	shalt  }
0x76: {  	_ =	shalt  }
0x77: {  	_ =	shalt  }
0x78: {  	_ =	shalt  }
0x79: {  	_ =	shalt  }
0x7a: {  	_ =	shalt  }
0x7b: {  	_ =	shalt  }
0x7c: {  	_ =	shalt  }
0x7d: {  	_ =	shalt  }
0x7e: {  	_ =	shalt  }
0x7f: {  	_ =	shalt  }
0x80: {  	_ =	shalt  }
0x81: {  	_ =	shalt  }
0x82: {  	_ =	shalt  }
0x83: {  	_ =	shalt  }
0x84: {  	_ =	shalt  }
0x85: {  	_ =	shalt  }
0x86: {  	_ =	shalt  }
0x87: {  	_ =	shalt  }
.Lfunc_end0:
.L_simem_size_0:
called_computation_lowered:
.L_overlay_start_0:
0x88: {  	s2 =	sld [smem:$0x3FD9]  }
0x89: {  	s3 =	sld [smem:$0x3FFE];
	_ =	sdelay $0x1  }
0x8a: {  	s1 =	srdreg.scid  }
0x8b: {  	s0 =	sand.u32 $0x1, s1  }
0x8c: {  	s14 =	sshll.u32 s0, $0xA;
	s2 =	sadd.s32 s3, s2  }
0x8d: {  	s2 =	sadd.s32 s2, s14  }
0x8e: {  	[smem:$0x3FBE] =	sst s2  }
0x8f: {  	_ = 	snop  }
0x90: {  	s2 =	sld [smem:$0x3FD0];
	_ =	sdelay $0x2  }
0x91: {  	s15 =	simm.s32 $0xA;
	s4 =	simm.s32 $0x10  }
0x92: {  	[smem:s4], [sflag:s15] =	dma.local [hbm:s2], $0x1  }
0x93: {  	_ =	swait.eq [sflag:s15], $0x1  }
0x94: {  	[sflag:s15] =	ssyncset.done $0x0  }
0x95: {  	[sflag:s15] =	ssyncadd.s32 $0xFFFFFFFF  }
0x96: {  	s16 =	sld [smem:$0x12];
	(tm) =	ssettm $0x1  }
0x97: {  	s17 =	sld [smem:$0x3FFB];
	_ =	sdelay $0x3  }
0x98: {  	_ =	strace s17  }
0x99: {  	s3 =	sld [smem:$0x3FFC];
	_ =	sdelay $0x3  }
0x9a: {  	_ =	strace s3  }
0x9b: {  	s3 =	sld [smem:$0x3FFD];
	_ =	sdelay $0x3  }
0x9c: {  	_ =	strace s3  }
0x9d: {  	_ =	strace $0x8FFFFFFF  }
0x9e: {  	s18 =	sld [smem:$0x3FDB];
	_ =	sdelay $0x1  }
0x9f: {  	s19 =	simm.s32 $_scs_section_size  }
0xa0: {  	s5 =	simm.s32 $_size__tile_overlayer_lowered;
	s6 =	simm.s32 $_tile_overlayer_lowered  }
0xa1: {  	s22 =	simm.s32 $0x1BFF;
	s21 =	sshll.u32 s6, $0x1;
	s3 =	sadd.s32 s19, s18  }
0xa2: {  	s7 =	simm.s32 $0x0;
	s20 =	sshll.u32 s5, $0x1;
	s5 =	sadd.s32 s21, s3  }
0xa3: {  	[timem:s7], [sflag:s22] =	dma.local [hbm:s5], s20  }
0xa4: {  	_ =	swait.ge [sflag:s22], s20  }
0xa5: {  	s4 =	ssub.s32 $0x0, s20;
	[sflag:s22] =	ssyncset.done $0x0  }
0xa6: {  	[sflag:s22] =	ssyncadd.s32 s4;
	_ =	sdelay $0x1  }
0xa7: {  	s23 =	simm.s32 $0x1B8B  }
0xa8: {  	_ =	swait.ge [sflag:s23], $0x1  }
0xa9: {  	[sflag:s23] =	ssyncset.done $0x0  }
0xaa: {  	s25 =	simm.s32 $0x1B8E;
	s24 =	sld [smem:$0x3FFE];
	[sflag:s23] =	ssyncadd.s32 $0xFFFFFFFF  }
0xab: {  	s26 =	simm.s32 $execute0_lowered;
	[smem:$0x3FD2] =	sst s25  }
0xac: {  	s5 =	sshll.u32 s26, $0x1;
	_ =	strace $0x80000046;
	[dreg:$0x1] =	wrdreg $0xFFFFFFFF  }
0xad: {  	s28 =	simm.s32 $_size_execute0_lowered;
	s3 =	sadd.s32 s3, s5;
	[dreg:$0x0] =	wrdreg $0x0  }
0xae: {  	s5 =	sshll.u32 s28, $0x1;
	[dreg:$0x2] =	wrdreg s3  }
0xaf: {  	[dreg:$0x3] =	wrdreg s5  }
0xb0: {  	[dreg:$0x4] =	wrdreg $0xC0  }
0xb1: {  	_ =	task [dreg:s7], $0x5FFFF  }
0xb2: {  	[dreg:$0x1] =	wrdreg $0xFFFFFFFF  }
0xb3: {  	[dreg:$0x0] =	wrdreg $0x60  }
0xb4: {  	[dreg:$0x2] =	wrdreg s24  }
0xb5: {  	[dreg:$0x3] =	wrdreg s16  }
0xb6: {  	[dreg:$0x4] =	wrdreg $0x2B000  }
0xb7: {  	[dreg:$0x5] =	wrdreg $0x9  }
0xb8: {  	_ =	task.clear_ibuf [dreg:s7], $0x6FFFF;
	_ =	strace $0x90000046  }
0xb9: {  	s29 =	simm.s32 $0x9;
	_ =	strace $0x80000048  }
0xba: {  	_ =	swait.ge [sflag:s29], $0x1  }
0xbb: {  	[sflag:s29] =	ssyncadd.s32 $0xFFFFFFFF  }
0xbc: {  	_ =	strace $0x90000048  }
0xbd: {  	_ =	sfence  }
0xbe: {  	s30 =	sld [smem:$0x0];
	_ =	sdelay $0x2  }
0xbf: {  	s31 =	sshll.u32 s1, $0xD;
	s1 =	sshrl.u32 s1, $0x2  }
0xc0: {  	s3 =	sand.u32 $0x4000, s31;
	s1 =	sadd.s32 s1, s30  }
0xc1: {  	s0 =	sor.u32 s3, s0;
	s1 =	sshll.u32 s1, $0x11  }
0xc2: {  	s0 =	sor.u32 s1, s0  }
0xc3: {  	s0 =	sadd.s32 $0x8F2B, s0  }
0xc4: {  	[sflag:s0] =	ssyncadd.remote.s32 $0x1  }
0xc5: {  	_ =	sfence.sel $0xFFFF  }
0xc6: {  	[dreg:$0x0] =	wrdreg $0xFFFFFFFF;
	(pc) =	sbr.abs _section_cstart, $3  }
0xc7: {  	[dreg:$0x1] =	wrdreg $0xFFFFFFFF  }
0xc8: {  	_ =	task.clear_ibuf [dreg:s7], $0x2FFFF;
	_ =	strace $0x9FFFFFFF  }
0xc9: {  	(tm) =	ssettm $0x7FFFFFFF  }
tec
execute0_lowered:
.L_overlay_start_1:
0x0: {  	(tag) =	ssettag $0x1  }
0x1: {  	s4 =	rddreg [dreg:$0x0]  }
0x2: {  	s6 =	rddreg [dreg:$0x1];
	s1 =	srdreg.scid  }
0x3: {  	s0 =	stileid.u32;
	s2 =	rddreg [dreg:$0x2];
	s3 =	simm.s32 $0x0  }
0x4: {  	s12 =	simm.s32 $0x1;
	s15 =	simm.s32 $0x20;
	s16 =	simm.s32 $0x10  }
0x5: {  	s17 =	simm.s32 $0x0;
	s5 =	sand.u32 $0x1, s1;
	s1 =	rddreg [dreg:$0x3]  }
0x6: {  	s7 =	sshll.u32 s0, $0x1;
	[smem:$0x7FF] =	sst s3;
	s9 =	smul.u32 $0x500, s0  }
0x7: {  	s11 =	smul.u32 $0xA00, s0;
	s13 =	sshll.u32 s0, $0x6;
	s7 =	sor.u32 s5, s7  }
0x8: {  	_ =	strace $0x80000047;
	s8 =	ssub.s32 $0x2, s5;
	s5 =	sshll.u32 s5, $0x7  }
0x9: {  	s13 =	sor.u32 $0x1C02, s13;
	s7 =	smul.u32 $0x2800, s7;
	s10 =	sshrl.u32 s8, $0x1  }
0xa: {  	s5 =	sor.u32 s5, s9;
	s31 =	sshrl.u32 s11, $0x2;
	s11 =	simm.s32 $0x2800  }
0xb: {  	s8 =	ssub.s32 s8, s10;
	s9 =	sshrl.u32 s5, $0x3;
	s5 =	sadd.s32 s31, s2  }
0xc: {  	s10 =	simm.s32 $0x7D;
	s7 =	sshrl.u32 s7, $0x3;
	s6 =	sadd.s32 s6, s9  }
0xd: {  	s9 =	simm.s32 $0x2880;
	s14 =	sshrl.u32 s5, $0x3;
	s4 =	sadd.s32 s4, s7  }
0xe: {  	v0 =	vimm.f32 $1.000000000e+00;
	v1 =	vimm.f32 $0.0e+00;
	s7 =	smax.u32 s8, $0x1;
	s8 =	simm.s32 $0x2;
	s4 =	sadd.s32 $0xCE00, s4  }
.LBB2_1:
0xf: {  	[tilespmem:s3], [sflag:$0x2] =	stream.linear.gather [hbm4b:s4+s3], $0x2800, $0x38;
	[tilespmem:$0x2D80] =	vst v63  }
0x10: {  	_ =	swait.ge [sflag:s8], $0x2800  }
0x11: {  	[sflag:s8] =	ssyncset.done $0x0  }
0x12: {  	[sflag:s8] =	ssyncadd.s32 $0xFFFFD800  }
0x13: {  	[tilespmem:$0x2800] =	vst v0  }
0x14: {  	[tilespmem:$0x2810] =	vst v0  }
0x15: {  	[tilespmem:$0x2820] =	vst v0  }
0x16: {  	[tilespmem:$0x2830] =	vst v0  }
0x17: {  	[tilespmem:$0x2840] =	vst v0  }
0x18: {  	[tilespmem:$0x2850] =	vst v0  }
0x19: {  	[tilespmem:$0x2860] =	vst v0  }
0x1a: {  	[tilespmem:$0x2880] =	vst v1  }
0x1b: {  	[tilespmem:$0x2890] =	vst v1  }
0x1c: {  	[tilespmem:$0x28A0] =	vst v1  }
0x1d: {  	[tilespmem:$0x28B0] =	vst v1  }
0x1e: {  	[tilespmem:$0x28C0] =	vst v1  }
0x1f: {  	[tilespmem:$0x28D0] =	vst v1  }
0x20: {  	[tilespmem:$0x28E0] =	vst v1  }
0x21: {  	[tilespmem:$0x28F0] =	vst v1  }
0x22: {  	[tilespmem:$0x2900] =	vst v1  }
0x23: {  	[tilespmem:$0x2910] =	vst v1  }
0x24: {  	[tilespmem:$0x2920] =	vst v1  }
0x25: {  	[tilespmem:$0x2930] =	vst v1  }
0x26: {  	[tilespmem:$0x2940] =	vst v1  }
0x27: {  	[tilespmem:$0x2950] =	vst v1  }
0x28: {  	[tilespmem:$0x2960] =	vst v1  }
0x29: {  	[tilespmem:$0x2970] =	vst v1  }
0x2a: {  	[tilespmem:$0x2980] =	vst v1  }
0x2b: {  	[tilespmem:$0x2990] =	vst v1  }
0x2c: {  	[tilespmem:$0x29A0] =	vst v1  }
0x2d: {  	[tilespmem:$0x29B0] =	vst v1  }
0x2e: {  	[tilespmem:$0x29C0] =	vst v1  }
0x2f: {  	[tilespmem:$0x29D0] =	vst v1  }
0x30: {  	[tilespmem:$0x29E0] =	vst v1  }
0x31: {  	[tilespmem:$0x29F0] =	vst v1  }
0x32: {  	[tilespmem:$0x2A00] =	vst v1  }
0x33: {  	[tilespmem:$0x2A10] =	vst v1  }
0x34: {  	[tilespmem:$0x2A20] =	vst v1  }
0x35: {  	[tilespmem:$0x2A30] =	vst v1  }
0x36: {  	[tilespmem:$0x2A40] =	vst v1  }
0x37: {  	[tilespmem:$0x2A50] =	vst v1  }
0x38: {  	[tilespmem:$0x2A60] =	vst v1  }
0x39: {  	[tilespmem:$0x2A70] =	vst v1  }
0x3a: {  	[tilespmem:$0x2A80] =	vst v1  }
0x3b: {  	[tilespmem:$0x2A90] =	vst v1  }
0x3c: {  	[tilespmem:$0x2AA0] =	vst v1  }
0x3d: {  	[tilespmem:$0x2AB0] =	vst v1  }
0x3e: {  	[tilespmem:$0x2AC0] =	vst v1  }
0x3f: {  	[tilespmem:$0x2AD0] =	vst v1  }
0x40: {  	[tilespmem:$0x2AE0] =	vst v1  }
0x41: {  	[tilespmem:$0x2AF0] =	vst v1  }
0x42: {  	[tilespmem:$0x286D] =	vst v0  }
0x43: {  	[spmem:s5] =	stream.linear.scatter [tilespmem:s9], [sflag:$0x2], $0x280, $0x38;
	[tilespmem:$0x2D80] =	vst v63  }
0x44: {  	_ =	swait.ge [sflag:s8], $0x280  }
0x45: {  	[sflag:s8] =	ssyncset.done $0x0  }
0x46: {  	[sflag:s8] =	ssyncadd.s32 $0xFFFFFD80  }
0x47: {  	s18 =	simm.s32 $0x0;
	[bflag:$0x0] =	sbarrier.arrive $0xFFFF  }
.LBB2_2:
0x48: {  	p0 =	sne.s32 s18, $0x9E00  }
.Ltmp0:
0x49: {  	_ = 	snop;
	(pc) =	sbr.rel @p0 .LBB2_2-.Ltmp0, $3  }
0x4a: {  	_ =	sdelay $0x1  }
0x4b: {  	s19 =	sshra.s32 s18, $0x2;
	s18 =	sadd.s32 $0x200, s18  }
0x4c: {  	[spmem:s2] =	stream.indirect.scatter.add.f32 [tilespmem:s11], [sflag:$0x1], $0x1, s19, s10, $0xb8;
	[tilespmem:$0x2D80] =	vst v63  }
0x4d: {  	_ =	swait.ge [sflag:s12], $0x7D  }
0x4e: {  	s18 =	simm.s32 $0x4F;
	[sflag:s12] =	ssyncset.done $0x0  }
.LBB2_4:
0x4f: {  	p0 =	sne.s32 s18, $0x1;
	s18 =	sadd.s32 $0xFFFFFFFF, s18;
	[sflag:s12] =	ssyncadd.s32 $0xFFFFFF83  }
.Ltmp1:
0x50: {  	(pc) =	sbr.rel @p0 .LBB2_4-.Ltmp1, $3  }
0x51: {  	_ =	sdelay $0x1  }
0x52: {  	_ =	swait.ge [sflag:s12], $0x7D  }
0x53: {  	[sflag:s12] =	ssyncset.done $0x0  }
0x54: {  	s17 =	sadd.s32 $0x1, s17  }
0x55: {  	[sflag:s12] =	ssyncadd.s32 $0xFFFFFF83;
	p0 =	sne.s32 s17, s7  }
.Ltmp2:
0x56: {  	[bflag:$0x0] =	sbarrier.arrive $0xFFFF;
	(pc) =	sbr.rel @p0 .LBB2_1-.Ltmp2, $4  }
0x57: {  	[hbm:s6@s15], [sflag:s13] =	dma.strided [spmem:s14@s16], $0x50, s12, $0x10   }
0x58: {  	_ =	swait.ge [sflag:s8], $0x50  }
0x59: {  	[sflag:s8] =	ssyncset.done $0x0  }
0x5a: {  	[sflag:s8] =	ssyncadd.s32 $0xFFFFFFB0  }
0x5b: {  	_ =	sfence.sel $0x180000  }
0x5c: {  	[bflag:$0x0] =	sbarrier.arrive $0xFFFF  }
0x5d: {  	p0 =	sne.s32 s0, $0x0;
	_ =	strace $0x90000047  }
0x5e: {  	s0 =	sadd.s32 @!p0 $0x100000, s1;
	[bflag:$0x2] =	sbarrier.arrive $0xFFFF  }
0x5f: {  	[sflag:s0] =	ssyncadd.tile.s32 @!p0 $0x1;
	_ =	shalt  }
.Lfunc_end2:
_tile_overlayer_lowered:
.L_overlay_start_2:
0x60: {  	(tag) =	ssettag $0x2  }
0x61: {  	s0 =	rddreg [dreg:$0x0];
	s2 =	stileid.u32  }
0x62: {  	s1 =	rddreg [dreg:$0x1];
	p0 =	sne.s32 s2, $0x0  }
0x63: {  	s3 =	rddreg [dreg:$0x2];
	[bflag:$0x3] =	sbarrier.arrive $0xFFFF;
	s2 =	simm.s32 @!p0 $0x1C02  }
0x64: {  	[timem:s3], [sflag:s2] =	dma.local @!p0 [hbm:s0], s1  }
0x65: {  	s0 =	simm.s32 @!p0 $0x2  }
0x66: {  	_ =	swait.ge @!p0 [sflag:s0], s1  }
0x67: {  	s1 =	ssub.s32 @!p0 $0x0, s1;
	[sflag:s0] =	ssyncset.done @!p0 $0x0  }
0x68: {  	[sflag:s0] =	ssyncadd.s32 @!p0 s1  }
0x69: {  	[bflag:$0x3] =	sbarrier.arrive $0xFFFF  }
0x6a: {  	_ =	shalt  }

</sc_bundles>
